<compile_context>
chip_gen: v7x
topology: tpu7x:2x2x1
jax: 0.10.2.dev20260603
libtpu: 0.0.44.dev20260713+nightly
codegen_flags: <defaults>
</compile_context>

<pallas_src>
import functools

import jax
import jax.numpy as jnp
from jax import lax
from jax.experimental import pallas as pl
from jax.experimental.pallas import tpu as pltpu
from jax.experimental.pallas import tpu_sc as plsc

N = 10000
D = 128
E = 320000
G = 200

C = 56
SC_TILES = 16
RING = 6
GLA = 4
NCH = 360
NGRP = NCH // RING
PER_TILE = NCH * C
EP = PER_TILE * SC_TILES
NP = 10112
ZROWS = NP // SC_TILES


def _sc_aggregate(x1, e1, x2, e2, zeros_np):
    mesh = plsc.VectorSubcoreMesh(core_axis_name="c", subcore_axis_name="s")

    @functools.partial(
        pl.kernel,
        mesh=mesh,
        out_type=jax.ShapeDtypeStruct((2, NP, D), jnp.float32),
        scratch_types=[
            pltpu.VMEM_SHARED((NP, D), jnp.float32),
            pltpu.VMEM((RING, 2, C), jnp.int32),
            pltpu.VMEM((RING * C, D), jnp.float32),
            pltpu.SemaphoreType.DMA,
            pltpu.SemaphoreType.DMA,
            pltpu.SemaphoreType.DMA,
            pltpu.SemaphoreType.DMA,
            pltpu.SemaphoreType.DMA,
            pltpu.SemaphoreType.DMA,
            pltpu.SemaphoreType.DMA,
            pltpu.SemaphoreType.DMA,
            pltpu.SemaphoreType.DMA,
            pltpu.SemaphoreType.DMA,
            pltpu.SemaphoreType.DMA,
            pltpu.SemaphoreType.DMA,
            pltpu.SemaphoreType.DMA,
        ],
    )
    def k(x1_h, e1_h, x2_h, e2_h, z_h, out_h,
          agg_sh, idx, rows,
          g0, g1, g2, g3, g4, g5, i0, i1, i2, i3, i4, i5, ssem):
        c = lax.axis_index("c")
        s = lax.axis_index("s")
        gsems = (g0, g1, g2, g3, g4, g5)[:RING]
        isems = (i0, i1, i2, i3, i4, i5)[:RING]

        pltpu.sync_copy(z_h.at[pl.ds(s * ZROWS, ZROWS)],
                        agg_sh.at[pl.ds(s * ZROWS, ZROWS)])
        plsc.subcore_barrier()

        def run(x_h, e_h):
            def fire_idx(j, sl):
                pltpu.async_copy(e_h.at[s, j], idx.at[sl], isems[sl])

            def drain_idx(sl):
                pltpu.make_async_copy(e_h.at[s, 0], idx.at[sl],
                                      isems[sl]).wait()

            def fire_gather(sl):
                pltpu.async_copy(x_h.at[idx.at[sl, 0]],
                                 rows.at[pl.ds(sl * C, C)], gsems[sl])

            def drain_rows(sl, sem):
                pltpu.make_async_copy(x_h.at[pl.ds(0, C)],
                                      rows.at[pl.ds(sl * C, C)], sem).wait()

            for j in range(RING):
                fire_idx(j, j)
            for sl in range(GLA):
                drain_idx(sl)
                fire_gather(sl)

            def body(jg, carry):
                for k in range(RING):
                    j = jg * RING + k
                    drain_rows(k, gsems[k])
                    pltpu.async_copy(rows.at[pl.ds(k * C, C)],
                                     agg_sh.at[idx.at[k, 1]], ssem,
                                     add=True)

                    kp = (k - 1) % RING

                    def after_prev(j=j, kp=kp):
                        drain_rows(kp, ssem)

                        @pl.when(j - 1 + RING < NCH)
                        def _():
                            fire_idx(j - 1 + RING, kp)

                    if k == 0:
                        pl.when(jg > 0)(after_prev)
                    else:
                        after_prev()

                    @pl.when(j + GLA < NCH)
                    def _():
                        sl2 = (k + GLA) % RING
                        drain_idx(sl2)
                        fire_gather(sl2)
                return carry
            lax.fori_loop(0, NGRP, body, 0)
            drain_rows(0, ssem)

        @pl.when(c == 0)
        def _():
            run(x1_h, e1_h)

        @pl.when(c == 1)
        def _():
            run(x2_h, e2_h)

        plsc.subcore_barrier()
        pltpu.sync_copy(agg_sh.at[pl.ds(s * ZROWS, ZROWS)],
                        out_h.at[c, pl.ds(s * ZROWS, ZROWS)])

    return k(x1, e1, x2, e2, zeros_np)


BN = 2000
NB = N // BN


def _tc_head(agg, x1, x2, Wg1, bg1, Wr1, br1, W11, b11,
             Wg2, bg2, Wr2, br2, W12, b12,
             W2a, b2a, W2b, b2b, Wp, bp):
    def body(agg_ref, x1_ref, x2_ref,
             wg1, bg1r, wr1, br1r, w11, b11r,
             wg2, bg2r, wr2, br2r, w12, b12r,
             w2a, b2ar, w2b, b2br, wp, bpr,
             out_ref, s1_acc, s2_acc):
        j = pl.program_id(0)

        @pl.when(j == 0)
        def _():
            s1_acc[...] = jnp.zeros_like(s1_acc)
            s2_acc[...] = jnp.zeros_like(s2_acc)

        def graph_block(a, xb, w, b, wr, br, w1, b1):
            h = jnp.maximum(
                jnp.dot(a, w, preferred_element_type=jnp.float32) + b, 0.0)
            r = jnp.maximum(
                jnp.dot(xb, wr, preferred_element_type=jnp.float32) + br, 0.0)
            t = jnp.maximum(
                jnp.dot(h + r, w1, preferred_element_type=jnp.float32) + b1,
                0.0)
            p = jnp.sum(t.reshape(BN // 8, 8, D), axis=1)
            p = jnp.sum(p.reshape(BN // 80, 10, D), axis=1)
            return jnp.sum(p, axis=0, keepdims=True)

        s1_acc[...] += graph_block(agg_ref[0], x1_ref[...], wg1[...],
                                   bg1r[...], wr1[...], br1r[...],
                                   w11[...], b11r[...])
        s2_acc[...] += graph_block(agg_ref[1], x2_ref[...], wg2[...],
                                   bg2r[...], wr2[...], br2r[...],
                                   w12[...], b12r[...])

        @pl.when(j == NB - 1)
        def _():
            g_vec = (jnp.dot(s1_acc[...], w2a[...],
                             preferred_element_type=jnp.float32)
                     + jnp.dot(s2_acc[...], w2b[...],
                               preferred_element_type=jnp.float32)
                     + N * (b2ar[...] + b2br[...]))
            out_ref[...] = (jnp.dot(g_vec, wp[...],
                                    preferred_element_type=jnp.float32)
                            + bpr[...])

    full = lambda *shape: pl.BlockSpec(shape, lambda j: (0,) * len(shape))
    return pl.pallas_call(
        body,
        grid=(NB,),
        in_specs=[
            pl.BlockSpec((2, BN, D), lambda j: (0, j, 0)),
            pl.BlockSpec((BN, D), lambda j: (j, 0)),
            pl.BlockSpec((BN, D), lambda j: (j, 0)),
            full(D, D), full(1, D), full(D, D), full(1, D),
            full(D, D), full(1, D),
            full(D, D), full(1, D), full(D, D), full(1, D),
            full(D, D), full(1, D),
            full(D, G), full(1, G), full(D, G), full(1, G),
            full(G, 1), full(1, 1),
        ],
        out_specs=pl.BlockSpec((1, 1), lambda j: (0, 0)),
        out_shape=jax.ShapeDtypeStruct((1, 1), jnp.float32),
        scratch_shapes=[pltpu.VMEM((1, D), jnp.float32),
                        pltpu.VMEM((1, D), jnp.float32)],
    )(agg, x1, x2, Wg1, bg1, Wr1, br1, W11, b11,
      Wg2, bg2, Wr2, br2, W12, b12, W2a, b2a, W2b, b2b, Wp, bp)


def kernel(node_feats_1, edge_index_1, edge_feats_1,
           node_feats_2, edge_index_2, edge_feats_2,
           W_g1, b_g1, Wr_g1, br_g1, W1_r1, b1_r1, W2_r1, b2_r1,
           W_g2, b_g2, Wr_g2, br_g2, W1_r2, b1_r2, W2_r2, b2_r2,
           Wp, bp):
    pad = EP - E

    def prep(ei):
        src = jnp.concatenate(
            [ei[0], jnp.zeros((pad,), jnp.int32)]).reshape(SC_TILES, NCH, C)
        dst = jnp.concatenate(
            [ei[1], jnp.full((pad,), N, jnp.int32)]).reshape(SC_TILES, NCH, C)
        return jnp.stack([src, dst], axis=2)

    e1 = prep(edge_index_1)
    e2 = prep(edge_index_2)
    zeros_np = jnp.zeros((NP, D), jnp.float32)

    agg = _sc_aggregate(node_feats_1, e1, node_feats_2, e2, zeros_np)

    out = _tc_head(agg, node_feats_1, node_feats_2,
                   W_g1, b_g1.reshape(1, D), Wr_g1, br_g1.reshape(1, D),
                   W1_r1, b1_r1.reshape(1, D),
                   W_g2, b_g2.reshape(1, D), Wr_g2, br_g2.reshape(1, D),
                   W1_r2, b1_r2.reshape(1, D),
                   W2_r1, b2_r1.reshape(1, G), W2_r2, b2_r2.reshape(1, G),
                   Wp, bp.reshape(1, 1))
    return out.reshape(-1)

# --- scband reference (transcript-rebuilt; emitter-appended) ---
"""Pipeline reference for scband-mul-gcn-45518063403266 (READ-ONLY COPY).

The authoritative reference and input builder live on the scoring server;
editing this copy changes nothing except your own understanding.
"""

import jax, jax.numpy as jnp
import numpy as np

N = 10000
E = 320000
D = 128
DE = 16
G = 200


def _gcn_layer(x, edge_index, W, b, Wr, br):
    # DGL GraphConv(norm='none'), in_feats == out_feats -> aggregate then weight
    src = edge_index[0]
    dst = edge_index[1]
    agg = jax.ops.segment_sum(jnp.take(x, src, axis=0), dst, num_segments=N)
    h = jax.nn.relu(agg @ W + b)
    # residual connection: relu(Linear(x))
    res = jax.nn.relu(x @ Wr + br)
    return h + res


def _readout(x, W1, b1, W2, b2):
    h = jax.nn.relu(x @ W1 + b1)
    h = h @ W2 + b2
    # sum_nodes over a single graph -> [1, G]
    return jnp.sum(h, axis=0, keepdims=True)


def setup_inputs(seed: int = 0) -> dict:
    key = jax.random.key(seed)
    ks = jax.random.split(key, 32)
    inp = {}
    inp['node_feats_1'] = jax.random.normal(ks[0], (N, D), dtype=jnp.float32)
    inp['edge_index_1'] = jax.random.randint(ks[1], (2, E), 0, N, dtype=jnp.int32)
    inp['edge_feats_1'] = jax.random.normal(ks[2], (E, DE), dtype=jnp.float32)
    inp['node_feats_2'] = jax.random.normal(ks[3], (N, D), dtype=jnp.float32)
    inp['edge_index_2'] = jax.random.randint(ks[4], (2, E), 0, N, dtype=jnp.int32)
    inp['edge_feats_2'] = jax.random.normal(ks[5], (E, DE), dtype=jnp.float32)
    s = 0.05
    # gnn_1_1 params
    inp['W_g1'] = jax.random.normal(ks[6], (D, D), dtype=jnp.float32) * s
    inp['b_g1'] = jnp.zeros((D,), dtype=jnp.float32)
    inp['Wr_g1'] = jax.random.normal(ks[7], (D, D), dtype=jnp.float32) * s
    inp['br_g1'] = jnp.zeros((D,), dtype=jnp.float32)
    # readout_1 params
    inp['W1_r1'] = jax.random.normal(ks[8], (D, D), dtype=jnp.float32) * s
    inp['b1_r1'] = jnp.zeros((D,), dtype=jnp.float32)
    inp['W2_r1'] = jax.random.normal(ks[9], (D, G), dtype=jnp.float32) * s
    inp['b2_r1'] = jnp.zeros((G,), dtype=jnp.float32)
    # gnn_2_1 params
    inp['W_g2'] = jax.random.normal(ks[10], (D, D), dtype=jnp.float32) * s
    inp['b_g2'] = jnp.zeros((D,), dtype=jnp.float32)
    inp['Wr_g2'] = jax.random.normal(ks[11], (D, D), dtype=jnp.float32) * s
    inp['br_g2'] = jnp.zeros((D,), dtype=jnp.float32)
    # readout_2 params
    inp['W1_r2'] = jax.random.normal(ks[12], (D, D), dtype=jnp.float32) * s
    inp['b1_r2'] = jnp.zeros((D,), dtype=jnp.float32)
    inp['W2_r2'] = jax.random.normal(ks[13], (D, G), dtype=jnp.float32) * s
    inp['b2_r2'] = jnp.zeros((G,), dtype=jnp.float32)
    # predict head
    inp['Wp'] = jax.random.normal(ks[14], (G, 1), dtype=jnp.float32) * s
    inp['bp'] = jnp.zeros((1,), dtype=jnp.float32)
    return inp


def reference(node_feats_1, edge_index_1, edge_feats_1, node_feats_2, edge_index_2, edge_feats_2,
              W_g1, b_g1, Wr_g1, br_g1, W1_r1, b1_r1, W2_r1, b2_r1,
              W_g2, b_g2, Wr_g2, br_g2, W1_r2, b1_r2, W2_r2, b2_r2,
              Wp, bp):
    # edge_feats are accepted by the original forward but unused
    h1 = _gcn_layer(node_feats_1, edge_index_1, W_g1, b_g1, Wr_g1, br_g1)
    g1 = _readout(h1, W1_r1, b1_r1, W2_r1, b2_r1)
    h2 = _gcn_layer(node_feats_2, edge_index_2, W_g2, b_g2, Wr_g2, br_g2)
    g2 = _readout(h2, W1_r2, b1_r2, W2_r2, b2_r2)
    g = g1 + g2
    out = g @ Wp + bp
    return out.reshape(-1)

if __name__ == "__main__":
    import jax
    _d = setup_inputs()
    print(jax.jit(kernel)(*tuple(_d.values())))

</pallas_src>

<mosaic_0001>
#map = affine_map<(d0, d1) -> (0, 0)>
#map1 = affine_map<(d0, d1) -> (0, 0, 0, 0)>
#map2 = affine_map<(d0, d1) -> (0, 0, 0)>
module attributes {stable_mosaic.version = 14 : i64} {
  func.func @k(%arg0: i32, %arg1: i32, %arg2: memref<10000x128xf32, #tpu.memory_space<hbm>>, %arg3: memref<16x360x2x56xi32, #tpu.memory_space<hbm>>, %arg4: memref<10000x128xf32, #tpu.memory_space<hbm>>, %arg5: memref<16x360x2x56xi32, #tpu.memory_space<hbm>>, %arg6: memref<10112x128xf32, #tpu.memory_space<hbm>>, %arg7: memref<2x10112x128xf32, #tpu.memory_space<hbm>>, %arg8: memref<10112x128xf32, #tpu.memory_space<vmem_shared>>, %arg9: memref<6x2x56xi32, #tpu.memory_space<vmem>>, %arg10: memref<336x128xf32, #tpu.memory_space<vmem>>, %arg11: memref<!tpu.dma_semaphore, #tpu.memory_space<semaphore_mem>>, %arg12: memref<!tpu.dma_semaphore, #tpu.memory_space<semaphore_mem>>, %arg13: memref<!tpu.dma_semaphore, #tpu.memory_space<semaphore_mem>>, %arg14: memref<!tpu.dma_semaphore, #tpu.memory_space<semaphore_mem>>, %arg15: memref<!tpu.dma_semaphore, #tpu.memory_space<semaphore_mem>>, %arg16: memref<!tpu.dma_semaphore, #tpu.memory_space<semaphore_mem>>, %arg17: memref<!tpu.dma_semaphore, #tpu.memory_space<semaphore_mem>>, %arg18: memref<!tpu.dma_semaphore, #tpu.memory_space<semaphore_mem>>, %arg19: memref<!tpu.dma_semaphore, #tpu.memory_space<semaphore_mem>>, %arg20: memref<!tpu.dma_semaphore, #tpu.memory_space<semaphore_mem>>, %arg21: memref<!tpu.dma_semaphore, #tpu.memory_space<semaphore_mem>>, %arg22: memref<!tpu.dma_semaphore, #tpu.memory_space<semaphore_mem>>, %arg23: memref<!tpu.dma_semaphore, #tpu.memory_space<semaphore_mem>>) attributes {dimension_semantics = [#tpu.dimension_semantics<core_parallel>, #tpu.dimension_semantics<subcore_parallel>], iteration_bounds = array<i64: 2, 16>, scalar_prefetch = 0 : i64, scratch_operands = 16 : i64, tpu.core_type = #tpu.core_type<sc_vector_subcore>, window_params = [{transform_indices = #map}, {transform_indices = #map1}, {transform_indices = #map}, {transform_indices = #map1}, {transform_indices = #map}, {transform_indices = #map2}]} {
    %mul3A = arith.constant 632 : i32
    %mul3A_0 = arith.muli %arg1, %mul3A : i32
    %mul3A_1 = arith.constant 632 : i32
    %mul3A_2 = arith.muli %arg1, %mul3A_1 : i32
    "tpu.region"() ({
      %run_scoped3A = tpu.sem_alloc : memref<!tpu.dma_semaphore, #tpu.memory_space<semaphore_mem>>
      %dma_start3A = arith.constant 0 : i32
      %dma_start3A_15 = tpu.memref_slice %arg8[%mul3A_2, %dma_start3A] : memref<10112x128xf32, #tpu.memory_space<vmem_shared>> -> memref<632x128xf32, #tpu.memory_space<vmem_shared>>
      %dma_start3A_16 = arith.constant 0 : i32
      %dma_start3A_17 = tpu.memref_slice %arg6[%mul3A_0, %dma_start3A_16] : memref<10112x128xf32, #tpu.memory_space<hbm>> -> memref<632x128xf32, #tpu.memory_space<hbm>>
      tpu.enqueue_dma source(%dma_start3A_17 : memref<632x128xf32, #tpu.memory_space<hbm>>) target(%dma_start3A_15 : memref<632x128xf32, #tpu.memory_space<vmem_shared>>) target_semaphore(%run_scoped3A : memref<!tpu.dma_semaphore, #tpu.memory_space<semaphore_mem>>)
      %dma_wait3A = arith.constant 0 : i32
      %dma_wait3A_18 = tpu.memref_slice %arg8[%mul3A_2, %dma_wait3A] : memref<10112x128xf32, #tpu.memory_space<vmem_shared>> -> memref<632x128xf32, #tpu.memory_space<vmem_shared>>
      %dma_wait3A_19 = arith.constant 0 : i32
      %dma_wait3A_20 = tpu.memref_slice %arg6[%mul3A_0, %dma_wait3A_19] : memref<10112x128xf32, #tpu.memory_space<hbm>> -> memref<632x128xf32, #tpu.memory_space<hbm>>
      tpu.wait_dma2 semaphore(%run_scoped3A : memref<!tpu.dma_semaphore, #tpu.memory_space<semaphore_mem>>) src(%dma_wait3A_20 : memref<632x128xf32, #tpu.memory_space<hbm>>) dst(%dma_wait3A_18 : memref<632x128xf32, #tpu.memory_space<vmem_shared>>)
      tpu.yield
    }) : () -> ()
    %barrier3A = arith.constant 0 : index
    tpu.barrier barrier_id(%barrier3A)
    %eq3A = arith.constant 0 : i32
    %eq3A_3 = arith.cmpi eq, %arg0, %eq3A : i32
    %convert_element_type3A = arith.extui %eq3A_3 : i1 to i32
    %cond3A = arith.constant 0 : i32
    %cond3A_4 = arith.cmpi ne, %convert_element_type3A, %cond3A : i32
    scf.if %cond3A_4 {
      %dma_start3A = arith.constant 0 : i32
      %dma_start3A_15 = arith.constant 0 : i32
      %dma_start3A_16 = arith.constant 0 : i32
      %dma_start3A_17 = arith.constant 0 : i32
      %dma_start3A_18 = tpu.memref_slice %arg9[%dma_start3A_15, %dma_start3A_16, %dma_start3A_17] : memref<6x2x56xi32, #tpu.memory_space<vmem>> -> memref<1x2x56xi32, #tpu.memory_space<vmem>>
      %dma_start3A_19 = tpu.memref_squeeze %dma_start3A_18 : memref<1x2x56xi32, #tpu.memory_space<vmem>> -> memref<2x56xi32, #tpu.memory_space<vmem>>
      %dma_start3A_20 = arith.constant 0 : i32
      %dma_start3A_21 = arith.constant 0 : i32
      %dma_start3A_22 = tpu.memref_slice %arg3[%arg1, %dma_start3A, %dma_start3A_20, %dma_start3A_21] : memref<16x360x2x56xi32, #tpu.memory_space<hbm>> -> memref<1x1x2x56xi32, #tpu.memory_space<hbm>>
      %dma_start3A_23 = tpu.memref_squeeze %dma_start3A_22 : memref<1x1x2x56xi32, #tpu.memory_space<hbm>> -> memref<2x56xi32, #tpu.memory_space<hbm>>
      %dma_start3A_24 = arith.constant 0 : i32
      %dma_start3A_25 = arith.constant 0 : i32
      %dma_start3A_26 = tpu.memref_slice %arg9[%dma_start3A_15, %dma_start3A_24, %dma_start3A_25] : memref<6x2x56xi32, #tpu.memory_space<vmem>> -> memref<1x2x56xi32, #tpu.memory_space<vmem>>
      %dma_start3A_27 = tpu.memref_squeeze %dma_start3A_26 : memref<1x2x56xi32, #tpu.memory_space<vmem>> -> memref<2x56xi32, #tpu.memory_space<vmem>>
      %dma_start3A_28 = arith.constant 0 : i32
      %dma_start3A_29 = arith.constant 0 : i32
      %dma_start3A_30 = tpu.memref_slice %arg3[%arg1, %dma_start3A, %dma_start3A_28, %dma_start3A_29] : memref<16x360x2x56xi32, #tpu.memory_space<hbm>> -> memref<1x1x2x56xi32, #tpu.memory_space<hbm>>
      %dma_start3A_31 = tpu.memref_squeeze %dma_start3A_30 : memref<1x1x2x56xi32, #tpu.memory_space<hbm>> -> memref<2x56xi32, #tpu.memory_space<hbm>>
      tpu.enqueue_dma source(%dma_start3A_31 : memref<2x56xi32, #tpu.memory_space<hbm>>) target(%dma_start3A_27 : memref<2x56xi32, #tpu.memory_space<vmem>>) target_semaphore(%arg17 : memref<!tpu.dma_semaphore, #tpu.memory_space<semaphore_mem>>)
      %dma_start3A_32 = arith.constant 1 : i32
      %dma_start3A_33 = arith.constant 1 : i32
      %dma_start3A_34 = arith.constant 0 : i32
      %dma_start3A_35 = arith.constant 0 : i32
      %dma_start3A_36 = tpu.memref_slice %arg9[%dma_start3A_33, %dma_start3A_34, %dma_start3A_35] : memref<6x2x56xi32, #tpu.memory_space<vmem>> -> memref<1x2x56xi32, #tpu.memory_space<vmem>>
      %dma_start3A_37 = tpu.memref_squeeze %dma_start3A_36 : memref<1x2x56xi32, #tpu.memory_space<vmem>> -> memref<2x56xi32, #tpu.memory_space<vmem>>
      %dma_start3A_38 = arith.constant 0 : i32
      %dma_start3A_39 = arith.constant 0 : i32
      %dma_start3A_40 = tpu.memref_slice %arg3[%arg1, %dma_start3A_32, %dma_start3A_38, %dma_start3A_39] : memref<16x360x2x56xi32, #tpu.memory_space<hbm>> -> memref<1x1x2x56xi32, #tpu.memory_space<hbm>>
      %dma_start3A_41 = tpu.memref_squeeze %dma_start3A_40 : memref<1x1x2x56xi32, #tpu.memory_space<hbm>> -> memref<2x56xi32, #tpu.memory_space<hbm>>
      %dma_start3A_42 = arith.constant 0 : i32
      %dma_start3A_43 = arith.constant 0 : i32
      %dma_start3A_44 = tpu.memref_slice %arg9[%dma_start3A_33, %dma_start3A_42, %dma_start3A_43] : memref<6x2x56xi32, #tpu.memory_space<vmem>> -> memref<1x2x56xi32, #tpu.memory_space<vmem>>
      %dma_start3A_45 = tpu.memref_squeeze %dma_start3A_44 : memref<1x2x56xi32, #tpu.memory_space<vmem>> -> memref<2x56xi32, #tpu.memory_space<vmem>>
      %dma_start3A_46 = arith.constant 0 : i32
      %dma_start3A_47 = arith.constant 0 : i32
      %dma_start3A_48 = tpu.memref_slice %arg3[%arg1, %dma_start3A_32, %dma_start3A_46, %dma_start3A_47] : memref<16x360x2x56xi32, #tpu.memory_space<hbm>> -> memref<1x1x2x56xi32, #tpu.memory_space<hbm>>
      %dma_start3A_49 = tpu.memref_squeeze %dma_start3A_48 : memref<1x1x2x56xi32, #tpu.memory_space<hbm>> -> memref<2x56xi32, #tpu.memory_space<hbm>>
      tpu.enqueue_dma source(%dma_start3A_49 : memref<2x56xi32, #tpu.memory_space<hbm>>) target(%dma_start3A_45 : memref<2x56xi32, #tpu.memory_space<vmem>>) target_semaphore(%arg18 : memref<!tpu.dma_semaphore, #tpu.memory_space<semaphore_mem>>)
      %dma_start3A_50 = arith.constant 2 : i32
      %dma_start3A_51 = arith.constant 2 : i32
      %dma_start3A_52 = arith.constant 0 : i32
      %dma_start3A_53 = arith.constant 0 : i32
      %dma_start3A_54 = tpu.memref_slice %arg9[%dma_start3A_51, %dma_start3A_52, %dma_start3A_53] : memref<6x2x56xi32, #tpu.memory_space<vmem>> -> memref<1x2x56xi32, #tpu.memory_space<vmem>>
      %dma_start3A_55 = tpu.memref_squeeze %dma_start3A_54 : memref<1x2x56xi32, #tpu.memory_space<vmem>> -> memref<2x56xi32, #tpu.memory_space<vmem>>
      %dma_start3A_56 = arith.constant 0 : i32
      %dma_start3A_57 = arith.constant 0 : i32
      %dma_start3A_58 = tpu.memref_slice %arg3[%arg1, %dma_start3A_50, %dma_start3A_56, %dma_start3A_57] : memref<16x360x2x56xi32, #tpu.memory_space<hbm>> -> memref<1x1x2x56xi32, #tpu.memory_space<hbm>>
      %dma_start3A_59 = tpu.memref_squeeze %dma_start3A_58 : memref<1x1x2x56xi32, #tpu.memory_space<hbm>> -> memref<2x56xi32, #tpu.memory_space<hbm>>
      %dma_start3A_60 = arith.constant 0 : i32
      %dma_start3A_61 = arith.constant 0 : i32
      %dma_start3A_62 = tpu.memref_slice %arg9[%dma_start3A_51, %dma_start3A_60, %dma_start3A_61] : memref<6x2x56xi32, #tpu.memory_space<vmem>> -> memref<1x2x56xi32, #tpu.memory_space<vmem>>
      %dma_start3A_63 = tpu.memref_squeeze %dma_start3A_62 : memref<1x2x56xi32, #tpu.memory_space<vmem>> -> memref<2x56xi32, #tpu.memory_space<vmem>>
      %dma_start3A_64 = arith.constant 0 : i32
      %dma_start3A_65 = arith.constant 0 : i32
      %dma_start3A_66 = tpu.memref_slice %arg3[%arg1, %dma_start3A_50, %dma_start3A_64, %dma_start3A_65] : memref<16x360x2x56xi32, #tpu.memory_space<hbm>> -> memref<1x1x2x56xi32, #tpu.memory_space<hbm>>
      %dma_start3A_67 = tpu.memref_squeeze %dma_start3A_66 : memref<1x1x2x56xi32, #tpu.memory_space<hbm>> -> memref<2x56xi32, #tpu.memory_space<hbm>>
      tpu.enqueue_dma source(%dma_start3A_67 : memref<2x56xi32, #tpu.memory_space<hbm>>) target(%dma_start3A_63 : memref<2x56xi32, #tpu.memory_space<vmem>>) target_semaphore(%arg19 : memref<!tpu.dma_semaphore, #tpu.memory_space<semaphore_mem>>)
      %dma_start3A_68 = arith.constant 3 : i32
      %dma_start3A_69 = arith.constant 3 : i32
      %dma_start3A_70 = arith.constant 0 : i32
      %dma_start3A_71 = arith.constant 0 : i32
      %dma_start3A_72 = tpu.memref_slice %arg9[%dma_start3A_69, %dma_start3A_70, %dma_start3A_71] : memref<6x2x56xi32, #tpu.memory_space<vmem>> -> memref<1x2x56xi32, #tpu.memory_space<vmem>>
      %dma_start3A_73 = tpu.memref_squeeze %dma_start3A_72 : memref<1x2x56xi32, #tpu.memory_space<vmem>> -> memref<2x56xi32, #tpu.memory_space<vmem>>
      %dma_start3A_74 = arith.constant 0 : i32
      %dma_start3A_75 = arith.constant 0 : i32
      %dma_start3A_76 = tpu.memref_slice %arg3[%arg1, %dma_start3A_68, %dma_start3A_74, %dma_start3A_75] : memref<16x360x2x56xi32, #tpu.memory_space<hbm>> -> memref<1x1x2x56xi32, #tpu.memory_space<hbm>>
      %dma_start3A_77 = tpu.memref_squeeze %dma_start3A_76 : memref<1x1x2x56xi32, #tpu.memory_space<hbm>> -> memref<2x56xi32, #tpu.memory_space<hbm>>
      %dma_start3A_78 = arith.constant 0 : i32
      %dma_start3A_79 = arith.constant 0 : i32
      %dma_start3A_80 = tpu.memref_slice %arg9[%dma_start3A_69, %dma_start3A_78, %dma_start3A_79] : memref<6x2x56xi32, #tpu.memory_space<vmem>> -> memref<1x2x56xi32, #tpu.memory_space<vmem>>
      %dma_start3A_81 = tpu.memref_squeeze %dma_start3A_80 : memref<1x2x56xi32, #tpu.memory_space<vmem>> -> memref<2x56xi32, #tpu.memory_space<vmem>>
      %dma_start3A_82 = arith.constant 0 : i32
      %dma_start3A_83 = arith.constant 0 : i32
      %dma_start3A_84 = tpu.memref_slice %arg3[%arg1, %dma_start3A_68, %dma_start3A_82, %dma_start3A_83] : memref<16x360x2x56xi32, #tpu.memory_space<hbm>> -> memref<1x1x2x56xi32, #tpu.memory_space<hbm>>
      %dma_start3A_85 = tpu.memref_squeeze %dma_start3A_84 : memref<1x1x2x56xi32, #tpu.memory_space<hbm>> -> memref<2x56xi32, #tpu.memory_space<hbm>>
      tpu.enqueue_dma source(%dma_start3A_85 : memref<2x56xi32, #tpu.memory_space<hbm>>) target(%dma_start3A_81 : memref<2x56xi32, #tpu.memory_space<vmem>>) target_semaphore(%arg20 : memref<!tpu.dma_semaphore, #tpu.memory_space<semaphore_mem>>)
      %dma_start3A_86 = arith.constant 4 : i32
      %dma_start3A_87 = arith.constant 4 : i32
      %dma_start3A_88 = arith.constant 0 : i32
      %dma_start3A_89 = arith.constant 0 : i32
      %dma_start3A_90 = tpu.memref_slice %arg9[%dma_start3A_87, %dma_start3A_88, %dma_start3A_89] : memref<6x2x56xi32, #tpu.memory_space<vmem>> -> memref<1x2x56xi32, #tpu.memory_space<vmem>>
      %dma_start3A_91 = tpu.memref_squeeze %dma_start3A_90 : memref<1x2x56xi32, #tpu.memory_space<vmem>> -> memref<2x56xi32, #tpu.memory_space<vmem>>
      %dma_start3A_92 = arith.constant 0 : i32
      %dma_start3A_93 = arith.constant 0 : i32
      %dma_start3A_94 = tpu.memref_slice %arg3[%arg1, %dma_start3A_86, %dma_start3A_92, %dma_start3A_93] : memref<16x360x2x56xi32, #tpu.memory_space<hbm>> -> memref<1x1x2x56xi32, #tpu.memory_space<hbm>>
      %dma_start3A_95 = tpu.memref_squeeze %dma_start3A_94 : memref<1x1x2x56xi32, #tpu.memory_space<hbm>> -> memref<2x56xi32, #tpu.memory_space<hbm>>
      %dma_start3A_96 = arith.constant 0 : i32
      %dma_start3A_97 = arith.constant 0 : i32
      %dma_start3A_98 = tpu.memref_slice %arg9[%dma_start3A_87, %dma_start3A_96, %dma_start3A_97] : memref<6x2x56xi32, #tpu.memory_space<vmem>> -> memref<1x2x56xi32, #tpu.memory_space<vmem>>
      %dma_start3A_99 = tpu.memref_squeeze %dma_start3A_98 : memref<1x2x56xi32, #tpu.memory_space<vmem>> -> memref<2x56xi32, #tpu.memory_space<vmem>>
      %dma_start3A_100 = arith.constant 0 : i32
      %dma_start3A_101 = arith.constant 0 : i32
      %dma_start3A_102 = tpu.memref_slice %arg3[%arg1, %dma_start3A_86, %dma_start3A_100, %dma_start3A_101] : memref<16x360x2x56xi32, #tpu.memory_space<hbm>> -> memref<1x1x2x56xi32, #tpu.memory_space<hbm>>
      %dma_start3A_103 = tpu.memref_squeeze %dma_start3A_102 : memref<1x1x2x56xi32, #tpu.memory_space<hbm>> -> memref<2x56xi32, #tpu.memory_space<hbm>>
      tpu.enqueue_dma source(%dma_start3A_103 : memref<2x56xi32, #tpu.memory_space<hbm>>) target(%dma_start3A_99 : memref<2x56xi32, #tpu.memory_space<vmem>>) target_semaphore(%arg21 : memref<!tpu.dma_semaphore, #tpu.memory_space<semaphore_mem>>)
      %dma_start3A_104 = arith.constant 5 : i32
      %dma_start3A_105 = arith.constant 5 : i32
      %dma_start3A_106 = arith.constant 0 : i32
      %dma_start3A_107 = arith.constant 0 : i32
      %dma_start3A_108 = tpu.memref_slice %arg9[%dma_start3A_105, %dma_start3A_106, %dma_start3A_107] : memref<6x2x56xi32, #tpu.memory_space<vmem>> -> memref<1x2x56xi32, #tpu.memory_space<vmem>>
      %dma_start3A_109 = tpu.memref_squeeze %dma_start3A_108 : memref<1x2x56xi32, #tpu.memory_space<vmem>> -> memref<2x56xi32, #tpu.memory_space<vmem>>
      %dma_start3A_110 = arith.constant 0 : i32
      %dma_start3A_111 = arith.constant 0 : i32
      %dma_start3A_112 = tpu.memref_slice %arg3[%arg1, %dma_start3A_104, %dma_start3A_110, %dma_start3A_111] : memref<16x360x2x56xi32, #tpu.memory_space<hbm>> -> memref<1x1x2x56xi32, #tpu.memory_space<hbm>>
      %dma_start3A_113 = tpu.memref_squeeze %dma_start3A_112 : memref<1x1x2x56xi32, #tpu.memory_space<hbm>> -> memref<2x56xi32, #tpu.memory_space<hbm>>
      %dma_start3A_114 = arith.constant 0 : i32
      %dma_start3A_115 = arith.constant 0 : i32
      %dma_start3A_116 = tpu.memref_slice %arg9[%dma_start3A_105, %dma_start3A_114, %dma_start3A_115] : memref<6x2x56xi32, #tpu.memory_space<vmem>> -> memref<1x2x56xi32, #tpu.memory_space<vmem>>
      %dma_start3A_117 = tpu.memref_squeeze %dma_start3A_116 : memref<1x2x56xi32, #tpu.memory_space<vmem>> -> memref<2x56xi32, #tpu.memory_space<vmem>>
      %dma_start3A_118 = arith.constant 0 : i32
      %dma_start3A_119 = arith.constant 0 : i32
      %dma_start3A_120 = tpu.memref_slice %arg3[%arg1, %dma_start3A_104, %dma_start3A_118, %dma_start3A_119] : memref<16x360x2x56xi32, #tpu.memory_space<hbm>> -> memref<1x1x2x56xi32, #tpu.memory_space<hbm>>
      %dma_start3A_121 = tpu.memref_squeeze %dma_start3A_120 : memref<1x1x2x56xi32, #tpu.memory_space<hbm>> -> memref<2x56xi32, #tpu.memory_space<hbm>>
      tpu.enqueue_dma source(%dma_start3A_121 : memref<2x56xi32, #tpu.memory_space<hbm>>) target(%dma_start3A_117 : memref<2x56xi32, #tpu.memory_space<vmem>>) target_semaphore(%arg22 : memref<!tpu.dma_semaphore, #tpu.memory_space<semaphore_mem>>)
      %dma_wait3A = arith.constant 0 : i32
      %dma_wait3A_122 = arith.constant 0 : i32
      %dma_wait3A_123 = arith.constant 0 : i32
      %dma_wait3A_124 = arith.constant 0 : i32
      %dma_wait3A_125 = tpu.memref_slice %arg9[%dma_wait3A_122, %dma_wait3A_123, %dma_wait3A_124] : memref<6x2x56xi32, #tpu.memory_space<vmem>> -> memref<1x2x56xi32, #tpu.memory_space<vmem>>
      %dma_wait3A_126 = tpu.memref_squeeze %dma_wait3A_125 : memref<1x2x56xi32, #tpu.memory_space<vmem>> -> memref<2x56xi32, #tpu.memory_space<vmem>>
      %dma_wait3A_127 = arith.constant 0 : i32
      %dma_wait3A_128 = arith.constant 0 : i32
      %dma_wait3A_129 = tpu.memref_slice %arg3[%arg1, %dma_wait3A, %dma_wait3A_127, %dma_wait3A_128] : memref<16x360x2x56xi32, #tpu.memory_space<hbm>> -> memref<1x1x2x56xi32, #tpu.memory_space<hbm>>
      %dma_wait3A_130 = tpu.memref_squeeze %dma_wait3A_129 : memref<1x1x2x56xi32, #tpu.memory_space<hbm>> -> memref<2x56xi32, #tpu.memory_space<hbm>>
      %dma_wait3A_131 = arith.constant 0 : i32
      %dma_wait3A_132 = arith.constant 0 : i32
      %dma_wait3A_133 = tpu.memref_slice %arg9[%dma_wait3A_122, %dma_wait3A_131, %dma_wait3A_132] : memref<6x2x56xi32, #tpu.memory_space<vmem>> -> memref<1x2x56xi32, #tpu.memory_space<vmem>>
      %dma_wait3A_134 = tpu.memref_squeeze %dma_wait3A_133 : memref<1x2x56xi32, #tpu.memory_space<vmem>> -> memref<2x56xi32, #tpu.memory_space<vmem>>
      %dma_wait3A_135 = arith.constant 0 : i32
      %dma_wait3A_136 = arith.constant 0 : i32
      %dma_wait3A_137 = tpu.memref_slice %arg3[%arg1, %dma_wait3A, %dma_wait3A_135, %dma_wait3A_136] : memref<16x360x2x56xi32, #tpu.memory_space<hbm>> -> memref<1x1x2x56xi32, #tpu.memory_space<hbm>>
      %dma_wait3A_138 = tpu.memref_squeeze %dma_wait3A_137 : memref<1x1x2x56xi32, #tpu.memory_space<hbm>> -> memref<2x56xi32, #tpu.memory_space<hbm>>
      tpu.wait_dma2 semaphore(%arg17 : memref<!tpu.dma_semaphore, #tpu.memory_space<semaphore_mem>>) src(%dma_wait3A_138 : memref<2x56xi32, #tpu.memory_space<hbm>>) dst(%dma_wait3A_134 : memref<2x56xi32, #tpu.memory_space<vmem>>)
      %dma_start3A_139 = arith.constant 0 : i32
      %dma_start3A_140 = arith.constant 0 : i32
      %dma_start3A_141 = arith.constant 0 : i32
      %dma_start3A_142 = arith.constant 0 : i32
      %dma_start3A_143 = tpu.memref_slice %arg10[%dma_start3A_141, %dma_start3A_142] : memref<336x128xf32, #tpu.memory_space<vmem>> -> memref<56x128xf32, #tpu.memory_space<vmem>>
      %dma_start3A_144 = arith.constant 0 : i32
      %dma_start3A_145 = tpu.memref_slice %arg9[%dma_start3A_139, %dma_start3A_140, %dma_start3A_144] : memref<6x2x56xi32, #tpu.memory_space<vmem>> -> memref<1x1x56xi32, #tpu.memory_space<vmem>>
      %dma_start3A_146 = tpu.memref_squeeze %dma_start3A_145 : memref<1x1x56xi32, #tpu.memory_space<vmem>> -> memref<56xi32, #tpu.memory_space<vmem>>
      %dma_start3A_147 = arith.constant 0 : i32
      %dma_start3A_148 = arith.constant 0 : i32
      %dma_start3A_149 = tpu.memref_slice %arg2[%dma_start3A_147, %dma_start3A_148] : memref<10000x128xf32, #tpu.memory_space<hbm>> -> memref<10000x128xf32, #tpu.memory_space<hbm>>
      tpu.enqueue_indirect_dma source(%dma_start3A_149 : memref<10000x128xf32, #tpu.memory_space<hbm>>) target(%dma_start3A_143 : memref<56x128xf32, #tpu.memory_space<vmem>>) offsets(%dma_start3A_146 : memref<56xi32, #tpu.memory_space<vmem>>) semaphore(%arg11 : memref<!tpu.dma_semaphore, #tpu.memory_space<semaphore_mem>>)
      %dma_wait3A_150 = arith.constant 0 : i32
      %dma_wait3A_151 = arith.constant 1 : i32
      %dma_wait3A_152 = arith.constant 0 : i32
      %dma_wait3A_153 = arith.constant 0 : i32
      %dma_wait3A_154 = tpu.memref_slice %arg9[%dma_wait3A_151, %dma_wait3A_152, %dma_wait3A_153] : memref<6x2x56xi32, #tpu.memory_space<vmem>> -> memref<1x2x56xi32, #tpu.memory_space<vmem>>
      %dma_wait3A_155 = tpu.memref_squeeze %dma_wait3A_154 : memref<1x2x56xi32, #tpu.memory_space<vmem>> -> memref<2x56xi32, #tpu.memory_space<vmem>>
      %dma_wait3A_156 = arith.constant 0 : i32
      %dma_wait3A_157 = arith.constant 0 : i32
      %dma_wait3A_158 = tpu.memref_slice %arg3[%arg1, %dma_wait3A_150, %dma_wait3A_156, %dma_wait3A_157] : memref<16x360x2x56xi32, #tpu.memory_space<hbm>> -> memref<1x1x2x56xi32, #tpu.memory_space<hbm>>
      %dma_wait3A_159 = tpu.memref_squeeze %dma_wait3A_158 : memref<1x1x2x56xi32, #tpu.memory_space<hbm>> -> memref<2x56xi32, #tpu.memory_space<hbm>>
      %dma_wait3A_160 = arith.constant 0 : i32
      %dma_wait3A_161 = arith.constant 0 : i32
      %dma_wait3A_162 = tpu.memref_slice %arg9[%dma_wait3A_151, %dma_wait3A_160, %dma_wait3A_161] : memref<6x2x56xi32, #tpu.memory_space<vmem>> -> memref<1x2x56xi32, #tpu.memory_space<vmem>>
      %dma_wait3A_163 = tpu.memref_squeeze %dma_wait3A_162 : memref<1x2x56xi32, #tpu.memory_space<vmem>> -> memref<2x56xi32, #tpu.memory_space<vmem>>
      %dma_wait3A_164 = arith.constant 0 : i32
      %dma_wait3A_165 = arith.constant 0 : i32
      %dma_wait3A_166 = tpu.memref_slice %arg3[%arg1, %dma_wait3A_150, %dma_wait3A_164, %dma_wait3A_165] : memref<16x360x2x56xi32, #tpu.memory_space<hbm>> -> memref<1x1x2x56xi32, #tpu.memory_space<hbm>>
      %dma_wait3A_167 = tpu.memref_squeeze %dma_wait3A_166 : memref<1x1x2x56xi32, #tpu.memory_space<hbm>> -> memref<2x56xi32, #tpu.memory_space<hbm>>
      tpu.wait_dma2 semaphore(%arg18 : memref<!tpu.dma_semaphore, #tpu.memory_space<semaphore_mem>>) src(%dma_wait3A_167 : memref<2x56xi32, #tpu.memory_space<hbm>>) dst(%dma_wait3A_163 : memref<2x56xi32, #tpu.memory_space<vmem>>)
      %dma_start3A_168 = arith.constant 1 : i32
      %dma_start3A_169 = arith.constant 0 : i32
      %dma_start3A_170 = arith.constant 56 : i32
      %dma_start3A_171 = arith.constant 0 : i32
      %dma_start3A_172 = tpu.memref_slice %arg10[%dma_start3A_170, %dma_start3A_171] : memref<336x128xf32, #tpu.memory_space<vmem>> -> memref<56x128xf32, #tpu.memory_space<vmem>>
      %dma_start3A_173 = arith.constant 0 : i32
      %dma_start3A_174 = tpu.memref_slice %arg9[%dma_start3A_168, %dma_start3A_169, %dma_start3A_173] : memref<6x2x56xi32, #tpu.memory_space<vmem>> -> memref<1x1x56xi32, #tpu.memory_space<vmem>>
      %dma_start3A_175 = tpu.memref_squeeze %dma_start3A_174 : memref<1x1x56xi32, #tpu.memory_space<vmem>> -> memref<56xi32, #tpu.memory_space<vmem>>
      %dma_start3A_176 = arith.constant 0 : i32
      %dma_start3A_177 = arith.constant 0 : i32
      %dma_start3A_178 = tpu.memref_slice %arg2[%dma_start3A_176, %dma_start3A_177] : memref<10000x128xf32, #tpu.memory_space<hbm>> -> memref<10000x128xf32, #tpu.memory_space<hbm>>
      tpu.enqueue_indirect_dma source(%dma_start3A_178 : memref<10000x128xf32, #tpu.memory_space<hbm>>) target(%dma_start3A_172 : memref<56x128xf32, #tpu.memory_space<vmem>>) offsets(%dma_start3A_175 : memref<56xi32, #tpu.memory_space<vmem>>) semaphore(%arg12 : memref<!tpu.dma_semaphore, #tpu.memory_space<semaphore_mem>>)
      %dma_wait3A_179 = arith.constant 0 : i32
      %dma_wait3A_180 = arith.constant 2 : i32
      %dma_wait3A_181 = arith.constant 0 : i32
      %dma_wait3A_182 = arith.constant 0 : i32
      %dma_wait3A_183 = tpu.memref_slice %arg9[%dma_wait3A_180, %dma_wait3A_181, %dma_wait3A_182] : memref<6x2x56xi32, #tpu.memory_space<vmem>> -> memref<1x2x56xi32, #tpu.memory_space<vmem>>
      %dma_wait3A_184 = tpu.memref_squeeze %dma_wait3A_183 : memref<1x2x56xi32, #tpu.memory_space<vmem>> -> memref<2x56xi32, #tpu.memory_space<vmem>>
      %dma_wait3A_185 = arith.constant 0 : i32
      %dma_wait3A_186 = arith.constant 0 : i32
      %dma_wait3A_187 = tpu.memref_slice %arg3[%arg1, %dma_wait3A_179, %dma_wait3A_185, %dma_wait3A_186] : memref<16x360x2x56xi32, #tpu.memory_space<hbm>> -> memref<1x1x2x56xi32, #tpu.memory_space<hbm>>
      %dma_wait3A_188 = tpu.memref_squeeze %dma_wait3A_187 : memref<1x1x2x56xi32, #tpu.memory_space<hbm>> -> memref<2x56xi32, #tpu.memory_space<hbm>>
      %dma_wait3A_189 = arith.constant 0 : i32
      %dma_wait3A_190 = arith.constant 0 : i32
      %dma_wait3A_191 = tpu.memref_slice %arg9[%dma_wait3A_180, %dma_wait3A_189, %dma_wait3A_190] : memref<6x2x56xi32, #tpu.memory_space<vmem>> -> memref<1x2x56xi32, #tpu.memory_space<vmem>>
      %dma_wait3A_192 = tpu.memref_squeeze %dma_wait3A_191 : memref<1x2x56xi32, #tpu.memory_space<vmem>> -> memref<2x56xi32, #tpu.memory_space<vmem>>
      %dma_wait3A_193 = arith.constant 0 : i32
      %dma_wait3A_194 = arith.constant 0 : i32
      %dma_wait3A_195 = tpu.memref_slice %arg3[%arg1, %dma_wait3A_179, %dma_wait3A_193, %dma_wait3A_194] : memref<16x360x2x56xi32, #tpu.memory_space<hbm>> -> memref<1x1x2x56xi32, #tpu.memory_space<hbm>>
      %dma_wait3A_196 = tpu.memref_squeeze %dma_wait3A_195 : memref<1x1x2x56xi32, #tpu.memory_space<hbm>> -> memref<2x56xi32, #tpu.memory_space<hbm>>
      tpu.wait_dma2 semaphore(%arg19 : memref<!tpu.dma_semaphore, #tpu.memory_space<semaphore_mem>>) src(%dma_wait3A_196 : memref<2x56xi32, #tpu.memory_space<hbm>>) dst(%dma_wait3A_192 : memref<2x56xi32, #tpu.memory_space<vmem>>)
      %dma_start3A_197 = arith.constant 2 : i32
      %dma_start3A_198 = arith.constant 0 : i32
      %dma_start3A_199 = arith.constant 112 : i32
      %dma_start3A_200 = arith.constant 0 : i32
      %dma_start3A_201 = tpu.memref_slice %arg10[%dma_start3A_199, %dma_start3A_200] : memref<336x128xf32, #tpu.memory_space<vmem>> -> memref<56x128xf32, #tpu.memory_space<vmem>>
      %dma_start3A_202 = arith.constant 0 : i32
      %dma_start3A_203 = tpu.memref_slice %arg9[%dma_start3A_197, %dma_start3A_198, %dma_start3A_202] : memref<6x2x56xi32, #tpu.memory_space<vmem>> -> memref<1x1x56xi32, #tpu.memory_space<vmem>>
      %dma_start3A_204 = tpu.memref_squeeze %dma_start3A_203 : memref<1x1x56xi32, #tpu.memory_space<vmem>> -> memref<56xi32, #tpu.memory_space<vmem>>
      %dma_start3A_205 = arith.constant 0 : i32
      %dma_start3A_206 = arith.constant 0 : i32
      %dma_start3A_207 = tpu.memref_slice %arg2[%dma_start3A_205, %dma_start3A_206] : memref<10000x128xf32, #tpu.memory_space<hbm>> -> memref<10000x128xf32, #tpu.memory_space<hbm>>
      tpu.enqueue_indirect_dma source(%dma_start3A_207 : memref<10000x128xf32, #tpu.memory_space<hbm>>) target(%dma_start3A_201 : memref<56x128xf32, #tpu.memory_space<vmem>>) offsets(%dma_start3A_204 : memref<56xi32, #tpu.memory_space<vmem>>) semaphore(%arg13 : memref<!tpu.dma_semaphore, #tpu.memory_space<semaphore_mem>>)
      %dma_wait3A_208 = arith.constant 0 : i32
      %dma_wait3A_209 = arith.constant 3 : i32
      %dma_wait3A_210 = arith.constant 0 : i32
      %dma_wait3A_211 = arith.constant 0 : i32
      %dma_wait3A_212 = tpu.memref_slice %arg9[%dma_wait3A_209, %dma_wait3A_210, %dma_wait3A_211] : memref<6x2x56xi32, #tpu.memory_space<vmem>> -> memref<1x2x56xi32, #tpu.memory_space<vmem>>
      %dma_wait3A_213 = tpu.memref_squeeze %dma_wait3A_212 : memref<1x2x56xi32, #tpu.memory_space<vmem>> -> memref<2x56xi32, #tpu.memory_space<vmem>>
      %dma_wait3A_214 = arith.constant 0 : i32
      %dma_wait3A_215 = arith.constant 0 : i32
      %dma_wait3A_216 = tpu.memref_slice %arg3[%arg1, %dma_wait3A_208, %dma_wait3A_214, %dma_wait3A_215] : memref<16x360x2x56xi32, #tpu.memory_space<hbm>> -> memref<1x1x2x56xi32, #tpu.memory_space<hbm>>
      %dma_wait3A_217 = tpu.memref_squeeze %dma_wait3A_216 : memref<1x1x2x56xi32, #tpu.memory_space<hbm>> -> memref<2x56xi32, #tpu.memory_space<hbm>>
      %dma_wait3A_218 = arith.constant 0 : i32
      %dma_wait3A_219 = arith.constant 0 : i32
      %dma_wait3A_220 = tpu.memref_slice %arg9[%dma_wait3A_209, %dma_wait3A_218, %dma_wait3A_219] : memref<6x2x56xi32, #tpu.memory_space<vmem>> -> memref<1x2x56xi32, #tpu.memory_space<vmem>>
      %dma_wait3A_221 = tpu.memref_squeeze %dma_wait3A_220 : memref<1x2x56xi32, #tpu.memory_space<vmem>> -> memref<2x56xi32, #tpu.memory_space<vmem>>
      %dma_wait3A_222 = arith.constant 0 : i32
      %dma_wait3A_223 = arith.constant 0 : i32
      %dma_wait3A_224 = tpu.memref_slice %arg3[%arg1, %dma_wait3A_208, %dma_wait3A_222, %dma_wait3A_223] : memref<16x360x2x56xi32, #tpu.memory_space<hbm>> -> memref<1x1x2x56xi32, #tpu.memory_space<hbm>>
      %dma_wait3A_225 = tpu.memref_squeeze %dma_wait3A_224 : memref<1x1x2x56xi32, #tpu.memory_space<hbm>> -> memref<2x56xi32, #tpu.memory_space<hbm>>
      tpu.wait_dma2 semaphore(%arg20 : memref<!tpu.dma_semaphore, #tpu.memory_space<semaphore_mem>>) src(%dma_wait3A_225 : memref<2x56xi32, #tpu.memory_space<hbm>>) dst(%dma_wait3A_221 : memref<2x56xi32, #tpu.memory_space<vmem>>)
      %dma_start3A_226 = arith.constant 3 : i32
      %dma_start3A_227 = arith.constant 0 : i32
      %dma_start3A_228 = arith.constant 168 : i32
      %dma_start3A_229 = arith.constant 0 : i32
      %dma_start3A_230 = tpu.memref_slice %arg10[%dma_start3A_228, %dma_start3A_229] : memref<336x128xf32, #tpu.memory_space<vmem>> -> memref<56x128xf32, #tpu.memory_space<vmem>>
      %dma_start3A_231 = arith.constant 0 : i32
      %dma_start3A_232 = tpu.memref_slice %arg9[%dma_start3A_226, %dma_start3A_227, %dma_start3A_231] : memref<6x2x56xi32, #tpu.memory_space<vmem>> -> memref<1x1x56xi32, #tpu.memory_space<vmem>>
      %dma_start3A_233 = tpu.memref_squeeze %dma_start3A_232 : memref<1x1x56xi32, #tpu.memory_space<vmem>> -> memref<56xi32, #tpu.memory_space<vmem>>
      %dma_start3A_234 = arith.constant 0 : i32
      %dma_start3A_235 = arith.constant 0 : i32
      %dma_start3A_236 = tpu.memref_slice %arg2[%dma_start3A_234, %dma_start3A_235] : memref<10000x128xf32, #tpu.memory_space<hbm>> -> memref<10000x128xf32, #tpu.memory_space<hbm>>
      tpu.enqueue_indirect_dma source(%dma_start3A_236 : memref<10000x128xf32, #tpu.memory_space<hbm>>) target(%dma_start3A_230 : memref<56x128xf32, #tpu.memory_space<vmem>>) offsets(%dma_start3A_233 : memref<56xi32, #tpu.memory_space<vmem>>) semaphore(%arg14 : memref<!tpu.dma_semaphore, #tpu.memory_space<semaphore_mem>>)
      %scan3A = arith.constant 0 : i32
      %scan3A_237 = arith.constant 0 : i32
      %scan3A_238 = arith.constant 60 : i32
      %scan3A_239 = arith.addi %scan3A_237, %scan3A_238 : i32
      %scan3A_240 = arith.constant 1 : i32
      scf.for %scan3A_254 = %scan3A_237 to %scan3A_239 step %scan3A_240  : i32 {
        %mul3A_255 = arith.constant 6 : i32
        %mul3A_256 = arith.muli %scan3A_254, %mul3A_255 : i32
        %add3A = arith.constant 0 : i32
        %add3A_257 = arith.addi %mul3A_256, %add3A : i32
        %dma_wait3A_258 = arith.constant 0 : i32
        %dma_wait3A_259 = arith.constant 0 : i32
        %dma_wait3A_260 = tpu.memref_slice %arg10[%dma_wait3A_258, %dma_wait3A_259] : memref<336x128xf32, #tpu.memory_space<vmem>> -> memref<56x128xf32, #tpu.memory_space<vmem>>
        %dma_wait3A_261 = arith.constant 0 : i32
        %dma_wait3A_262 = arith.constant 0 : i32
        %dma_wait3A_263 = tpu.memref_slice %arg2[%dma_wait3A_261, %dma_wait3A_262] : memref<10000x128xf32, #tpu.memory_space<hbm>> -> memref<56x128xf32, #tpu.memory_space<hbm>>
        %dma_wait3A_264 = arith.constant 0 : i32
        %dma_wait3A_265 = arith.constant 0 : i32
        %dma_wait3A_266 = tpu.memref_slice %arg10[%dma_wait3A_264, %dma_wait3A_265] : memref<336x128xf32, #tpu.memory_space<vmem>> -> memref<56x128xf32, #tpu.memory_space<vmem>>
        %dma_wait3A_267 = arith.constant 0 : i32
        %dma_wait3A_268 = arith.constant 0 : i32
        %dma_wait3A_269 = tpu.memref_slice %arg2[%dma_wait3A_267, %dma_wait3A_268] : memref<10000x128xf32, #tpu.memory_space<hbm>> -> memref<56x128xf32, #tpu.memory_space<hbm>>
        tpu.wait_dma2 semaphore(%arg11 : memref<!tpu.dma_semaphore, #tpu.memory_space<semaphore_mem>>) src(%dma_wait3A_269 : memref<56x128xf32, #tpu.memory_space<hbm>>) dst(%dma_wait3A_266 : memref<56x128xf32, #tpu.memory_space<vmem>>)
        %dma_start3A_270 = arith.constant 0 : i32
        %dma_start3A_271 = arith.constant 1 : i32
        %dma_start3A_272 = arith.constant 0 : i32
        %dma_start3A_273 = arith.constant 0 : i32
        %dma_start3A_274 = tpu.memref_slice %arg10[%dma_start3A_272, %dma_start3A_273] : memref<336x128xf32, #tpu.memory_space<vmem>> -> memref<56x128xf32, #tpu.memory_space<vmem>>
        %dma_start3A_275 = arith.constant 0 : i32
        %dma_start3A_276 = tpu.memref_slice %arg9[%dma_start3A_270, %dma_start3A_271, %dma_start3A_275] : memref<6x2x56xi32, #tpu.memory_space<vmem>> -> memref<1x1x56xi32, #tpu.memory_space<vmem>>
        %dma_start3A_277 = tpu.memref_squeeze %dma_start3A_276 : memref<1x1x56xi32, #tpu.memory_space<vmem>> -> memref<56xi32, #tpu.memory_space<vmem>>
        %dma_start3A_278 = arith.constant 0 : i32
        %dma_start3A_279 = arith.constant 0 : i32
        %dma_start3A_280 = tpu.memref_slice %arg8[%dma_start3A_278, %dma_start3A_279] : memref<10112x128xf32, #tpu.memory_space<vmem_shared>> -> memref<10112x128xf32, #tpu.memory_space<vmem_shared>>
        tpu.enqueue_indirect_dma source(%dma_start3A_274 : memref<56x128xf32, #tpu.memory_space<vmem>>) target(%dma_start3A_280 : memref<10112x128xf32, #tpu.memory_space<vmem_shared>>) offsets(%dma_start3A_277 : memref<56xi32, #tpu.memory_space<vmem>>) semaphore(%arg23 : memref<!tpu.dma_semaphore, #tpu.memory_space<semaphore_mem>>) {add = true}
        %gt3A = arith.constant 0 : i32
        %gt3A_281 = arith.cmpi sgt, %scan3A_254, %gt3A : i32
        %convert_element_type3A_282 = arith.extui %gt3A_281 : i1 to i32
        %cond3A_283 = arith.constant 0 : i32
        %cond3A_284 = arith.cmpi ne, %convert_element_type3A_282, %cond3A_283 : i32
        scf.if %cond3A_284 {
          %dma_wait3A_565 = arith.constant 280 : i32
          %dma_wait3A_566 = arith.constant 0 : i32
          %dma_wait3A_567 = tpu.memref_slice %arg10[%dma_wait3A_565, %dma_wait3A_566] : memref<336x128xf32, #tpu.memory_space<vmem>> -> memref<56x128xf32, #tpu.memory_space<vmem>>
          %dma_wait3A_568 = arith.constant 0 : i32
          %dma_wait3A_569 = arith.constant 0 : i32
          %dma_wait3A_570 = tpu.memref_slice %arg2[%dma_wait3A_568, %dma_wait3A_569] : memref<10000x128xf32, #tpu.memory_space<hbm>> -> memref<56x128xf32, #tpu.memory_space<hbm>>
          %dma_wait3A_571 = arith.constant 280 : i32
          %dma_wait3A_572 = arith.constant 0 : i32
          %dma_wait3A_573 = tpu.memref_slice %arg10[%dma_wait3A_571, %dma_wait3A_572] : memref<336x128xf32, #tpu.memory_space<vmem>> -> memref<56x128xf32, #tpu.memory_space<vmem>>
          %dma_wait3A_574 = arith.constant 0 : i32
          %dma_wait3A_575 = arith.constant 0 : i32
          %dma_wait3A_576 = tpu.memref_slice %arg2[%dma_wait3A_574, %dma_wait3A_575] : memref<10000x128xf32, #tpu.memory_space<hbm>> -> memref<56x128xf32, #tpu.memory_space<hbm>>
          tpu.wait_dma2 semaphore(%arg23 : memref<!tpu.dma_semaphore, #tpu.memory_space<semaphore_mem>>) src(%dma_wait3A_576 : memref<56x128xf32, #tpu.memory_space<hbm>>) dst(%dma_wait3A_573 : memref<56x128xf32, #tpu.memory_space<vmem>>)
          %sub3A_577 = arith.constant 1 : i32
          %sub3A_578 = arith.subi %add3A_257, %sub3A_577 : i32
          %add3A_579 = arith.constant 6 : i32
          %add3A_580 = arith.addi %sub3A_578, %add3A_579 : i32
          %lt3A_581 = arith.constant 360 : i32
          %lt3A_582 = arith.cmpi slt, %add3A_580, %lt3A_581 : i32
          %convert_element_type3A_583 = arith.extui %lt3A_582 : i1 to i32
          %cond3A_584 = arith.constant 0 : i32
          %cond3A_585 = arith.cmpi ne, %convert_element_type3A_583, %cond3A_584 : i32
          scf.if %cond3A_585 {
            %sub3A_586 = arith.constant 1 : i32
            %sub3A_587 = arith.subi %add3A_257, %sub3A_586 : i32
            %add3A_588 = arith.constant 6 : i32
            %add3A_589 = arith.addi %sub3A_587, %add3A_588 : i32
            %dma_start3A_590 = arith.constant 5 : i32
            %dma_start3A_591 = arith.constant 0 : i32
            %dma_start3A_592 = arith.constant 0 : i32
            %dma_start3A_593 = tpu.memref_slice %arg9[%dma_start3A_590, %dma_start3A_591, %dma_start3A_592] : memref<6x2x56xi32, #tpu.memory_space<vmem>> -> memref<1x2x56xi32, #tpu.memory_space<vmem>>
            %dma_start3A_594 = tpu.memref_squeeze %dma_start3A_593 : memref<1x2x56xi32, #tpu.memory_space<vmem>> -> memref<2x56xi32, #tpu.memory_space<vmem>>
            %dma_start3A_595 = arith.constant 0 : i32
            %dma_start3A_596 = arith.constant 0 : i32
            %dma_start3A_597 = tpu.memref_slice %arg3[%arg1, %add3A_589, %dma_start3A_595, %dma_start3A_596] : memref<16x360x2x56xi32, #tpu.memory_space<hbm>> -> memref<1x1x2x56xi32, #tpu.memory_space<hbm>>
            %dma_start3A_598 = tpu.memref_squeeze %dma_start3A_597 : memref<1x1x2x56xi32, #tpu.memory_space<hbm>> -> memref<2x56xi32, #tpu.memory_space<hbm>>
            %dma_start3A_599 = arith.constant 0 : i32
            %dma_start3A_600 = arith.constant 0 : i32
            %dma_start3A_601 = tpu.memref_slice %arg9[%dma_start3A_590, %dma_start3A_599, %dma_start3A_600] : memref<6x2x56xi32, #tpu.memory_space<vmem>> -> memref<1x2x56xi32, #tpu.memory_space<vmem>>
            %dma_start3A_602 = tpu.memref_squeeze %dma_start3A_601 : memref<1x2x56xi32, #tpu.memory_space<vmem>> -> memref<2x56xi32, #tpu.memory_space<vmem>>
            %dma_start3A_603 = arith.constant 0 : i32
            %dma_start3A_604 = arith.constant 0 : i32
            %dma_start3A_605 = tpu.memref_slice %arg3[%arg1, %add3A_589, %dma_start3A_603, %dma_start3A_604] : memref<16x360x2x56xi32, #tpu.memory_space<hbm>> -> memref<1x1x2x56xi32, #tpu.memory_space<hbm>>
            %dma_start3A_606 = tpu.memref_squeeze %dma_start3A_605 : memref<1x1x2x56xi32, #tpu.memory_space<hbm>> -> memref<2x56xi32, #tpu.memory_space<hbm>>
            tpu.enqueue_dma source(%dma_start3A_606 : memref<2x56xi32, #tpu.memory_space<hbm>>) target(%dma_start3A_602 : memref<2x56xi32, #tpu.memory_space<vmem>>) target_semaphore(%arg22 : memref<!tpu.dma_semaphore, #tpu.memory_space<semaphore_mem>>)
          } else {
          }
        } else {
        }
        %add3A_285 = arith.constant 4 : i32
        %add3A_286 = arith.addi %add3A_257, %add3A_285 : i32
        %lt3A = arith.constant 360 : i32
        %lt3A_287 = arith.cmpi slt, %add3A_286, %lt3A : i32
        %convert_element_type3A_288 = arith.extui %lt3A_287 : i1 to i32
        %cond3A_289 = arith.constant 0 : i32
        %cond3A_290 = arith.cmpi ne, %convert_element_type3A_288, %cond3A_289 : i32
        scf.if %cond3A_290 {
          %dma_wait3A_565 = arith.constant 0 : i32
          %dma_wait3A_566 = arith.constant 4 : i32
          %dma_wait3A_567 = arith.constant 0 : i32
          %dma_wait3A_568 = arith.constant 0 : i32
          %dma_wait3A_569 = tpu.memref_slice %arg9[%dma_wait3A_566, %dma_wait3A_567, %dma_wait3A_568] : memref<6x2x56xi32, #tpu.memory_space<vmem>> -> memref<1x2x56xi32, #tpu.memory_space<vmem>>
          %dma_wait3A_570 = tpu.memref_squeeze %dma_wait3A_569 : memref<1x2x56xi32, #tpu.memory_space<vmem>> -> memref<2x56xi32, #tpu.memory_space<vmem>>
          %dma_wait3A_571 = arith.constant 0 : i32
          %dma_wait3A_572 = arith.constant 0 : i32
          %dma_wait3A_573 = tpu.memref_slice %arg3[%arg1, %dma_wait3A_565, %dma_wait3A_571, %dma_wait3A_572] : memref<16x360x2x56xi32, #tpu.memory_space<hbm>> -> memref<1x1x2x56xi32, #tpu.memory_space<hbm>>
          %dma_wait3A_574 = tpu.memref_squeeze %dma_wait3A_573 : memref<1x1x2x56xi32, #tpu.memory_space<hbm>> -> memref<2x56xi32, #tpu.memory_space<hbm>>
          %dma_wait3A_575 = arith.constant 0 : i32
          %dma_wait3A_576 = arith.constant 0 : i32
          %dma_wait3A_577 = tpu.memref_slice %arg9[%dma_wait3A_566, %dma_wait3A_575, %dma_wait3A_576] : memref<6x2x56xi32, #tpu.memory_space<vmem>> -> memref<1x2x56xi32, #tpu.memory_space<vmem>>
          %dma_wait3A_578 = tpu.memref_squeeze %dma_wait3A_577 : memref<1x2x56xi32, #tpu.memory_space<vmem>> -> memref<2x56xi32, #tpu.memory_space<vmem>>
          %dma_wait3A_579 = arith.constant 0 : i32
          %dma_wait3A_580 = arith.constant 0 : i32
          %dma_wait3A_581 = tpu.memref_slice %arg3[%arg1, %dma_wait3A_565, %dma_wait3A_579, %dma_wait3A_580] : memref<16x360x2x56xi32, #tpu.memory_space<hbm>> -> memref<1x1x2x56xi32, #tpu.memory_space<hbm>>
          %dma_wait3A_582 = tpu.memref_squeeze %dma_wait3A_581 : memref<1x1x2x56xi32, #tpu.memory_space<hbm>> -> memref<2x56xi32, #tpu.memory_space<hbm>>
          tpu.wait_dma2 semaphore(%arg21 : memref<!tpu.dma_semaphore, #tpu.memory_space<semaphore_mem>>) src(%dma_wait3A_582 : memref<2x56xi32, #tpu.memory_space<hbm>>) dst(%dma_wait3A_578 : memref<2x56xi32, #tpu.memory_space<vmem>>)
          %dma_start3A_583 = arith.constant 4 : i32
          %dma_start3A_584 = arith.constant 0 : i32
          %dma_start3A_585 = arith.constant 224 : i32
          %dma_start3A_586 = arith.constant 0 : i32
          %dma_start3A_587 = tpu.memref_slice %arg10[%dma_start3A_585, %dma_start3A_586] : memref<336x128xf32, #tpu.memory_space<vmem>> -> memref<56x128xf32, #tpu.memory_space<vmem>>
          %dma_start3A_588 = arith.constant 0 : i32
          %dma_start3A_589 = tpu.memref_slice %arg9[%dma_start3A_583, %dma_start3A_584, %dma_start3A_588] : memref<6x2x56xi32, #tpu.memory_space<vmem>> -> memref<1x1x56xi32, #tpu.memory_space<vmem>>
          %dma_start3A_590 = tpu.memref_squeeze %dma_start3A_589 : memref<1x1x56xi32, #tpu.memory_space<vmem>> -> memref<56xi32, #tpu.memory_space<vmem>>
          %dma_start3A_591 = arith.constant 0 : i32
          %dma_start3A_592 = arith.constant 0 : i32
          %dma_start3A_593 = tpu.memref_slice %arg2[%dma_start3A_591, %dma_start3A_592] : memref<10000x128xf32, #tpu.memory_space<hbm>> -> memref<10000x128xf32, #tpu.memory_space<hbm>>
          tpu.enqueue_indirect_dma source(%dma_start3A_593 : memref<10000x128xf32, #tpu.memory_space<hbm>>) target(%dma_start3A_587 : memref<56x128xf32, #tpu.memory_space<vmem>>) offsets(%dma_start3A_590 : memref<56xi32, #tpu.memory_space<vmem>>) semaphore(%arg15 : memref<!tpu.dma_semaphore, #tpu.memory_space<semaphore_mem>>)
        } else {
        }
        %mul3A_291 = arith.constant 6 : i32
        %mul3A_292 = arith.muli %scan3A_254, %mul3A_291 : i32
        %add3A_293 = arith.constant 1 : i32
        %add3A_294 = arith.addi %mul3A_292, %add3A_293 : i32
        %dma_wait3A_295 = arith.constant 56 : i32
        %dma_wait3A_296 = arith.constant 0 : i32
        %dma_wait3A_297 = tpu.memref_slice %arg10[%dma_wait3A_295, %dma_wait3A_296] : memref<336x128xf32, #tpu.memory_space<vmem>> -> memref<56x128xf32, #tpu.memory_space<vmem>>
        %dma_wait3A_298 = arith.constant 0 : i32
        %dma_wait3A_299 = arith.constant 0 : i32
        %dma_wait3A_300 = tpu.memref_slice %arg2[%dma_wait3A_298, %dma_wait3A_299] : memref<10000x128xf32, #tpu.memory_space<hbm>> -> memref<56x128xf32, #tpu.memory_space<hbm>>
        %dma_wait3A_301 = arith.constant 56 : i32
        %dma_wait3A_302 = arith.constant 0 : i32
        %dma_wait3A_303 = tpu.memref_slice %arg10[%dma_wait3A_301, %dma_wait3A_302] : memref<336x128xf32, #tpu.memory_space<vmem>> -> memref<56x128xf32, #tpu.memory_space<vmem>>
        %dma_wait3A_304 = arith.constant 0 : i32
        %dma_wait3A_305 = arith.constant 0 : i32
        %dma_wait3A_306 = tpu.memref_slice %arg2[%dma_wait3A_304, %dma_wait3A_305] : memref<10000x128xf32, #tpu.memory_space<hbm>> -> memref<56x128xf32, #tpu.memory_space<hbm>>
        tpu.wait_dma2 semaphore(%arg12 : memref<!tpu.dma_semaphore, #tpu.memory_space<semaphore_mem>>) src(%dma_wait3A_306 : memref<56x128xf32, #tpu.memory_space<hbm>>) dst(%dma_wait3A_303 : memref<56x128xf32, #tpu.memory_space<vmem>>)
        %dma_start3A_307 = arith.constant 1 : i32
        %dma_start3A_308 = arith.constant 1 : i32
        %dma_start3A_309 = arith.constant 56 : i32
        %dma_start3A_310 = arith.constant 0 : i32
        %dma_start3A_311 = tpu.memref_slice %arg10[%dma_start3A_309, %dma_start3A_310] : memref<336x128xf32, #tpu.memory_space<vmem>> -> memref<56x128xf32, #tpu.memory_space<vmem>>
        %dma_start3A_312 = arith.constant 0 : i32
        %dma_start3A_313 = tpu.memref_slice %arg9[%dma_start3A_307, %dma_start3A_308, %dma_start3A_312] : memref<6x2x56xi32, #tpu.memory_space<vmem>> -> memref<1x1x56xi32, #tpu.memory_space<vmem>>
        %dma_start3A_314 = tpu.memref_squeeze %dma_start3A_313 : memref<1x1x56xi32, #tpu.memory_space<vmem>> -> memref<56xi32, #tpu.memory_space<vmem>>
        %dma_start3A_315 = arith.constant 0 : i32
        %dma_start3A_316 = arith.constant 0 : i32
        %dma_start3A_317 = tpu.memref_slice %arg8[%dma_start3A_315, %dma_start3A_316] : memref<10112x128xf32, #tpu.memory_space<vmem_shared>> -> memref<10112x128xf32, #tpu.memory_space<vmem_shared>>
        tpu.enqueue_indirect_dma source(%dma_start3A_311 : memref<56x128xf32, #tpu.memory_space<vmem>>) target(%dma_start3A_317 : memref<10112x128xf32, #tpu.memory_space<vmem_shared>>) offsets(%dma_start3A_314 : memref<56xi32, #tpu.memory_space<vmem>>) semaphore(%arg23 : memref<!tpu.dma_semaphore, #tpu.memory_space<semaphore_mem>>) {add = true}
        %dma_wait3A_318 = arith.constant 0 : i32
        %dma_wait3A_319 = arith.constant 0 : i32
        %dma_wait3A_320 = tpu.memref_slice %arg10[%dma_wait3A_318, %dma_wait3A_319] : memref<336x128xf32, #tpu.memory_space<vmem>> -> memref<56x128xf32, #tpu.memory_space<vmem>>
        %dma_wait3A_321 = arith.constant 0 : i32
        %dma_wait3A_322 = arith.constant 0 : i32
        %dma_wait3A_323 = tpu.memref_slice %arg2[%dma_wait3A_321, %dma_wait3A_322] : memref<10000x128xf32, #tpu.memory_space<hbm>> -> memref<56x128xf32, #tpu.memory_space<hbm>>
        %dma_wait3A_324 = arith.constant 0 : i32
        %dma_wait3A_325 = arith.constant 0 : i32
        %dma_wait3A_326 = tpu.memref_slice %arg10[%dma_wait3A_324, %dma_wait3A_325] : memref<336x128xf32, #tpu.memory_space<vmem>> -> memref<56x128xf32, #tpu.memory_space<vmem>>
        %dma_wait3A_327 = arith.constant 0 : i32
        %dma_wait3A_328 = arith.constant 0 : i32
        %dma_wait3A_329 = tpu.memref_slice %arg2[%dma_wait3A_327, %dma_wait3A_328] : memref<10000x128xf32, #tpu.memory_space<hbm>> -> memref<56x128xf32, #tpu.memory_space<hbm>>
        tpu.wait_dma2 semaphore(%arg23 : memref<!tpu.dma_semaphore, #tpu.memory_space<semaphore_mem>>) src(%dma_wait3A_329 : memref<56x128xf32, #tpu.memory_space<hbm>>) dst(%dma_wait3A_326 : memref<56x128xf32, #tpu.memory_space<vmem>>)
        %sub3A = arith.constant 1 : i32
        %sub3A_330 = arith.subi %add3A_294, %sub3A : i32
        %add3A_331 = arith.constant 6 : i32
        %add3A_332 = arith.addi %sub3A_330, %add3A_331 : i32
        %lt3A_333 = arith.constant 360 : i32
        %lt3A_334 = arith.cmpi slt, %add3A_332, %lt3A_333 : i32
        %convert_element_type3A_335 = arith.extui %lt3A_334 : i1 to i32
        %cond3A_336 = arith.constant 0 : i32
        %cond3A_337 = arith.cmpi ne, %convert_element_type3A_335, %cond3A_336 : i32
        scf.if %cond3A_337 {
          %sub3A_565 = arith.constant 1 : i32
          %sub3A_566 = arith.subi %add3A_294, %sub3A_565 : i32
          %add3A_567 = arith.constant 6 : i32
          %add3A_568 = arith.addi %sub3A_566, %add3A_567 : i32
          %dma_start3A_569 = arith.constant 0 : i32
          %dma_start3A_570 = arith.constant 0 : i32
          %dma_start3A_571 = arith.constant 0 : i32
          %dma_start3A_572 = tpu.memref_slice %arg9[%dma_start3A_569, %dma_start3A_570, %dma_start3A_571] : memref<6x2x56xi32, #tpu.memory_space<vmem>> -> memref<1x2x56xi32, #tpu.memory_space<vmem>>
          %dma_start3A_573 = tpu.memref_squeeze %dma_start3A_572 : memref<1x2x56xi32, #tpu.memory_space<vmem>> -> memref<2x56xi32, #tpu.memory_space<vmem>>
          %dma_start3A_574 = arith.constant 0 : i32
          %dma_start3A_575 = arith.constant 0 : i32
          %dma_start3A_576 = tpu.memref_slice %arg3[%arg1, %add3A_568, %dma_start3A_574, %dma_start3A_575] : memref<16x360x2x56xi32, #tpu.memory_space<hbm>> -> memref<1x1x2x56xi32, #tpu.memory_space<hbm>>
          %dma_start3A_577 = tpu.memref_squeeze %dma_start3A_576 : memref<1x1x2x56xi32, #tpu.memory_space<hbm>> -> memref<2x56xi32, #tpu.memory_space<hbm>>
          %dma_start3A_578 = arith.constant 0 : i32
          %dma_start3A_579 = arith.constant 0 : i32
          %dma_start3A_580 = tpu.memref_slice %arg9[%dma_start3A_569, %dma_start3A_578, %dma_start3A_579] : memref<6x2x56xi32, #tpu.memory_space<vmem>> -> memref<1x2x56xi32, #tpu.memory_space<vmem>>
          %dma_start3A_581 = tpu.memref_squeeze %dma_start3A_580 : memref<1x2x56xi32, #tpu.memory_space<vmem>> -> memref<2x56xi32, #tpu.memory_space<vmem>>
          %dma_start3A_582 = arith.constant 0 : i32
          %dma_start3A_583 = arith.constant 0 : i32
          %dma_start3A_584 = tpu.memref_slice %arg3[%arg1, %add3A_568, %dma_start3A_582, %dma_start3A_583] : memref<16x360x2x56xi32, #tpu.memory_space<hbm>> -> memref<1x1x2x56xi32, #tpu.memory_space<hbm>>
          %dma_start3A_585 = tpu.memref_squeeze %dma_start3A_584 : memref<1x1x2x56xi32, #tpu.memory_space<hbm>> -> memref<2x56xi32, #tpu.memory_space<hbm>>
          tpu.enqueue_dma source(%dma_start3A_585 : memref<2x56xi32, #tpu.memory_space<hbm>>) target(%dma_start3A_581 : memref<2x56xi32, #tpu.memory_space<vmem>>) target_semaphore(%arg17 : memref<!tpu.dma_semaphore, #tpu.memory_space<semaphore_mem>>)
        } else {
        }
        %add3A_338 = arith.constant 4 : i32
        %add3A_339 = arith.addi %add3A_294, %add3A_338 : i32
        %lt3A_340 = arith.constant 360 : i32
        %lt3A_341 = arith.cmpi slt, %add3A_339, %lt3A_340 : i32
        %convert_element_type3A_342 = arith.extui %lt3A_341 : i1 to i32
        %cond3A_343 = arith.constant 0 : i32
        %cond3A_344 = arith.cmpi ne, %convert_element_type3A_342, %cond3A_343 : i32
        scf.if %cond3A_344 {
          %dma_wait3A_565 = arith.constant 0 : i32
          %dma_wait3A_566 = arith.constant 5 : i32
          %dma_wait3A_567 = arith.constant 0 : i32
          %dma_wait3A_568 = arith.constant 0 : i32
          %dma_wait3A_569 = tpu.memref_slice %arg9[%dma_wait3A_566, %dma_wait3A_567, %dma_wait3A_568] : memref<6x2x56xi32, #tpu.memory_space<vmem>> -> memref<1x2x56xi32, #tpu.memory_space<vmem>>
          %dma_wait3A_570 = tpu.memref_squeeze %dma_wait3A_569 : memref<1x2x56xi32, #tpu.memory_space<vmem>> -> memref<2x56xi32, #tpu.memory_space<vmem>>
          %dma_wait3A_571 = arith.constant 0 : i32
          %dma_wait3A_572 = arith.constant 0 : i32
          %dma_wait3A_573 = tpu.memref_slice %arg3[%arg1, %dma_wait3A_565, %dma_wait3A_571, %dma_wait3A_572] : memref<16x360x2x56xi32, #tpu.memory_space<hbm>> -> memref<1x1x2x56xi32, #tpu.memory_space<hbm>>
          %dma_wait3A_574 = tpu.memref_squeeze %dma_wait3A_573 : memref<1x1x2x56xi32, #tpu.memory_space<hbm>> -> memref<2x56xi32, #tpu.memory_space<hbm>>
          %dma_wait3A_575 = arith.constant 0 : i32
          %dma_wait3A_576 = arith.constant 0 : i32
          %dma_wait3A_577 = tpu.memref_slice %arg9[%dma_wait3A_566, %dma_wait3A_575, %dma_wait3A_576] : memref<6x2x56xi32, #tpu.memory_space<vmem>> -> memref<1x2x56xi32, #tpu.memory_space<vmem>>
          %dma_wait3A_578 = tpu.memref_squeeze %dma_wait3A_577 : memref<1x2x56xi32, #tpu.memory_space<vmem>> -> memref<2x56xi32, #tpu.memory_space<vmem>>
          %dma_wait3A_579 = arith.constant 0 : i32
          %dma_wait3A_580 = arith.constant 0 : i32
          %dma_wait3A_581 = tpu.memref_slice %arg3[%arg1, %dma_wait3A_565, %dma_wait3A_579, %dma_wait3A_580] : memref<16x360x2x56xi32, #tpu.memory_space<hbm>> -> memref<1x1x2x56xi32, #tpu.memory_space<hbm>>
          %dma_wait3A_582 = tpu.memref_squeeze %dma_wait3A_581 : memref<1x1x2x56xi32, #tpu.memory_space<hbm>> -> memref<2x56xi32, #tpu.memory_space<hbm>>
          tpu.wait_dma2 semaphore(%arg22 : memref<!tpu.dma_semaphore, #tpu.memory_space<semaphore_mem>>) src(%dma_wait3A_582 : memref<2x56xi32, #tpu.memory_space<hbm>>) dst(%dma_wait3A_578 : memref<2x56xi32, #tpu.memory_space<vmem>>)
          %dma_start3A_583 = arith.constant 5 : i32
          %dma_start3A_584 = arith.constant 0 : i32
          %dma_start3A_585 = arith.constant 280 : i32
          %dma_start3A_586 = arith.constant 0 : i32
          %dma_start3A_587 = tpu.memref_slice %arg10[%dma_start3A_585, %dma_start3A_586] : memref<336x128xf32, #tpu.memory_space<vmem>> -> memref<56x128xf32, #tpu.memory_space<vmem>>
          %dma_start3A_588 = arith.constant 0 : i32
          %dma_start3A_589 = tpu.memref_slice %arg9[%dma_start3A_583, %dma_start3A_584, %dma_start3A_588] : memref<6x2x56xi32, #tpu.memory_space<vmem>> -> memref<1x1x56xi32, #tpu.memory_space<vmem>>
          %dma_start3A_590 = tpu.memref_squeeze %dma_start3A_589 : memref<1x1x56xi32, #tpu.memory_space<vmem>> -> memref<56xi32, #tpu.memory_space<vmem>>
          %dma_start3A_591 = arith.constant 0 : i32
          %dma_start3A_592 = arith.constant 0 : i32
          %dma_start3A_593 = tpu.memref_slice %arg2[%dma_start3A_591, %dma_start3A_592] : memref<10000x128xf32, #tpu.memory_space<hbm>> -> memref<10000x128xf32, #tpu.memory_space<hbm>>
          tpu.enqueue_indirect_dma source(%dma_start3A_593 : memref<10000x128xf32, #tpu.memory_space<hbm>>) target(%dma_start3A_587 : memref<56x128xf32, #tpu.memory_space<vmem>>) offsets(%dma_start3A_590 : memref<56xi32, #tpu.memory_space<vmem>>) semaphore(%arg16 : memref<!tpu.dma_semaphore, #tpu.memory_space<semaphore_mem>>)
        } else {
        }
        %mul3A_345 = arith.constant 6 : i32
        %mul3A_346 = arith.muli %scan3A_254, %mul3A_345 : i32
        %add3A_347 = arith.constant 2 : i32
        %add3A_348 = arith.addi %mul3A_346, %add3A_347 : i32
        %dma_wait3A_349 = arith.constant 112 : i32
        %dma_wait3A_350 = arith.constant 0 : i32
        %dma_wait3A_351 = tpu.memref_slice %arg10[%dma_wait3A_349, %dma_wait3A_350] : memref<336x128xf32, #tpu.memory_space<vmem>> -> memref<56x128xf32, #tpu.memory_space<vmem>>
        %dma_wait3A_352 = arith.constant 0 : i32
        %dma_wait3A_353 = arith.constant 0 : i32
        %dma_wait3A_354 = tpu.memref_slice %arg2[%dma_wait3A_352, %dma_wait3A_353] : memref<10000x128xf32, #tpu.memory_space<hbm>> -> memref<56x128xf32, #tpu.memory_space<hbm>>
        %dma_wait3A_355 = arith.constant 112 : i32
        %dma_wait3A_356 = arith.constant 0 : i32
        %dma_wait3A_357 = tpu.memref_slice %arg10[%dma_wait3A_355, %dma_wait3A_356] : memref<336x128xf32, #tpu.memory_space<vmem>> -> memref<56x128xf32, #tpu.memory_space<vmem>>
        %dma_wait3A_358 = arith.constant 0 : i32
        %dma_wait3A_359 = arith.constant 0 : i32
        %dma_wait3A_360 = tpu.memref_slice %arg2[%dma_wait3A_358, %dma_wait3A_359] : memref<10000x128xf32, #tpu.memory_space<hbm>> -> memref<56x128xf32, #tpu.memory_space<hbm>>
        tpu.wait_dma2 semaphore(%arg13 : memref<!tpu.dma_semaphore, #tpu.memory_space<semaphore_mem>>) src(%dma_wait3A_360 : memref<56x128xf32, #tpu.memory_space<hbm>>) dst(%dma_wait3A_357 : memref<56x128xf32, #tpu.memory_space<vmem>>)
        %dma_start3A_361 = arith.constant 2 : i32
        %dma_start3A_362 = arith.constant 1 : i32
        %dma_start3A_363 = arith.constant 112 : i32
        %dma_start3A_364 = arith.constant 0 : i32
        %dma_start3A_365 = tpu.memref_slice %arg10[%dma_start3A_363, %dma_start3A_364] : memref<336x128xf32, #tpu.memory_space<vmem>> -> memref<56x128xf32, #tpu.memory_space<vmem>>
        %dma_start3A_366 = arith.constant 0 : i32
        %dma_start3A_367 = tpu.memref_slice %arg9[%dma_start3A_361, %dma_start3A_362, %dma_start3A_366] : memref<6x2x56xi32, #tpu.memory_space<vmem>> -> memref<1x1x56xi32, #tpu.memory_space<vmem>>
        %dma_start3A_368 = tpu.memref_squeeze %dma_start3A_367 : memref<1x1x56xi32, #tpu.memory_space<vmem>> -> memref<56xi32, #tpu.memory_space<vmem>>
        %dma_start3A_369 = arith.constant 0 : i32
        %dma_start3A_370 = arith.constant 0 : i32
        %dma_start3A_371 = tpu.memref_slice %arg8[%dma_start3A_369, %dma_start3A_370] : memref<10112x128xf32, #tpu.memory_space<vmem_shared>> -> memref<10112x128xf32, #tpu.memory_space<vmem_shared>>
        tpu.enqueue_indirect_dma source(%dma_start3A_365 : memref<56x128xf32, #tpu.memory_space<vmem>>) target(%dma_start3A_371 : memref<10112x128xf32, #tpu.memory_space<vmem_shared>>) offsets(%dma_start3A_368 : memref<56xi32, #tpu.memory_space<vmem>>) semaphore(%arg23 : memref<!tpu.dma_semaphore, #tpu.memory_space<semaphore_mem>>) {add = true}
        %dma_wait3A_372 = arith.constant 56 : i32
        %dma_wait3A_373 = arith.constant 0 : i32
        %dma_wait3A_374 = tpu.memref_slice %arg10[%dma_wait3A_372, %dma_wait3A_373] : memref<336x128xf32, #tpu.memory_space<vmem>> -> memref<56x128xf32, #tpu.memory_space<vmem>>
        %dma_wait3A_375 = arith.constant 0 : i32
        %dma_wait3A_376 = arith.constant 0 : i32
        %dma_wait3A_377 = tpu.memref_slice %arg2[%dma_wait3A_375, %dma_wait3A_376] : memref<10000x128xf32, #tpu.memory_space<hbm>> -> memref<56x128xf32, #tpu.memory_space<hbm>>
        %dma_wait3A_378 = arith.constant 56 : i32
        %dma_wait3A_379 = arith.constant 0 : i32
        %dma_wait3A_380 = tpu.memref_slice %arg10[%dma_wait3A_378, %dma_wait3A_379] : memref<336x128xf32, #tpu.memory_space<vmem>> -> memref<56x128xf32, #tpu.memory_space<vmem>>
        %dma_wait3A_381 = arith.constant 0 : i32
        %dma_wait3A_382 = arith.constant 0 : i32
        %dma_wait3A_383 = tpu.memref_slice %arg2[%dma_wait3A_381, %dma_wait3A_382] : memref<10000x128xf32, #tpu.memory_space<hbm>> -> memref<56x128xf32, #tpu.memory_space<hbm>>
        tpu.wait_dma2 semaphore(%arg23 : memref<!tpu.dma_semaphore, #tpu.memory_space<semaphore_mem>>) src(%dma_wait3A_383 : memref<56x128xf32, #tpu.memory_space<hbm>>) dst(%dma_wait3A_380 : memref<56x128xf32, #tpu.memory_space<vmem>>)
        %sub3A_384 = arith.constant 1 : i32
        %sub3A_385 = arith.subi %add3A_348, %sub3A_384 : i32
        %add3A_386 = arith.constant 6 : i32
        %add3A_387 = arith.addi %sub3A_385, %add3A_386 : i32
        %lt3A_388 = arith.constant 360 : i32
        %lt3A_389 = arith.cmpi slt, %add3A_387, %lt3A_388 : i32
        %convert_element_type3A_390 = arith.extui %lt3A_389 : i1 to i32
        %cond3A_391 = arith.constant 0 : i32
        %cond3A_392 = arith.cmpi ne, %convert_element_type3A_390, %cond3A_391 : i32
        scf.if %cond3A_392 {
          %sub3A_565 = arith.constant 1 : i32
          %sub3A_566 = arith.subi %add3A_348, %sub3A_565 : i32
          %add3A_567 = arith.constant 6 : i32
          %add3A_568 = arith.addi %sub3A_566, %add3A_567 : i32
          %dma_start3A_569 = arith.constant 1 : i32
          %dma_start3A_570 = arith.constant 0 : i32
          %dma_start3A_571 = arith.constant 0 : i32
          %dma_start3A_572 = tpu.memref_slice %arg9[%dma_start3A_569, %dma_start3A_570, %dma_start3A_571] : memref<6x2x56xi32, #tpu.memory_space<vmem>> -> memref<1x2x56xi32, #tpu.memory_space<vmem>>
          %dma_start3A_573 = tpu.memref_squeeze %dma_start3A_572 : memref<1x2x56xi32, #tpu.memory_space<vmem>> -> memref<2x56xi32, #tpu.memory_space<vmem>>
          %dma_start3A_574 = arith.constant 0 : i32
          %dma_start3A_575 = arith.constant 0 : i32
          %dma_start3A_576 = tpu.memref_slice %arg3[%arg1, %add3A_568, %dma_start3A_574, %dma_start3A_575] : memref<16x360x2x56xi32, #tpu.memory_space<hbm>> -> memref<1x1x2x56xi32, #tpu.memory_space<hbm>>
          %dma_start3A_577 = tpu.memref_squeeze %dma_start3A_576 : memref<1x1x2x56xi32, #tpu.memory_space<hbm>> -> memref<2x56xi32, #tpu.memory_space<hbm>>
          %dma_start3A_578 = arith.constant 0 : i32
          %dma_start3A_579 = arith.constant 0 : i32
          %dma_start3A_580 = tpu.memref_slice %arg9[%dma_start3A_569, %dma_start3A_578, %dma_start3A_579] : memref<6x2x56xi32, #tpu.memory_space<vmem>> -> memref<1x2x56xi32, #tpu.memory_space<vmem>>
          %dma_start3A_581 = tpu.memref_squeeze %dma_start3A_580 : memref<1x2x56xi32, #tpu.memory_space<vmem>> -> memref<2x56xi32, #tpu.memory_space<vmem>>
          %dma_start3A_582 = arith.constant 0 : i32
          %dma_start3A_583 = arith.constant 0 : i32
          %dma_start3A_584 = tpu.memref_slice %arg3[%arg1, %add3A_568, %dma_start3A_582, %dma_start3A_583] : memref<16x360x2x56xi32, #tpu.memory_space<hbm>> -> memref<1x1x2x56xi32, #tpu.memory_space<hbm>>
          %dma_start3A_585 = tpu.memref_squeeze %dma_start3A_584 : memref<1x1x2x56xi32, #tpu.memory_space<hbm>> -> memref<2x56xi32, #tpu.memory_space<hbm>>
          tpu.enqueue_dma source(%dma_start3A_585 : memref<2x56xi32, #tpu.memory_space<hbm>>) target(%dma_start3A_581 : memref<2x56xi32, #tpu.memory_space<vmem>>) target_semaphore(%arg18 : memref<!tpu.dma_semaphore, #tpu.memory_space<semaphore_mem>>)
        } else {
        }
        %add3A_393 = arith.constant 4 : i32
        %add3A_394 = arith.addi %add3A_348, %add3A_393 : i32
        %lt3A_395 = arith.constant 360 : i32
        %lt3A_396 = arith.cmpi slt, %add3A_394, %lt3A_395 : i32
        %convert_element_type3A_397 = arith.extui %lt3A_396 : i1 to i32
        %cond3A_398 = arith.constant 0 : i32
        %cond3A_399 = arith.cmpi ne, %convert_element_type3A_397, %cond3A_398 : i32
        scf.if %cond3A_399 {
          %dma_wait3A_565 = arith.constant 0 : i32
          %dma_wait3A_566 = arith.constant 0 : i32
          %dma_wait3A_567 = arith.constant 0 : i32
          %dma_wait3A_568 = arith.constant 0 : i32
          %dma_wait3A_569 = tpu.memref_slice %arg9[%dma_wait3A_566, %dma_wait3A_567, %dma_wait3A_568] : memref<6x2x56xi32, #tpu.memory_space<vmem>> -> memref<1x2x56xi32, #tpu.memory_space<vmem>>
          %dma_wait3A_570 = tpu.memref_squeeze %dma_wait3A_569 : memref<1x2x56xi32, #tpu.memory_space<vmem>> -> memref<2x56xi32, #tpu.memory_space<vmem>>
          %dma_wait3A_571 = arith.constant 0 : i32
          %dma_wait3A_572 = arith.constant 0 : i32
          %dma_wait3A_573 = tpu.memref_slice %arg3[%arg1, %dma_wait3A_565, %dma_wait3A_571, %dma_wait3A_572] : memref<16x360x2x56xi32, #tpu.memory_space<hbm>> -> memref<1x1x2x56xi32, #tpu.memory_space<hbm>>
          %dma_wait3A_574 = tpu.memref_squeeze %dma_wait3A_573 : memref<1x1x2x56xi32, #tpu.memory_space<hbm>> -> memref<2x56xi32, #tpu.memory_space<hbm>>
          %dma_wait3A_575 = arith.constant 0 : i32
          %dma_wait3A_576 = arith.constant 0 : i32
          %dma_wait3A_577 = tpu.memref_slice %arg9[%dma_wait3A_566, %dma_wait3A_575, %dma_wait3A_576] : memref<6x2x56xi32, #tpu.memory_space<vmem>> -> memref<1x2x56xi32, #tpu.memory_space<vmem>>
          %dma_wait3A_578 = tpu.memref_squeeze %dma_wait3A_577 : memref<1x2x56xi32, #tpu.memory_space<vmem>> -> memref<2x56xi32, #tpu.memory_space<vmem>>
          %dma_wait3A_579 = arith.constant 0 : i32
          %dma_wait3A_580 = arith.constant 0 : i32
          %dma_wait3A_581 = tpu.memref_slice %arg3[%arg1, %dma_wait3A_565, %dma_wait3A_579, %dma_wait3A_580] : memref<16x360x2x56xi32, #tpu.memory_space<hbm>> -> memref<1x1x2x56xi32, #tpu.memory_space<hbm>>
          %dma_wait3A_582 = tpu.memref_squeeze %dma_wait3A_581 : memref<1x1x2x56xi32, #tpu.memory_space<hbm>> -> memref<2x56xi32, #tpu.memory_space<hbm>>
          tpu.wait_dma2 semaphore(%arg17 : memref<!tpu.dma_semaphore, #tpu.memory_space<semaphore_mem>>) src(%dma_wait3A_582 : memref<2x56xi32, #tpu.memory_space<hbm>>) dst(%dma_wait3A_578 : memref<2x56xi32, #tpu.memory_space<vmem>>)
          %dma_start3A_583 = arith.constant 0 : i32
          %dma_start3A_584 = arith.constant 0 : i32
          %dma_start3A_585 = arith.constant 0 : i32
          %dma_start3A_586 = arith.constant 0 : i32
          %dma_start3A_587 = tpu.memref_slice %arg10[%dma_start3A_585, %dma_start3A_586] : memref<336x128xf32, #tpu.memory_space<vmem>> -> memref<56x128xf32, #tpu.memory_space<vmem>>
          %dma_start3A_588 = arith.constant 0 : i32
          %dma_start3A_589 = tpu.memref_slice %arg9[%dma_start3A_583, %dma_start3A_584, %dma_start3A_588] : memref<6x2x56xi32, #tpu.memory_space<vmem>> -> memref<1x1x56xi32, #tpu.memory_space<vmem>>
          %dma_start3A_590 = tpu.memref_squeeze %dma_start3A_589 : memref<1x1x56xi32, #tpu.memory_space<vmem>> -> memref<56xi32, #tpu.memory_space<vmem>>
          %dma_start3A_591 = arith.constant 0 : i32
          %dma_start3A_592 = arith.constant 0 : i32
          %dma_start3A_593 = tpu.memref_slice %arg2[%dma_start3A_591, %dma_start3A_592] : memref<10000x128xf32, #tpu.memory_space<hbm>> -> memref<10000x128xf32, #tpu.memory_space<hbm>>
          tpu.enqueue_indirect_dma source(%dma_start3A_593 : memref<10000x128xf32, #tpu.memory_space<hbm>>) target(%dma_start3A_587 : memref<56x128xf32, #tpu.memory_space<vmem>>) offsets(%dma_start3A_590 : memref<56xi32, #tpu.memory_space<vmem>>) semaphore(%arg11 : memref<!tpu.dma_semaphore, #tpu.memory_space<semaphore_mem>>)
        } else {
        }
        %mul3A_400 = arith.constant 6 : i32
        %mul3A_401 = arith.muli %scan3A_254, %mul3A_400 : i32
        %add3A_402 = arith.constant 3 : i32
        %add3A_403 = arith.addi %mul3A_401, %add3A_402 : i32
        %dma_wait3A_404 = arith.constant 168 : i32
        %dma_wait3A_405 = arith.constant 0 : i32
        %dma_wait3A_406 = tpu.memref_slice %arg10[%dma_wait3A_404, %dma_wait3A_405] : memref<336x128xf32, #tpu.memory_space<vmem>> -> memref<56x128xf32, #tpu.memory_space<vmem>>
        %dma_wait3A_407 = arith.constant 0 : i32
        %dma_wait3A_408 = arith.constant 0 : i32
        %dma_wait3A_409 = tpu.memref_slice %arg2[%dma_wait3A_407, %dma_wait3A_408] : memref<10000x128xf32, #tpu.memory_space<hbm>> -> memref<56x128xf32, #tpu.memory_space<hbm>>
        %dma_wait3A_410 = arith.constant 168 : i32
        %dma_wait3A_411 = arith.constant 0 : i32
        %dma_wait3A_412 = tpu.memref_slice %arg10[%dma_wait3A_410, %dma_wait3A_411] : memref<336x128xf32, #tpu.memory_space<vmem>> -> memref<56x128xf32, #tpu.memory_space<vmem>>
        %dma_wait3A_413 = arith.constant 0 : i32
        %dma_wait3A_414 = arith.constant 0 : i32
        %dma_wait3A_415 = tpu.memref_slice %arg2[%dma_wait3A_413, %dma_wait3A_414] : memref<10000x128xf32, #tpu.memory_space<hbm>> -> memref<56x128xf32, #tpu.memory_space<hbm>>
        tpu.wait_dma2 semaphore(%arg14 : memref<!tpu.dma_semaphore, #tpu.memory_space<semaphore_mem>>) src(%dma_wait3A_415 : memref<56x128xf32, #tpu.memory_space<hbm>>) dst(%dma_wait3A_412 : memref<56x128xf32, #tpu.memory_space<vmem>>)
        %dma_start3A_416 = arith.constant 3 : i32
        %dma_start3A_417 = arith.constant 1 : i32
        %dma_start3A_418 = arith.constant 168 : i32
        %dma_start3A_419 = arith.constant 0 : i32
        %dma_start3A_420 = tpu.memref_slice %arg10[%dma_start3A_418, %dma_start3A_419] : memref<336x128xf32, #tpu.memory_space<vmem>> -> memref<56x128xf32, #tpu.memory_space<vmem>>
        %dma_start3A_421 = arith.constant 0 : i32
        %dma_start3A_422 = tpu.memref_slice %arg9[%dma_start3A_416, %dma_start3A_417, %dma_start3A_421] : memref<6x2x56xi32, #tpu.memory_space<vmem>> -> memref<1x1x56xi32, #tpu.memory_space<vmem>>
        %dma_start3A_423 = tpu.memref_squeeze %dma_start3A_422 : memref<1x1x56xi32, #tpu.memory_space<vmem>> -> memref<56xi32, #tpu.memory_space<vmem>>
        %dma_start3A_424 = arith.constant 0 : i32
        %dma_start3A_425 = arith.constant 0 : i32
        %dma_start3A_426 = tpu.memref_slice %arg8[%dma_start3A_424, %dma_start3A_425] : memref<10112x128xf32, #tpu.memory_space<vmem_shared>> -> memref<10112x128xf32, #tpu.memory_space<vmem_shared>>
        tpu.enqueue_indirect_dma source(%dma_start3A_420 : memref<56x128xf32, #tpu.memory_space<vmem>>) target(%dma_start3A_426 : memref<10112x128xf32, #tpu.memory_space<vmem_shared>>) offsets(%dma_start3A_423 : memref<56xi32, #tpu.memory_space<vmem>>) semaphore(%arg23 : memref<!tpu.dma_semaphore, #tpu.memory_space<semaphore_mem>>) {add = true}
        %dma_wait3A_427 = arith.constant 112 : i32
        %dma_wait3A_428 = arith.constant 0 : i32
        %dma_wait3A_429 = tpu.memref_slice %arg10[%dma_wait3A_427, %dma_wait3A_428] : memref<336x128xf32, #tpu.memory_space<vmem>> -> memref<56x128xf32, #tpu.memory_space<vmem>>
        %dma_wait3A_430 = arith.constant 0 : i32
        %dma_wait3A_431 = arith.constant 0 : i32
        %dma_wait3A_432 = tpu.memref_slice %arg2[%dma_wait3A_430, %dma_wait3A_431] : memref<10000x128xf32, #tpu.memory_space<hbm>> -> memref<56x128xf32, #tpu.memory_space<hbm>>
        %dma_wait3A_433 = arith.constant 112 : i32
        %dma_wait3A_434 = arith.constant 0 : i32
        %dma_wait3A_435 = tpu.memref_slice %arg10[%dma_wait3A_433, %dma_wait3A_434] : memref<336x128xf32, #tpu.memory_space<vmem>> -> memref<56x128xf32, #tpu.memory_space<vmem>>
        %dma_wait3A_436 = arith.constant 0 : i32
        %dma_wait3A_437 = arith.constant 0 : i32
        %dma_wait3A_438 = tpu.memref_slice %arg2[%dma_wait3A_436, %dma_wait3A_437] : memref<10000x128xf32, #tpu.memory_space<hbm>> -> memref<56x128xf32, #tpu.memory_space<hbm>>
        tpu.wait_dma2 semaphore(%arg23 : memref<!tpu.dma_semaphore, #tpu.memory_space<semaphore_mem>>) src(%dma_wait3A_438 : memref<56x128xf32, #tpu.memory_space<hbm>>) dst(%dma_wait3A_435 : memref<56x128xf32, #tpu.memory_space<vmem>>)
        %sub3A_439 = arith.constant 1 : i32
        %sub3A_440 = arith.subi %add3A_403, %sub3A_439 : i32
        %add3A_441 = arith.constant 6 : i32
        %add3A_442 = arith.addi %sub3A_440, %add3A_441 : i32
        %lt3A_443 = arith.constant 360 : i32
        %lt3A_444 = arith.cmpi slt, %add3A_442, %lt3A_443 : i32
        %convert_element_type3A_445 = arith.extui %lt3A_444 : i1 to i32
        %cond3A_446 = arith.constant 0 : i32
        %cond3A_447 = arith.cmpi ne, %convert_element_type3A_445, %cond3A_446 : i32
        scf.if %cond3A_447 {
          %sub3A_565 = arith.constant 1 : i32
          %sub3A_566 = arith.subi %add3A_403, %sub3A_565 : i32
          %add3A_567 = arith.constant 6 : i32
          %add3A_568 = arith.addi %sub3A_566, %add3A_567 : i32
          %dma_start3A_569 = arith.constant 2 : i32
          %dma_start3A_570 = arith.constant 0 : i32
          %dma_start3A_571 = arith.constant 0 : i32
          %dma_start3A_572 = tpu.memref_slice %arg9[%dma_start3A_569, %dma_start3A_570, %dma_start3A_571] : memref<6x2x56xi32, #tpu.memory_space<vmem>> -> memref<1x2x56xi32, #tpu.memory_space<vmem>>
          %dma_start3A_573 = tpu.memref_squeeze %dma_start3A_572 : memref<1x2x56xi32, #tpu.memory_space<vmem>> -> memref<2x56xi32, #tpu.memory_space<vmem>>
          %dma_start3A_574 = arith.constant 0 : i32
          %dma_start3A_575 = arith.constant 0 : i32
          %dma_start3A_576 = tpu.memref_slice %arg3[%arg1, %add3A_568, %dma_start3A_574, %dma_start3A_575] : memref<16x360x2x56xi32, #tpu.memory_space<hbm>> -> memref<1x1x2x56xi32, #tpu.memory_space<hbm>>
          %dma_start3A_577 = tpu.memref_squeeze %dma_start3A_576 : memref<1x1x2x56xi32, #tpu.memory_space<hbm>> -> memref<2x56xi32, #tpu.memory_space<hbm>>
          %dma_start3A_578 = arith.constant 0 : i32
          %dma_start3A_579 = arith.constant 0 : i32
          %dma_start3A_580 = tpu.memref_slice %arg9[%dma_start3A_569, %dma_start3A_578, %dma_start3A_579] : memref<6x2x56xi32, #tpu.memory_space<vmem>> -> memref<1x2x56xi32, #tpu.memory_space<vmem>>
          %dma_start3A_581 = tpu.memref_squeeze %dma_start3A_580 : memref<1x2x56xi32, #tpu.memory_space<vmem>> -> memref<2x56xi32, #tpu.memory_space<vmem>>
          %dma_start3A_582 = arith.constant 0 : i32
          %dma_start3A_583 = arith.constant 0 : i32
          %dma_start3A_584 = tpu.memref_slice %arg3[%arg1, %add3A_568, %dma_start3A_582, %dma_start3A_583] : memref<16x360x2x56xi32, #tpu.memory_space<hbm>> -> memref<1x1x2x56xi32, #tpu.memory_space<hbm>>
          %dma_start3A_585 = tpu.memref_squeeze %dma_start3A_584 : memref<1x1x2x56xi32, #tpu.memory_space<hbm>> -> memref<2x56xi32, #tpu.memory_space<hbm>>
          tpu.enqueue_dma source(%dma_start3A_585 : memref<2x56xi32, #tpu.memory_space<hbm>>) target(%dma_start3A_581 : memref<2x56xi32, #tpu.memory_space<vmem>>) target_semaphore(%arg19 : memref<!tpu.dma_semaphore, #tpu.memory_space<semaphore_mem>>)
        } else {
        }
        %add3A_448 = arith.constant 4 : i32
        %add3A_449 = arith.addi %add3A_403, %add3A_448 : i32
        %lt3A_450 = arith.constant 360 : i32
        %lt3A_451 = arith.cmpi slt, %add3A_449, %lt3A_450 : i32
        %convert_element_type3A_452 = arith.extui %lt3A_451 : i1 to i32
        %cond3A_453 = arith.constant 0 : i32
        %cond3A_454 = arith.cmpi ne, %convert_element_type3A_452, %cond3A_453 : i32
        scf.if %cond3A_454 {
          %dma_wait3A_565 = arith.constant 0 : i32
          %dma_wait3A_566 = arith.constant 1 : i32
          %dma_wait3A_567 = arith.constant 0 : i32
          %dma_wait3A_568 = arith.constant 0 : i32
          %dma_wait3A_569 = tpu.memref_slice %arg9[%dma_wait3A_566, %dma_wait3A_567, %dma_wait3A_568] : memref<6x2x56xi32, #tpu.memory_space<vmem>> -> memref<1x2x56xi32, #tpu.memory_space<vmem>>
          %dma_wait3A_570 = tpu.memref_squeeze %dma_wait3A_569 : memref<1x2x56xi32, #tpu.memory_space<vmem>> -> memref<2x56xi32, #tpu.memory_space<vmem>>
          %dma_wait3A_571 = arith.constant 0 : i32
          %dma_wait3A_572 = arith.constant 0 : i32
          %dma_wait3A_573 = tpu.memref_slice %arg3[%arg1, %dma_wait3A_565, %dma_wait3A_571, %dma_wait3A_572] : memref<16x360x2x56xi32, #tpu.memory_space<hbm>> -> memref<1x1x2x56xi32, #tpu.memory_space<hbm>>
          %dma_wait3A_574 = tpu.memref_squeeze %dma_wait3A_573 : memref<1x1x2x56xi32, #tpu.memory_space<hbm>> -> memref<2x56xi32, #tpu.memory_space<hbm>>
          %dma_wait3A_575 = arith.constant 0 : i32
          %dma_wait3A_576 = arith.constant 0 : i32
          %dma_wait3A_577 = tpu.memref_slice %arg9[%dma_wait3A_566, %dma_wait3A_575, %dma_wait3A_576] : memref<6x2x56xi32, #tpu.memory_space<vmem>> -> memref<1x2x56xi32, #tpu.memory_space<vmem>>
          %dma_wait3A_578 = tpu.memref_squeeze %dma_wait3A_577 : memref<1x2x56xi32, #tpu.memory_space<vmem>> -> memref<2x56xi32, #tpu.memory_space<vmem>>
          %dma_wait3A_579 = arith.constant 0 : i32
          %dma_wait3A_580 = arith.constant 0 : i32
          %dma_wait3A_581 = tpu.memref_slice %arg3[%arg1, %dma_wait3A_565, %dma_wait3A_579, %dma_wait3A_580] : memref<16x360x2x56xi32, #tpu.memory_space<hbm>> -> memref<1x1x2x56xi32, #tpu.memory_space<hbm>>
          %dma_wait3A_582 = tpu.memref_squeeze %dma_wait3A_581 : memref<1x1x2x56xi32, #tpu.memory_space<hbm>> -> memref<2x56xi32, #tpu.memory_space<hbm>>
          tpu.wait_dma2 semaphore(%arg18 : memref<!tpu.dma_semaphore, #tpu.memory_space<semaphore_mem>>) src(%dma_wait3A_582 : memref<2x56xi32, #tpu.memory_space<hbm>>) dst(%dma_wait3A_578 : memref<2x56xi32, #tpu.memory_space<vmem>>)
          %dma_start3A_583 = arith.constant 1 : i32
          %dma_start3A_584 = arith.constant 0 : i32
          %dma_start3A_585 = arith.constant 56 : i32
          %dma_start3A_586 = arith.constant 0 : i32
          %dma_start3A_587 = tpu.memref_slice %arg10[%dma_start3A_585, %dma_start3A_586] : memref<336x128xf32, #tpu.memory_space<vmem>> -> memref<56x128xf32, #tpu.memory_space<vmem>>
          %dma_start3A_588 = arith.constant 0 : i32
          %dma_start3A_589 = tpu.memref_slice %arg9[%dma_start3A_583, %dma_start3A_584, %dma_start3A_588] : memref<6x2x56xi32, #tpu.memory_space<vmem>> -> memref<1x1x56xi32, #tpu.memory_space<vmem>>
          %dma_start3A_590 = tpu.memref_squeeze %dma_start3A_589 : memref<1x1x56xi32, #tpu.memory_space<vmem>> -> memref<56xi32, #tpu.memory_space<vmem>>
          %dma_start3A_591 = arith.constant 0 : i32
          %dma_start3A_592 = arith.constant 0 : i32
          %dma_start3A_593 = tpu.memref_slice %arg2[%dma_start3A_591, %dma_start3A_592] : memref<10000x128xf32, #tpu.memory_space<hbm>> -> memref<10000x128xf32, #tpu.memory_space<hbm>>
          tpu.enqueue_indirect_dma source(%dma_start3A_593 : memref<10000x128xf32, #tpu.memory_space<hbm>>) target(%dma_start3A_587 : memref<56x128xf32, #tpu.memory_space<vmem>>) offsets(%dma_start3A_590 : memref<56xi32, #tpu.memory_space<vmem>>) semaphore(%arg12 : memref<!tpu.dma_semaphore, #tpu.memory_space<semaphore_mem>>)
        } else {
        }
        %mul3A_455 = arith.constant 6 : i32
        %mul3A_456 = arith.muli %scan3A_254, %mul3A_455 : i32
        %add3A_457 = arith.constant 4 : i32
        %add3A_458 = arith.addi %mul3A_456, %add3A_457 : i32
        %dma_wait3A_459 = arith.constant 224 : i32
        %dma_wait3A_460 = arith.constant 0 : i32
        %dma_wait3A_461 = tpu.memref_slice %arg10[%dma_wait3A_459, %dma_wait3A_460] : memref<336x128xf32, #tpu.memory_space<vmem>> -> memref<56x128xf32, #tpu.memory_space<vmem>>
        %dma_wait3A_462 = arith.constant 0 : i32
        %dma_wait3A_463 = arith.constant 0 : i32
        %dma_wait3A_464 = tpu.memref_slice %arg2[%dma_wait3A_462, %dma_wait3A_463] : memref<10000x128xf32, #tpu.memory_space<hbm>> -> memref<56x128xf32, #tpu.memory_space<hbm>>
        %dma_wait3A_465 = arith.constant 224 : i32
        %dma_wait3A_466 = arith.constant 0 : i32
        %dma_wait3A_467 = tpu.memref_slice %arg10[%dma_wait3A_465, %dma_wait3A_466] : memref<336x128xf32, #tpu.memory_space<vmem>> -> memref<56x128xf32, #tpu.memory_space<vmem>>
        %dma_wait3A_468 = arith.constant 0 : i32
        %dma_wait3A_469 = arith.constant 0 : i32
        %dma_wait3A_470 = tpu.memref_slice %arg2[%dma_wait3A_468, %dma_wait3A_469] : memref<10000x128xf32, #tpu.memory_space<hbm>> -> memref<56x128xf32, #tpu.memory_space<hbm>>
        tpu.wait_dma2 semaphore(%arg15 : memref<!tpu.dma_semaphore, #tpu.memory_space<semaphore_mem>>) src(%dma_wait3A_470 : memref<56x128xf32, #tpu.memory_space<hbm>>) dst(%dma_wait3A_467 : memref<56x128xf32, #tpu.memory_space<vmem>>)
        %dma_start3A_471 = arith.constant 4 : i32
        %dma_start3A_472 = arith.constant 1 : i32
        %dma_start3A_473 = arith.constant 224 : i32
        %dma_start3A_474 = arith.constant 0 : i32
        %dma_start3A_475 = tpu.memref_slice %arg10[%dma_start3A_473, %dma_start3A_474] : memref<336x128xf32, #tpu.memory_space<vmem>> -> memref<56x128xf32, #tpu.memory_space<vmem>>
        %dma_start3A_476 = arith.constant 0 : i32
        %dma_start3A_477 = tpu.memref_slice %arg9[%dma_start3A_471, %dma_start3A_472, %dma_start3A_476] : memref<6x2x56xi32, #tpu.memory_space<vmem>> -> memref<1x1x56xi32, #tpu.memory_space<vmem>>
        %dma_start3A_478 = tpu.memref_squeeze %dma_start3A_477 : memref<1x1x56xi32, #tpu.memory_space<vmem>> -> memref<56xi32, #tpu.memory_space<vmem>>
        %dma_start3A_479 = arith.constant 0 : i32
        %dma_start3A_480 = arith.constant 0 : i32
        %dma_start3A_481 = tpu.memref_slice %arg8[%dma_start3A_479, %dma_start3A_480] : memref<10112x128xf32, #tpu.memory_space<vmem_shared>> -> memref<10112x128xf32, #tpu.memory_space<vmem_shared>>
        tpu.enqueue_indirect_dma source(%dma_start3A_475 : memref<56x128xf32, #tpu.memory_space<vmem>>) target(%dma_start3A_481 : memref<10112x128xf32, #tpu.memory_space<vmem_shared>>) offsets(%dma_start3A_478 : memref<56xi32, #tpu.memory_space<vmem>>) semaphore(%arg23 : memref<!tpu.dma_semaphore, #tpu.memory_space<semaphore_mem>>) {add = true}
        %dma_wait3A_482 = arith.constant 168 : i32
        %dma_wait3A_483 = arith.constant 0 : i32
        %dma_wait3A_484 = tpu.memref_slice %arg10[%dma_wait3A_482, %dma_wait3A_483] : memref<336x128xf32, #tpu.memory_space<vmem>> -> memref<56x128xf32, #tpu.memory_space<vmem>>
        %dma_wait3A_485 = arith.constant 0 : i32
        %dma_wait3A_486 = arith.constant 0 : i32
        %dma_wait3A_487 = tpu.memref_slice %arg2[%dma_wait3A_485, %dma_wait3A_486] : memref<10000x128xf32, #tpu.memory_space<hbm>> -> memref<56x128xf32, #tpu.memory_space<hbm>>
        %dma_wait3A_488 = arith.constant 168 : i32
        %dma_wait3A_489 = arith.constant 0 : i32
        %dma_wait3A_490 = tpu.memref_slice %arg10[%dma_wait3A_488, %dma_wait3A_489] : memref<336x128xf32, #tpu.memory_space<vmem>> -> memref<56x128xf32, #tpu.memory_space<vmem>>
        %dma_wait3A_491 = arith.constant 0 : i32
        %dma_wait3A_492 = arith.constant 0 : i32
        %dma_wait3A_493 = tpu.memref_slice %arg2[%dma_wait3A_491, %dma_wait3A_492] : memref<10000x128xf32, #tpu.memory_space<hbm>> -> memref<56x128xf32, #tpu.memory_space<hbm>>
        tpu.wait_dma2 semaphore(%arg23 : memref<!tpu.dma_semaphore, #tpu.memory_space<semaphore_mem>>) src(%dma_wait3A_493 : memref<56x128xf32, #tpu.memory_space<hbm>>) dst(%dma_wait3A_490 : memref<56x128xf32, #tpu.memory_space<vmem>>)
        %sub3A_494 = arith.constant 1 : i32
        %sub3A_495 = arith.subi %add3A_458, %sub3A_494 : i32
        %add3A_496 = arith.constant 6 : i32
        %add3A_497 = arith.addi %sub3A_495, %add3A_496 : i32
        %lt3A_498 = arith.constant 360 : i32
        %lt3A_499 = arith.cmpi slt, %add3A_497, %lt3A_498 : i32
        %convert_element_type3A_500 = arith.extui %lt3A_499 : i1 to i32
        %cond3A_501 = arith.constant 0 : i32
        %cond3A_502 = arith.cmpi ne, %convert_element_type3A_500, %cond3A_501 : i32
        scf.if %cond3A_502 {
          %sub3A_565 = arith.constant 1 : i32
          %sub3A_566 = arith.subi %add3A_458, %sub3A_565 : i32
          %add3A_567 = arith.constant 6 : i32
          %add3A_568 = arith.addi %sub3A_566, %add3A_567 : i32
          %dma_start3A_569 = arith.constant 3 : i32
          %dma_start3A_570 = arith.constant 0 : i32
          %dma_start3A_571 = arith.constant 0 : i32
          %dma_start3A_572 = tpu.memref_slice %arg9[%dma_start3A_569, %dma_start3A_570, %dma_start3A_571] : memref<6x2x56xi32, #tpu.memory_space<vmem>> -> memref<1x2x56xi32, #tpu.memory_space<vmem>>
          %dma_start3A_573 = tpu.memref_squeeze %dma_start3A_572 : memref<1x2x56xi32, #tpu.memory_space<vmem>> -> memref<2x56xi32, #tpu.memory_space<vmem>>
          %dma_start3A_574 = arith.constant 0 : i32
          %dma_start3A_575 = arith.constant 0 : i32
          %dma_start3A_576 = tpu.memref_slice %arg3[%arg1, %add3A_568, %dma_start3A_574, %dma_start3A_575] : memref<16x360x2x56xi32, #tpu.memory_space<hbm>> -> memref<1x1x2x56xi32, #tpu.memory_space<hbm>>
          %dma_start3A_577 = tpu.memref_squeeze %dma_start3A_576 : memref<1x1x2x56xi32, #tpu.memory_space<hbm>> -> memref<2x56xi32, #tpu.memory_space<hbm>>
          %dma_start3A_578 = arith.constant 0 : i32
          %dma_start3A_579 = arith.constant 0 : i32
          %dma_start3A_580 = tpu.memref_slice %arg9[%dma_start3A_569, %dma_start3A_578, %dma_start3A_579] : memref<6x2x56xi32, #tpu.memory_space<vmem>> -> memref<1x2x56xi32, #tpu.memory_space<vmem>>
          %dma_start3A_581 = tpu.memref_squeeze %dma_start3A_580 : memref<1x2x56xi32, #tpu.memory_space<vmem>> -> memref<2x56xi32, #tpu.memory_space<vmem>>
          %dma_start3A_582 = arith.constant 0 : i32
          %dma_start3A_583 = arith.constant 0 : i32
          %dma_start3A_584 = tpu.memref_slice %arg3[%arg1, %add3A_568, %dma_start3A_582, %dma_start3A_583] : memref<16x360x2x56xi32, #tpu.memory_space<hbm>> -> memref<1x1x2x56xi32, #tpu.memory_space<hbm>>
          %dma_start3A_585 = tpu.memref_squeeze %dma_start3A_584 : memref<1x1x2x56xi32, #tpu.memory_space<hbm>> -> memref<2x56xi32, #tpu.memory_space<hbm>>
          tpu.enqueue_dma source(%dma_start3A_585 : memref<2x56xi32, #tpu.memory_space<hbm>>) target(%dma_start3A_581 : memref<2x56xi32, #tpu.memory_space<vmem>>) target_semaphore(%arg20 : memref<!tpu.dma_semaphore, #tpu.memory_space<semaphore_mem>>)
        } else {
        }
        %add3A_503 = arith.constant 4 : i32
        %add3A_504 = arith.addi %add3A_458, %add3A_503 : i32
        %lt3A_505 = arith.constant 360 : i32
        %lt3A_506 = arith.cmpi slt, %add3A_504, %lt3A_505 : i32
        %convert_element_type3A_507 = arith.extui %lt3A_506 : i1 to i32
        %cond3A_508 = arith.constant 0 : i32
        %cond3A_509 = arith.cmpi ne, %convert_element_type3A_507, %cond3A_508 : i32
        scf.if %cond3A_509 {
          %dma_wait3A_565 = arith.constant 0 : i32
          %dma_wait3A_566 = arith.constant 2 : i32
          %dma_wait3A_567 = arith.constant 0 : i32
          %dma_wait3A_568 = arith.constant 0 : i32
          %dma_wait3A_569 = tpu.memref_slice %arg9[%dma_wait3A_566, %dma_wait3A_567, %dma_wait3A_568] : memref<6x2x56xi32, #tpu.memory_space<vmem>> -> memref<1x2x56xi32, #tpu.memory_space<vmem>>
          %dma_wait3A_570 = tpu.memref_squeeze %dma_wait3A_569 : memref<1x2x56xi32, #tpu.memory_space<vmem>> -> memref<2x56xi32, #tpu.memory_space<vmem>>
          %dma_wait3A_571 = arith.constant 0 : i32
          %dma_wait3A_572 = arith.constant 0 : i32
          %dma_wait3A_573 = tpu.memref_slice %arg3[%arg1, %dma_wait3A_565, %dma_wait3A_571, %dma_wait3A_572] : memref<16x360x2x56xi32, #tpu.memory_space<hbm>> -> memref<1x1x2x56xi32, #tpu.memory_space<hbm>>
          %dma_wait3A_574 = tpu.memref_squeeze %dma_wait3A_573 : memref<1x1x2x56xi32, #tpu.memory_space<hbm>> -> memref<2x56xi32, #tpu.memory_space<hbm>>
          %dma_wait3A_575 = arith.constant 0 : i32
          %dma_wait3A_576 = arith.constant 0 : i32
          %dma_wait3A_577 = tpu.memref_slice %arg9[%dma_wait3A_566, %dma_wait3A_575, %dma_wait3A_576] : memref<6x2x56xi32, #tpu.memory_space<vmem>> -> memref<1x2x56xi32, #tpu.memory_space<vmem>>
          %dma_wait3A_578 = tpu.memref_squeeze %dma_wait3A_577 : memref<1x2x56xi32, #tpu.memory_space<vmem>> -> memref<2x56xi32, #tpu.memory_space<vmem>>
          %dma_wait3A_579 = arith.constant 0 : i32
          %dma_wait3A_580 = arith.constant 0 : i32
          %dma_wait3A_581 = tpu.memref_slice %arg3[%arg1, %dma_wait3A_565, %dma_wait3A_579, %dma_wait3A_580] : memref<16x360x2x56xi32, #tpu.memory_space<hbm>> -> memref<1x1x2x56xi32, #tpu.memory_space<hbm>>
          %dma_wait3A_582 = tpu.memref_squeeze %dma_wait3A_581 : memref<1x1x2x56xi32, #tpu.memory_space<hbm>> -> memref<2x56xi32, #tpu.memory_space<hbm>>
          tpu.wait_dma2 semaphore(%arg19 : memref<!tpu.dma_semaphore, #tpu.memory_space<semaphore_mem>>) src(%dma_wait3A_582 : memref<2x56xi32, #tpu.memory_space<hbm>>) dst(%dma_wait3A_578 : memref<2x56xi32, #tpu.memory_space<vmem>>)
          %dma_start3A_583 = arith.constant 2 : i32
          %dma_start3A_584 = arith.constant 0 : i32
          %dma_start3A_585 = arith.constant 112 : i32
          %dma_start3A_586 = arith.constant 0 : i32
          %dma_start3A_587 = tpu.memref_slice %arg10[%dma_start3A_585, %dma_start3A_586] : memref<336x128xf32, #tpu.memory_space<vmem>> -> memref<56x128xf32, #tpu.memory_space<vmem>>
          %dma_start3A_588 = arith.constant 0 : i32
          %dma_start3A_589 = tpu.memref_slice %arg9[%dma_start3A_583, %dma_start3A_584, %dma_start3A_588] : memref<6x2x56xi32, #tpu.memory_space<vmem>> -> memref<1x1x56xi32, #tpu.memory_space<vmem>>
          %dma_start3A_590 = tpu.memref_squeeze %dma_start3A_589 : memref<1x1x56xi32, #tpu.memory_space<vmem>> -> memref<56xi32, #tpu.memory_space<vmem>>
          %dma_start3A_591 = arith.constant 0 : i32
          %dma_start3A_592 = arith.constant 0 : i32
          %dma_start3A_593 = tpu.memref_slice %arg2[%dma_start3A_591, %dma_start3A_592] : memref<10000x128xf32, #tpu.memory_space<hbm>> -> memref<10000x128xf32, #tpu.memory_space<hbm>>
          tpu.enqueue_indirect_dma source(%dma_start3A_593 : memref<10000x128xf32, #tpu.memory_space<hbm>>) target(%dma_start3A_587 : memref<56x128xf32, #tpu.memory_space<vmem>>) offsets(%dma_start3A_590 : memref<56xi32, #tpu.memory_space<vmem>>) semaphore(%arg13 : memref<!tpu.dma_semaphore, #tpu.memory_space<semaphore_mem>>)
        } else {
        }
        %mul3A_510 = arith.constant 6 : i32
        %mul3A_511 = arith.muli %scan3A_254, %mul3A_510 : i32
        %add3A_512 = arith.constant 5 : i32
        %add3A_513 = arith.addi %mul3A_511, %add3A_512 : i32
        %dma_wait3A_514 = arith.constant 280 : i32
        %dma_wait3A_515 = arith.constant 0 : i32
        %dma_wait3A_516 = tpu.memref_slice %arg10[%dma_wait3A_514, %dma_wait3A_515] : memref<336x128xf32, #tpu.memory_space<vmem>> -> memref<56x128xf32, #tpu.memory_space<vmem>>
        %dma_wait3A_517 = arith.constant 0 : i32
        %dma_wait3A_518 = arith.constant 0 : i32
        %dma_wait3A_519 = tpu.memref_slice %arg2[%dma_wait3A_517, %dma_wait3A_518] : memref<10000x128xf32, #tpu.memory_space<hbm>> -> memref<56x128xf32, #tpu.memory_space<hbm>>
        %dma_wait3A_520 = arith.constant 280 : i32
        %dma_wait3A_521 = arith.constant 0 : i32
        %dma_wait3A_522 = tpu.memref_slice %arg10[%dma_wait3A_520, %dma_wait3A_521] : memref<336x128xf32, #tpu.memory_space<vmem>> -> memref<56x128xf32, #tpu.memory_space<vmem>>
        %dma_wait3A_523 = arith.constant 0 : i32
        %dma_wait3A_524 = arith.constant 0 : i32
        %dma_wait3A_525 = tpu.memref_slice %arg2[%dma_wait3A_523, %dma_wait3A_524] : memref<10000x128xf32, #tpu.memory_space<hbm>> -> memref<56x128xf32, #tpu.memory_space<hbm>>
        tpu.wait_dma2 semaphore(%arg16 : memref<!tpu.dma_semaphore, #tpu.memory_space<semaphore_mem>>) src(%dma_wait3A_525 : memref<56x128xf32, #tpu.memory_space<hbm>>) dst(%dma_wait3A_522 : memref<56x128xf32, #tpu.memory_space<vmem>>)
        %dma_start3A_526 = arith.constant 5 : i32
        %dma_start3A_527 = arith.constant 1 : i32
        %dma_start3A_528 = arith.constant 280 : i32
        %dma_start3A_529 = arith.constant 0 : i32
        %dma_start3A_530 = tpu.memref_slice %arg10[%dma_start3A_528, %dma_start3A_529] : memref<336x128xf32, #tpu.memory_space<vmem>> -> memref<56x128xf32, #tpu.memory_space<vmem>>
        %dma_start3A_531 = arith.constant 0 : i32
        %dma_start3A_532 = tpu.memref_slice %arg9[%dma_start3A_526, %dma_start3A_527, %dma_start3A_531] : memref<6x2x56xi32, #tpu.memory_space<vmem>> -> memref<1x1x56xi32, #tpu.memory_space<vmem>>
        %dma_start3A_533 = tpu.memref_squeeze %dma_start3A_532 : memref<1x1x56xi32, #tpu.memory_space<vmem>> -> memref<56xi32, #tpu.memory_space<vmem>>
        %dma_start3A_534 = arith.constant 0 : i32
        %dma_start3A_535 = arith.constant 0 : i32
        %dma_start3A_536 = tpu.memref_slice %arg8[%dma_start3A_534, %dma_start3A_535] : memref<10112x128xf32, #tpu.memory_space<vmem_shared>> -> memref<10112x128xf32, #tpu.memory_space<vmem_shared>>
        tpu.enqueue_indirect_dma source(%dma_start3A_530 : memref<56x128xf32, #tpu.memory_space<vmem>>) target(%dma_start3A_536 : memref<10112x128xf32, #tpu.memory_space<vmem_shared>>) offsets(%dma_start3A_533 : memref<56xi32, #tpu.memory_space<vmem>>) semaphore(%arg23 : memref<!tpu.dma_semaphore, #tpu.memory_space<semaphore_mem>>) {add = true}
        %dma_wait3A_537 = arith.constant 224 : i32
        %dma_wait3A_538 = arith.constant 0 : i32
        %dma_wait3A_539 = tpu.memref_slice %arg10[%dma_wait3A_537, %dma_wait3A_538] : memref<336x128xf32, #tpu.memory_space<vmem>> -> memref<56x128xf32, #tpu.memory_space<vmem>>
        %dma_wait3A_540 = arith.constant 0 : i32
        %dma_wait3A_541 = arith.constant 0 : i32
        %dma_wait3A_542 = tpu.memref_slice %arg2[%dma_wait3A_540, %dma_wait3A_541] : memref<10000x128xf32, #tpu.memory_space<hbm>> -> memref<56x128xf32, #tpu.memory_space<hbm>>
        %dma_wait3A_543 = arith.constant 224 : i32
        %dma_wait3A_544 = arith.constant 0 : i32
        %dma_wait3A_545 = tpu.memref_slice %arg10[%dma_wait3A_543, %dma_wait3A_544] : memref<336x128xf32, #tpu.memory_space<vmem>> -> memref<56x128xf32, #tpu.memory_space<vmem>>
        %dma_wait3A_546 = arith.constant 0 : i32
        %dma_wait3A_547 = arith.constant 0 : i32
        %dma_wait3A_548 = tpu.memref_slice %arg2[%dma_wait3A_546, %dma_wait3A_547] : memref<10000x128xf32, #tpu.memory_space<hbm>> -> memref<56x128xf32, #tpu.memory_space<hbm>>
        tpu.wait_dma2 semaphore(%arg23 : memref<!tpu.dma_semaphore, #tpu.memory_space<semaphore_mem>>) src(%dma_wait3A_548 : memref<56x128xf32, #tpu.memory_space<hbm>>) dst(%dma_wait3A_545 : memref<56x128xf32, #tpu.memory_space<vmem>>)
        %sub3A_549 = arith.constant 1 : i32
        %sub3A_550 = arith.subi %add3A_513, %sub3A_549 : i32
        %add3A_551 = arith.constant 6 : i32
        %add3A_552 = arith.addi %sub3A_550, %add3A_551 : i32
        %lt3A_553 = arith.constant 360 : i32
        %lt3A_554 = arith.cmpi slt, %add3A_552, %lt3A_553 : i32
        %convert_element_type3A_555 = arith.extui %lt3A_554 : i1 to i32
        %cond3A_556 = arith.constant 0 : i32
        %cond3A_557 = arith.cmpi ne, %convert_element_type3A_555, %cond3A_556 : i32
        scf.if %cond3A_557 {
          %sub3A_565 = arith.constant 1 : i32
          %sub3A_566 = arith.subi %add3A_513, %sub3A_565 : i32
          %add3A_567 = arith.constant 6 : i32
          %add3A_568 = arith.addi %sub3A_566, %add3A_567 : i32
          %dma_start3A_569 = arith.constant 4 : i32
          %dma_start3A_570 = arith.constant 0 : i32
          %dma_start3A_571 = arith.constant 0 : i32
          %dma_start3A_572 = tpu.memref_slice %arg9[%dma_start3A_569, %dma_start3A_570, %dma_start3A_571] : memref<6x2x56xi32, #tpu.memory_space<vmem>> -> memref<1x2x56xi32, #tpu.memory_space<vmem>>
          %dma_start3A_573 = tpu.memref_squeeze %dma_start3A_572 : memref<1x2x56xi32, #tpu.memory_space<vmem>> -> memref<2x56xi32, #tpu.memory_space<vmem>>
          %dma_start3A_574 = arith.constant 0 : i32
          %dma_start3A_575 = arith.constant 0 : i32
          %dma_start3A_576 = tpu.memref_slice %arg3[%arg1, %add3A_568, %dma_start3A_574, %dma_start3A_575] : memref<16x360x2x56xi32, #tpu.memory_space<hbm>> -> memref<1x1x2x56xi32, #tpu.memory_space<hbm>>
          %dma_start3A_577 = tpu.memref_squeeze %dma_start3A_576 : memref<1x1x2x56xi32, #tpu.memory_space<hbm>> -> memref<2x56xi32, #tpu.memory_space<hbm>>
          %dma_start3A_578 = arith.constant 0 : i32
          %dma_start3A_579 = arith.constant 0 : i32
          %dma_start3A_580 = tpu.memref_slice %arg9[%dma_start3A_569, %dma_start3A_578, %dma_start3A_579] : memref<6x2x56xi32, #tpu.memory_space<vmem>> -> memref<1x2x56xi32, #tpu.memory_space<vmem>>
          %dma_start3A_581 = tpu.memref_squeeze %dma_start3A_580 : memref<1x2x56xi32, #tpu.memory_space<vmem>> -> memref<2x56xi32, #tpu.memory_space<vmem>>
          %dma_start3A_582 = arith.constant 0 : i32
          %dma_start3A_583 = arith.constant 0 : i32
          %dma_start3A_584 = tpu.memref_slice %arg3[%arg1, %add3A_568, %dma_start3A_582, %dma_start3A_583] : memref<16x360x2x56xi32, #tpu.memory_space<hbm>> -> memref<1x1x2x56xi32, #tpu.memory_space<hbm>>
          %dma_start3A_585 = tpu.memref_squeeze %dma_start3A_584 : memref<1x1x2x56xi32, #tpu.memory_space<hbm>> -> memref<2x56xi32, #tpu.memory_space<hbm>>
          tpu.enqueue_dma source(%dma_start3A_585 : memref<2x56xi32, #tpu.memory_space<hbm>>) target(%dma_start3A_581 : memref<2x56xi32, #tpu.memory_space<vmem>>) target_semaphore(%arg21 : memref<!tpu.dma_semaphore, #tpu.memory_space<semaphore_mem>>)
        } else {
        }
        %add3A_558 = arith.constant 4 : i32
        %add3A_559 = arith.addi %add3A_513, %add3A_558 : i32
        %lt3A_560 = arith.constant 360 : i32
        %lt3A_561 = arith.cmpi slt, %add3A_559, %lt3A_560 : i32
        %convert_element_type3A_562 = arith.extui %lt3A_561 : i1 to i32
        %cond3A_563 = arith.constant 0 : i32
        %cond3A_564 = arith.cmpi ne, %convert_element_type3A_562, %cond3A_563 : i32
        scf.if %cond3A_564 {
          %dma_wait3A_565 = arith.constant 0 : i32
          %dma_wait3A_566 = arith.constant 3 : i32
          %dma_wait3A_567 = arith.constant 0 : i32
          %dma_wait3A_568 = arith.constant 0 : i32
          %dma_wait3A_569 = tpu.memref_slice %arg9[%dma_wait3A_566, %dma_wait3A_567, %dma_wait3A_568] : memref<6x2x56xi32, #tpu.memory_space<vmem>> -> memref<1x2x56xi32, #tpu.memory_space<vmem>>
          %dma_wait3A_570 = tpu.memref_squeeze %dma_wait3A_569 : memref<1x2x56xi32, #tpu.memory_space<vmem>> -> memref<2x56xi32, #tpu.memory_space<vmem>>
          %dma_wait3A_571 = arith.constant 0 : i32
          %dma_wait3A_572 = arith.constant 0 : i32
          %dma_wait3A_573 = tpu.memref_slice %arg3[%arg1, %dma_wait3A_565, %dma_wait3A_571, %dma_wait3A_572] : memref<16x360x2x56xi32, #tpu.memory_space<hbm>> -> memref<1x1x2x56xi32, #tpu.memory_space<hbm>>
          %dma_wait3A_574 = tpu.memref_squeeze %dma_wait3A_573 : memref<1x1x2x56xi32, #tpu.memory_space<hbm>> -> memref<2x56xi32, #tpu.memory_space<hbm>>
          %dma_wait3A_575 = arith.constant 0 : i32
          %dma_wait3A_576 = arith.constant 0 : i32
          %dma_wait3A_577 = tpu.memref_slice %arg9[%dma_wait3A_566, %dma_wait3A_575, %dma_wait3A_576] : memref<6x2x56xi32, #tpu.memory_space<vmem>> -> memref<1x2x56xi32, #tpu.memory_space<vmem>>
          %dma_wait3A_578 = tpu.memref_squeeze %dma_wait3A_577 : memref<1x2x56xi32, #tpu.memory_space<vmem>> -> memref<2x56xi32, #tpu.memory_space<vmem>>
          %dma_wait3A_579 = arith.constant 0 : i32
          %dma_wait3A_580 = arith.constant 0 : i32
          %dma_wait3A_581 = tpu.memref_slice %arg3[%arg1, %dma_wait3A_565, %dma_wait3A_579, %dma_wait3A_580] : memref<16x360x2x56xi32, #tpu.memory_space<hbm>> -> memref<1x1x2x56xi32, #tpu.memory_space<hbm>>
          %dma_wait3A_582 = tpu.memref_squeeze %dma_wait3A_581 : memref<1x1x2x56xi32, #tpu.memory_space<hbm>> -> memref<2x56xi32, #tpu.memory_space<hbm>>
          tpu.wait_dma2 semaphore(%arg20 : memref<!tpu.dma_semaphore, #tpu.memory_space<semaphore_mem>>) src(%dma_wait3A_582 : memref<2x56xi32, #tpu.memory_space<hbm>>) dst(%dma_wait3A_578 : memref<2x56xi32, #tpu.memory_space<vmem>>)
          %dma_start3A_583 = arith.constant 3 : i32
          %dma_start3A_584 = arith.constant 0 : i32
          %dma_start3A_585 = arith.constant 168 : i32
          %dma_start3A_586 = arith.constant 0 : i32
          %dma_start3A_587 = tpu.memref_slice %arg10[%dma_start3A_585, %dma_start3A_586] : memref<336x128xf32, #tpu.memory_space<vmem>> -> memref<56x128xf32, #tpu.memory_space<vmem>>
          %dma_start3A_588 = arith.constant 0 : i32
          %dma_start3A_589 = tpu.memref_slice %arg9[%dma_start3A_583, %dma_start3A_584, %dma_start3A_588] : memref<6x2x56xi32, #tpu.memory_space<vmem>> -> memref<1x1x56xi32, #tpu.memory_space<vmem>>
          %dma_start3A_590 = tpu.memref_squeeze %dma_start3A_589 : memref<1x1x56xi32, #tpu.memory_space<vmem>> -> memref<56xi32, #tpu.memory_space<vmem>>
          %dma_start3A_591 = arith.constant 0 : i32
          %dma_start3A_592 = arith.constant 0 : i32
          %dma_start3A_593 = tpu.memref_slice %arg2[%dma_start3A_591, %dma_start3A_592] : memref<10000x128xf32, #tpu.memory_space<hbm>> -> memref<10000x128xf32, #tpu.memory_space<hbm>>
          tpu.enqueue_indirect_dma source(%dma_start3A_593 : memref<10000x128xf32, #tpu.memory_space<hbm>>) target(%dma_start3A_587 : memref<56x128xf32, #tpu.memory_space<vmem>>) offsets(%dma_start3A_590 : memref<56xi32, #tpu.memory_space<vmem>>) semaphore(%arg14 : memref<!tpu.dma_semaphore, #tpu.memory_space<semaphore_mem>>)
        } else {
        }
      }
      %scan3A_241 = arith.constant 60 : i32
      %dma_wait3A_242 = arith.constant 0 : i32
      %dma_wait3A_243 = arith.constant 0 : i32
      %dma_wait3A_244 = tpu.memref_slice %arg10[%dma_wait3A_242, %dma_wait3A_243] : memref<336x128xf32, #tpu.memory_space<vmem>> -> memref<56x128xf32, #tpu.memory_space<vmem>>
      %dma_wait3A_245 = arith.constant 0 : i32
      %dma_wait3A_246 = arith.constant 0 : i32
      %dma_wait3A_247 = tpu.memref_slice %arg2[%dma_wait3A_245, %dma_wait3A_246] : memref<10000x128xf32, #tpu.memory_space<hbm>> -> memref<56x128xf32, #tpu.memory_space<hbm>>
      %dma_wait3A_248 = arith.constant 0 : i32
      %dma_wait3A_249 = arith.constant 0 : i32
      %dma_wait3A_250 = tpu.memref_slice %arg10[%dma_wait3A_248, %dma_wait3A_249] : memref<336x128xf32, #tpu.memory_space<vmem>> -> memref<56x128xf32, #tpu.memory_space<vmem>>
      %dma_wait3A_251 = arith.constant 0 : i32
      %dma_wait3A_252 = arith.constant 0 : i32
      %dma_wait3A_253 = tpu.memref_slice %arg2[%dma_wait3A_251, %dma_wait3A_252] : memref<10000x128xf32, #tpu.memory_space<hbm>> -> memref<56x128xf32, #tpu.memory_space<hbm>>
      tpu.wait_dma2 semaphore(%arg23 : memref<!tpu.dma_semaphore, #tpu.memory_space<semaphore_mem>>) src(%dma_wait3A_253 : memref<56x128xf32, #tpu.memory_space<hbm>>) dst(%dma_wait3A_250 : memref<56x128xf32, #tpu.memory_space<vmem>>)
    } else {
    }
    %eq3A_5 = arith.constant 1 : i32
    %eq3A_6 = arith.cmpi eq, %arg0, %eq3A_5 : i32
    %convert_element_type3A_7 = arith.extui %eq3A_6 : i1 to i32
    %cond3A_8 = arith.constant 0 : i32
    %cond3A_9 = arith.cmpi ne, %convert_element_type3A_7, %cond3A_8 : i32
    scf.if %cond3A_9 {
      %dma_start3A = arith.constant 0 : i32
      %dma_start3A_15 = arith.constant 0 : i32
      %dma_start3A_16 = arith.constant 0 : i32
      %dma_start3A_17 = arith.constant 0 : i32
      %dma_start3A_18 = tpu.memref_slice %arg9[%dma_start3A_15, %dma_start3A_16, %dma_start3A_17] : memref<6x2x56xi32, #tpu.memory_space<vmem>> -> memref<1x2x56xi32, #tpu.memory_space<vmem>>
      %dma_start3A_19 = tpu.memref_squeeze %dma_start3A_18 : memref<1x2x56xi32, #tpu.memory_space<vmem>> -> memref<2x56xi32, #tpu.memory_space<vmem>>
      %dma_start3A_20 = arith.constant 0 : i32
      %dma_start3A_21 = arith.constant 0 : i32
      %dma_start3A_22 = tpu.memref_slice %arg5[%arg1, %dma_start3A, %dma_start3A_20, %dma_start3A_21] : memref<16x360x2x56xi32, #tpu.memory_space<hbm>> -> memref<1x1x2x56xi32, #tpu.memory_space<hbm>>
      %dma_start3A_23 = tpu.memref_squeeze %dma_start3A_22 : memref<1x1x2x56xi32, #tpu.memory_space<hbm>> -> memref<2x56xi32, #tpu.memory_space<hbm>>
      %dma_start3A_24 = arith.constant 0 : i32
      %dma_start3A_25 = arith.constant 0 : i32
      %dma_start3A_26 = tpu.memref_slice %arg9[%dma_start3A_15, %dma_start3A_24, %dma_start3A_25] : memref<6x2x56xi32, #tpu.memory_space<vmem>> -> memref<1x2x56xi32, #tpu.memory_space<vmem>>
      %dma_start3A_27 = tpu.memref_squeeze %dma_start3A_26 : memref<1x2x56xi32, #tpu.memory_space<vmem>> -> memref<2x56xi32, #tpu.memory_space<vmem>>
      %dma_start3A_28 = arith.constant 0 : i32
      %dma_start3A_29 = arith.constant 0 : i32
      %dma_start3A_30 = tpu.memref_slice %arg5[%arg1, %dma_start3A, %dma_start3A_28, %dma_start3A_29] : memref<16x360x2x56xi32, #tpu.memory_space<hbm>> -> memref<1x1x2x56xi32, #tpu.memory_space<hbm>>
      %dma_start3A_31 = tpu.memref_squeeze %dma_start3A_30 : memref<1x1x2x56xi32, #tpu.memory_space<hbm>> -> memref<2x56xi32, #tpu.memory_space<hbm>>
      tpu.enqueue_dma source(%dma_start3A_31 : memref<2x56xi32, #tpu.memory_space<hbm>>) target(%dma_start3A_27 : memref<2x56xi32, #tpu.memory_space<vmem>>) target_semaphore(%arg17 : memref<!tpu.dma_semaphore, #tpu.memory_space<semaphore_mem>>)
      %dma_start3A_32 = arith.constant 1 : i32
      %dma_start3A_33 = arith.constant 1 : i32
      %dma_start3A_34 = arith.constant 0 : i32
      %dma_start3A_35 = arith.constant 0 : i32
      %dma_start3A_36 = tpu.memref_slice %arg9[%dma_start3A_33, %dma_start3A_34, %dma_start3A_35] : memref<6x2x56xi32, #tpu.memory_space<vmem>> -> memref<1x2x56xi32, #tpu.memory_space<vmem>>
      %dma_start3A_37 = tpu.memref_squeeze %dma_start3A_36 : memref<1x2x56xi32, #tpu.memory_space<vmem>> -> memref<2x56xi32, #tpu.memory_space<vmem>>
      %dma_start3A_38 = arith.constant 0 : i32
      %dma_start3A_39 = arith.constant 0 : i32
      %dma_start3A_40 = tpu.memref_slice %arg5[%arg1, %dma_start3A_32, %dma_start3A_38, %dma_start3A_39] : memref<16x360x2x56xi32, #tpu.memory_space<hbm>> -> memref<1x1x2x56xi32, #tpu.memory_space<hbm>>
      %dma_start3A_41 = tpu.memref_squeeze %dma_start3A_40 : memref<1x1x2x56xi32, #tpu.memory_space<hbm>> -> memref<2x56xi32, #tpu.memory_space<hbm>>
      %dma_start3A_42 = arith.constant 0 : i32
      %dma_start3A_43 = arith.constant 0 : i32
      %dma_start3A_44 = tpu.memref_slice %arg9[%dma_start3A_33, %dma_start3A_42, %dma_start3A_43] : memref<6x2x56xi32, #tpu.memory_space<vmem>> -> memref<1x2x56xi32, #tpu.memory_space<vmem>>
      %dma_start3A_45 = tpu.memref_squeeze %dma_start3A_44 : memref<1x2x56xi32, #tpu.memory_space<vmem>> -> memref<2x56xi32, #tpu.memory_space<vmem>>
      %dma_start3A_46 = arith.constant 0 : i32
      %dma_start3A_47 = arith.constant 0 : i32
      %dma_start3A_48 = tpu.memref_slice %arg5[%arg1, %dma_start3A_32, %dma_start3A_46, %dma_start3A_47] : memref<16x360x2x56xi32, #tpu.memory_space<hbm>> -> memref<1x1x2x56xi32, #tpu.memory_space<hbm>>
      %dma_start3A_49 = tpu.memref_squeeze %dma_start3A_48 : memref<1x1x2x56xi32, #tpu.memory_space<hbm>> -> memref<2x56xi32, #tpu.memory_space<hbm>>
      tpu.enqueue_dma source(%dma_start3A_49 : memref<2x56xi32, #tpu.memory_space<hbm>>) target(%dma_start3A_45 : memref<2x56xi32, #tpu.memory_space<vmem>>) target_semaphore(%arg18 : memref<!tpu.dma_semaphore, #tpu.memory_space<semaphore_mem>>)
      %dma_start3A_50 = arith.constant 2 : i32
      %dma_start3A_51 = arith.constant 2 : i32
      %dma_start3A_52 = arith.constant 0 : i32
      %dma_start3A_53 = arith.constant 0 : i32
      %dma_start3A_54 = tpu.memref_slice %arg9[%dma_start3A_51, %dma_start3A_52, %dma_start3A_53] : memref<6x2x56xi32, #tpu.memory_space<vmem>> -> memref<1x2x56xi32, #tpu.memory_space<vmem>>
      %dma_start3A_55 = tpu.memref_squeeze %dma_start3A_54 : memref<1x2x56xi32, #tpu.memory_space<vmem>> -> memref<2x56xi32, #tpu.memory_space<vmem>>
      %dma_start3A_56 = arith.constant 0 : i32
      %dma_start3A_57 = arith.constant 0 : i32
      %dma_start3A_58 = tpu.memref_slice %arg5[%arg1, %dma_start3A_50, %dma_start3A_56, %dma_start3A_57] : memref<16x360x2x56xi32, #tpu.memory_space<hbm>> -> memref<1x1x2x56xi32, #tpu.memory_space<hbm>>
      %dma_start3A_59 = tpu.memref_squeeze %dma_start3A_58 : memref<1x1x2x56xi32, #tpu.memory_space<hbm>> -> memref<2x56xi32, #tpu.memory_space<hbm>>
      %dma_start3A_60 = arith.constant 0 : i32
      %dma_start3A_61 = arith.constant 0 : i32
      %dma_start3A_62 = tpu.memref_slice %arg9[%dma_start3A_51, %dma_start3A_60, %dma_start3A_61] : memref<6x2x56xi32, #tpu.memory_space<vmem>> -> memref<1x2x56xi32, #tpu.memory_space<vmem>>
      %dma_start3A_63 = tpu.memref_squeeze %dma_start3A_62 : memref<1x2x56xi32, #tpu.memory_space<vmem>> -> memref<2x56xi32, #tpu.memory_space<vmem>>
      %dma_start3A_64 = arith.constant 0 : i32
      %dma_start3A_65 = arith.constant 0 : i32
      %dma_start3A_66 = tpu.memref_slice %arg5[%arg1, %dma_start3A_50, %dma_start3A_64, %dma_start3A_65] : memref<16x360x2x56xi32, #tpu.memory_space<hbm>> -> memref<1x1x2x56xi32, #tpu.memory_space<hbm>>
      %dma_start3A_67 = tpu.memref_squeeze %dma_start3A_66 : memref<1x1x2x56xi32, #tpu.memory_space<hbm>> -> memref<2x56xi32, #tpu.memory_space<hbm>>
      tpu.enqueue_dma source(%dma_start3A_67 : memref<2x56xi32, #tpu.memory_space<hbm>>) target(%dma_start3A_63 : memref<2x56xi32, #tpu.memory_space<vmem>>) target_semaphore(%arg19 : memref<!tpu.dma_semaphore, #tpu.memory_space<semaphore_mem>>)
      %dma_start3A_68 = arith.constant 3 : i32
      %dma_start3A_69 = arith.constant 3 : i32
      %dma_start3A_70 = arith.constant 0 : i32
      %dma_start3A_71 = arith.constant 0 : i32
      %dma_start3A_72 = tpu.memref_slice %arg9[%dma_start3A_69, %dma_start3A_70, %dma_start3A_71] : memref<6x2x56xi32, #tpu.memory_space<vmem>> -> memref<1x2x56xi32, #tpu.memory_space<vmem>>
      %dma_start3A_73 = tpu.memref_squeeze %dma_start3A_72 : memref<1x2x56xi32, #tpu.memory_space<vmem>> -> memref<2x56xi32, #tpu.memory_space<vmem>>
      %dma_start3A_74 = arith.constant 0 : i32
      %dma_start3A_75 = arith.constant 0 : i32
      %dma_start3A_76 = tpu.memref_slice %arg5[%arg1, %dma_start3A_68, %dma_start3A_74, %dma_start3A_75] : memref<16x360x2x56xi32, #tpu.memory_space<hbm>> -> memref<1x1x2x56xi32, #tpu.memory_space<hbm>>
      %dma_start3A_77 = tpu.memref_squeeze %dma_start3A_76 : memref<1x1x2x56xi32, #tpu.memory_space<hbm>> -> memref<2x56xi32, #tpu.memory_space<hbm>>
      %dma_start3A_78 = arith.constant 0 : i32
      %dma_start3A_79 = arith.constant 0 : i32
      %dma_start3A_80 = tpu.memref_slice %arg9[%dma_start3A_69, %dma_start3A_78, %dma_start3A_79] : memref<6x2x56xi32, #tpu.memory_space<vmem>> -> memref<1x2x56xi32, #tpu.memory_space<vmem>>
      %dma_start3A_81 = tpu.memref_squeeze %dma_start3A_80 : memref<1x2x56xi32, #tpu.memory_space<vmem>> -> memref<2x56xi32, #tpu.memory_space<vmem>>
      %dma_start3A_82 = arith.constant 0 : i32
      %dma_start3A_83 = arith.constant 0 : i32
      %dma_start3A_84 = tpu.memref_slice %arg5[%arg1, %dma_start3A_68, %dma_start3A_82, %dma_start3A_83] : memref<16x360x2x56xi32, #tpu.memory_space<hbm>> -> memref<1x1x2x56xi32, #tpu.memory_space<hbm>>
      %dma_start3A_85 = tpu.memref_squeeze %dma_start3A_84 : memref<1x1x2x56xi32, #tpu.memory_space<hbm>> -> memref<2x56xi32, #tpu.memory_space<hbm>>
      tpu.enqueue_dma source(%dma_start3A_85 : memref<2x56xi32, #tpu.memory_space<hbm>>) target(%dma_start3A_81 : memref<2x56xi32, #tpu.memory_space<vmem>>) target_semaphore(%arg20 : memref<!tpu.dma_semaphore, #tpu.memory_space<semaphore_mem>>)
      %dma_start3A_86 = arith.constant 4 : i32
      %dma_start3A_87 = arith.constant 4 : i32
      %dma_start3A_88 = arith.constant 0 : i32
      %dma_start3A_89 = arith.constant 0 : i32
      %dma_start3A_90 = tpu.memref_slice %arg9[%dma_start3A_87, %dma_start3A_88, %dma_start3A_89] : memref<6x2x56xi32, #tpu.memory_space<vmem>> -> memref<1x2x56xi32, #tpu.memory_space<vmem>>
      %dma_start3A_91 = tpu.memref_squeeze %dma_start3A_90 : memref<1x2x56xi32, #tpu.memory_space<vmem>> -> memref<2x56xi32, #tpu.memory_space<vmem>>
      %dma_start3A_92 = arith.constant 0 : i32
      %dma_start3A_93 = arith.constant 0 : i32
      %dma_start3A_94 = tpu.memref_slice %arg5[%arg1, %dma_start3A_86, %dma_start3A_92, %dma_start3A_93] : memref<16x360x2x56xi32, #tpu.memory_space<hbm>> -> memref<1x1x2x56xi32, #tpu.memory_space<hbm>>
      %dma_start3A_95 = tpu.memref_squeeze %dma_start3A_94 : memref<1x1x2x56xi32, #tpu.memory_space<hbm>> -> memref<2x56xi32, #tpu.memory_space<hbm>>
      %dma_start3A_96 = arith.constant 0 : i32
      %dma_start3A_97 = arith.constant 0 : i32
      %dma_start3A_98 = tpu.memref_slice %arg9[%dma_start3A_87, %dma_start3A_96, %dma_start3A_97] : memref<6x2x56xi32, #tpu.memory_space<vmem>> -> memref<1x2x56xi32, #tpu.memory_space<vmem>>
      %dma_start3A_99 = tpu.memref_squeeze %dma_start3A_98 : memref<1x2x56xi32, #tpu.memory_space<vmem>> -> memref<2x56xi32, #tpu.memory_space<vmem>>
      %dma_start3A_100 = arith.constant 0 : i32
      %dma_start3A_101 = arith.constant 0 : i32
      %dma_start3A_102 = tpu.memref_slice %arg5[%arg1, %dma_start3A_86, %dma_start3A_100, %dma_start3A_101] : memref<16x360x2x56xi32, #tpu.memory_space<hbm>> -> memref<1x1x2x56xi32, #tpu.memory_space<hbm>>
      %dma_start3A_103 = tpu.memref_squeeze %dma_start3A_102 : memref<1x1x2x56xi32, #tpu.memory_space<hbm>> -> memref<2x56xi32, #tpu.memory_space<hbm>>
      tpu.enqueue_dma source(%dma_start3A_103 : memref<2x56xi32, #tpu.memory_space<hbm>>) target(%dma_start3A_99 : memref<2x56xi32, #tpu.memory_space<vmem>>) target_semaphore(%arg21 : memref<!tpu.dma_semaphore, #tpu.memory_space<semaphore_mem>>)
      %dma_start3A_104 = arith.constant 5 : i32
      %dma_start3A_105 = arith.constant 5 : i32
      %dma_start3A_106 = arith.constant 0 : i32
      %dma_start3A_107 = arith.constant 0 : i32
      %dma_start3A_108 = tpu.memref_slice %arg9[%dma_start3A_105, %dma_start3A_106, %dma_start3A_107] : memref<6x2x56xi32, #tpu.memory_space<vmem>> -> memref<1x2x56xi32, #tpu.memory_space<vmem>>
      %dma_start3A_109 = tpu.memref_squeeze %dma_start3A_108 : memref<1x2x56xi32, #tpu.memory_space<vmem>> -> memref<2x56xi32, #tpu.memory_space<vmem>>
      %dma_start3A_110 = arith.constant 0 : i32
      %dma_start3A_111 = arith.constant 0 : i32
      %dma_start3A_112 = tpu.memref_slice %arg5[%arg1, %dma_start3A_104, %dma_start3A_110, %dma_start3A_111] : memref<16x360x2x56xi32, #tpu.memory_space<hbm>> -> memref<1x1x2x56xi32, #tpu.memory_space<hbm>>
      %dma_start3A_113 = tpu.memref_squeeze %dma_start3A_112 : memref<1x1x2x56xi32, #tpu.memory_space<hbm>> -> memref<2x56xi32, #tpu.memory_space<hbm>>
      %dma_start3A_114 = arith.constant 0 : i32
      %dma_start3A_115 = arith.constant 0 : i32
      %dma_start3A_116 = tpu.memref_slice %arg9[%dma_start3A_105, %dma_start3A_114, %dma_start3A_115] : memref<6x2x56xi32, #tpu.memory_space<vmem>> -> memref<1x2x56xi32, #tpu.memory_space<vmem>>
      %dma_start3A_117 = tpu.memref_squeeze %dma_start3A_116 : memref<1x2x56xi32, #tpu.memory_space<vmem>> -> memref<2x56xi32, #tpu.memory_space<vmem>>
      %dma_start3A_118 = arith.constant 0 : i32
      %dma_start3A_119 = arith.constant 0 : i32
      %dma_start3A_120 = tpu.memref_slice %arg5[%arg1, %dma_start3A_104, %dma_start3A_118, %dma_start3A_119] : memref<16x360x2x56xi32, #tpu.memory_space<hbm>> -> memref<1x1x2x56xi32, #tpu.memory_space<hbm>>
      %dma_start3A_121 = tpu.memref_squeeze %dma_start3A_120 : memref<1x1x2x56xi32, #tpu.memory_space<hbm>> -> memref<2x56xi32, #tpu.memory_space<hbm>>
      tpu.enqueue_dma source(%dma_start3A_121 : memref<2x56xi32, #tpu.memory_space<hbm>>) target(%dma_start3A_117 : memref<2x56xi32, #tpu.memory_space<vmem>>) target_semaphore(%arg22 : memref<!tpu.dma_semaphore, #tpu.memory_space<semaphore_mem>>)
      %dma_wait3A = arith.constant 0 : i32
      %dma_wait3A_122 = arith.constant 0 : i32
      %dma_wait3A_123 = arith.constant 0 : i32
      %dma_wait3A_124 = arith.constant 0 : i32
      %dma_wait3A_125 = tpu.memref_slice %arg9[%dma_wait3A_122, %dma_wait3A_123, %dma_wait3A_124] : memref<6x2x56xi32, #tpu.memory_space<vmem>> -> memref<1x2x56xi32, #tpu.memory_space<vmem>>
      %dma_wait3A_126 = tpu.memref_squeeze %dma_wait3A_125 : memref<1x2x56xi32, #tpu.memory_space<vmem>> -> memref<2x56xi32, #tpu.memory_space<vmem>>
      %dma_wait3A_127 = arith.constant 0 : i32
      %dma_wait3A_128 = arith.constant 0 : i32
      %dma_wait3A_129 = tpu.memref_slice %arg5[%arg1, %dma_wait3A, %dma_wait3A_127, %dma_wait3A_128] : memref<16x360x2x56xi32, #tpu.memory_space<hbm>> -> memref<1x1x2x56xi32, #tpu.memory_space<hbm>>
      %dma_wait3A_130 = tpu.memref_squeeze %dma_wait3A_129 : memref<1x1x2x56xi32, #tpu.memory_space<hbm>> -> memref<2x56xi32, #tpu.memory_space<hbm>>
      %dma_wait3A_131 = arith.constant 0 : i32
      %dma_wait3A_132 = arith.constant 0 : i32
      %dma_wait3A_133 = tpu.memref_slice %arg9[%dma_wait3A_122, %dma_wait3A_131, %dma_wait3A_132] : memref<6x2x56xi32, #tpu.memory_space<vmem>> -> memref<1x2x56xi32, #tpu.memory_space<vmem>>
      %dma_wait3A_134 = tpu.memref_squeeze %dma_wait3A_133 : memref<1x2x56xi32, #tpu.memory_space<vmem>> -> memref<2x56xi32, #tpu.memory_space<vmem>>
      %dma_wait3A_135 = arith.constant 0 : i32
      %dma_wait3A_136 = arith.constant 0 : i32
      %dma_wait3A_137 = tpu.memref_slice %arg5[%arg1, %dma_wait3A, %dma_wait3A_135, %dma_wait3A_136] : memref<16x360x2x56xi32, #tpu.memory_space<hbm>> -> memref<1x1x2x56xi32, #tpu.memory_space<hbm>>
      %dma_wait3A_138 = tpu.memref_squeeze %dma_wait3A_137 : memref<1x1x2x56xi32, #tpu.memory_space<hbm>> -> memref<2x56xi32, #tpu.memory_space<hbm>>
      tpu.wait_dma2 semaphore(%arg17 : memref<!tpu.dma_semaphore, #tpu.memory_space<semaphore_mem>>) src(%dma_wait3A_138 : memref<2x56xi32, #tpu.memory_space<hbm>>) dst(%dma_wait3A_134 : memref<2x56xi32, #tpu.memory_space<vmem>>)
      %dma_start3A_139 = arith.constant 0 : i32
      %dma_start3A_140 = arith.constant 0 : i32
      %dma_start3A_141 = arith.constant 0 : i32
      %dma_start3A_142 = arith.constant 0 : i32
      %dma_start3A_143 = tpu.memref_slice %arg10[%dma_start3A_141, %dma_start3A_142] : memref<336x128xf32, #tpu.memory_space<vmem>> -> memref<56x128xf32, #tpu.memory_space<vmem>>
      %dma_start3A_144 = arith.constant 0 : i32
      %dma_start3A_145 = tpu.memref_slice %arg9[%dma_start3A_139, %dma_start3A_140, %dma_start3A_144] : memref<6x2x56xi32, #tpu.memory_space<vmem>> -> memref<1x1x56xi32, #tpu.memory_space<vmem>>
      %dma_start3A_146 = tpu.memref_squeeze %dma_start3A_145 : memref<1x1x56xi32, #tpu.memory_space<vmem>> -> memref<56xi32, #tpu.memory_space<vmem>>
      %dma_start3A_147 = arith.constant 0 : i32
      %dma_start3A_148 = arith.constant 0 : i32
      %dma_start3A_149 = tpu.memref_slice %arg4[%dma_start3A_147, %dma_start3A_148] : memref<10000x128xf32, #tpu.memory_space<hbm>> -> memref<10000x128xf32, #tpu.memory_space<hbm>>
      tpu.enqueue_indirect_dma source(%dma_start3A_149 : memref<10000x128xf32, #tpu.memory_space<hbm>>) target(%dma_start3A_143 : memref<56x128xf32, #tpu.memory_space<vmem>>) offsets(%dma_start3A_146 : memref<56xi32, #tpu.memory_space<vmem>>) semaphore(%arg11 : memref<!tpu.dma_semaphore, #tpu.memory_space<semaphore_mem>>)
      %dma_wait3A_150 = arith.constant 0 : i32
      %dma_wait3A_151 = arith.constant 1 : i32
      %dma_wait3A_152 = arith.constant 0 : i32
      %dma_wait3A_153 = arith.constant 0 : i32
      %dma_wait3A_154 = tpu.memref_slice %arg9[%dma_wait3A_151, %dma_wait3A_152, %dma_wait3A_153] : memref<6x2x56xi32, #tpu.memory_space<vmem>> -> memref<1x2x56xi32, #tpu.memory_space<vmem>>
      %dma_wait3A_155 = tpu.memref_squeeze %dma_wait3A_154 : memref<1x2x56xi32, #tpu.memory_space<vmem>> -> memref<2x56xi32, #tpu.memory_space<vmem>>
      %dma_wait3A_156 = arith.constant 0 : i32
      %dma_wait3A_157 = arith.constant 0 : i32
      %dma_wait3A_158 = tpu.memref_slice %arg5[%arg1, %dma_wait3A_150, %dma_wait3A_156, %dma_wait3A_157] : memref<16x360x2x56xi32, #tpu.memory_space<hbm>> -> memref<1x1x2x56xi32, #tpu.memory_space<hbm>>
      %dma_wait3A_159 = tpu.memref_squeeze %dma_wait3A_158 : memref<1x1x2x56xi32, #tpu.memory_space<hbm>> -> memref<2x56xi32, #tpu.memory_space<hbm>>
      %dma_wait3A_160 = arith.constant 0 : i32
      %dma_wait3A_161 = arith.constant 0 : i32
      %dma_wait3A_162 = tpu.memref_slice %arg9[%dma_wait3A_151, %dma_wait3A_160, %dma_wait3A_161] : memref<6x2x56xi32, #tpu.memory_space<vmem>> -> memref<1x2x56xi32, #tpu.memory_space<vmem>>
      %dma_wait3A_163 = tpu.memref_squeeze %dma_wait3A_162 : memref<1x2x56xi32, #tpu.memory_space<vmem>> -> memref<2x56xi32, #tpu.memory_space<vmem>>
      %dma_wait3A_164 = arith.constant 0 : i32
      %dma_wait3A_165 = arith.constant 0 : i32
      %dma_wait3A_166 = tpu.memref_slice %arg5[%arg1, %dma_wait3A_150, %dma_wait3A_164, %dma_wait3A_165] : memref<16x360x2x56xi32, #tpu.memory_space<hbm>> -> memref<1x1x2x56xi32, #tpu.memory_space<hbm>>
      %dma_wait3A_167 = tpu.memref_squeeze %dma_wait3A_166 : memref<1x1x2x56xi32, #tpu.memory_space<hbm>> -> memref<2x56xi32, #tpu.memory_space<hbm>>
      tpu.wait_dma2 semaphore(%arg18 : memref<!tpu.dma_semaphore, #tpu.memory_space<semaphore_mem>>) src(%dma_wait3A_167 : memref<2x56xi32, #tpu.memory_space<hbm>>) dst(%dma_wait3A_163 : memref<2x56xi32, #tpu.memory_space<vmem>>)
      %dma_start3A_168 = arith.constant 1 : i32
      %dma_start3A_169 = arith.constant 0 : i32
      %dma_start3A_170 = arith.constant 56 : i32
      %dma_start3A_171 = arith.constant 0 : i32
      %dma_start3A_172 = tpu.memref_slice %arg10[%dma_start3A_170, %dma_start3A_171] : memref<336x128xf32, #tpu.memory_space<vmem>> -> memref<56x128xf32, #tpu.memory_space<vmem>>
      %dma_start3A_173 = arith.constant 0 : i32
      %dma_start3A_174 = tpu.memref_slice %arg9[%dma_start3A_168, %dma_start3A_169, %dma_start3A_173] : memref<6x2x56xi32, #tpu.memory_space<vmem>> -> memref<1x1x56xi32, #tpu.memory_space<vmem>>
      %dma_start3A_175 = tpu.memref_squeeze %dma_start3A_174 : memref<1x1x56xi32, #tpu.memory_space<vmem>> -> memref<56xi32, #tpu.memory_space<vmem>>
      %dma_start3A_176 = arith.constant 0 : i32
      %dma_start3A_177 = arith.constant 0 : i32
      %dma_start3A_178 = tpu.memref_slice %arg4[%dma_start3A_176, %dma_start3A_177] : memref<10000x128xf32, #tpu.memory_space<hbm>> -> memref<10000x128xf32, #tpu.memory_space<hbm>>
      tpu.enqueue_indirect_dma source(%dma_start3A_178 : memref<10000x128xf32, #tpu.memory_space<hbm>>) target(%dma_start3A_172 : memref<56x128xf32, #tpu.memory_space<vmem>>) offsets(%dma_start3A_175 : memref<56xi32, #tpu.memory_space<vmem>>) semaphore(%arg12 : memref<!tpu.dma_semaphore, #tpu.memory_space<semaphore_mem>>)
      %dma_wait3A_179 = arith.constant 0 : i32
      %dma_wait3A_180 = arith.constant 2 : i32
      %dma_wait3A_181 = arith.constant 0 : i32
      %dma_wait3A_182 = arith.constant 0 : i32
      %dma_wait3A_183 = tpu.memref_slice %arg9[%dma_wait3A_180, %dma_wait3A_181, %dma_wait3A_182] : memref<6x2x56xi32, #tpu.memory_space<vmem>> -> memref<1x2x56xi32, #tpu.memory_space<vmem>>
      %dma_wait3A_184 = tpu.memref_squeeze %dma_wait3A_183 : memref<1x2x56xi32, #tpu.memory_space<vmem>> -> memref<2x56xi32, #tpu.memory_space<vmem>>
      %dma_wait3A_185 = arith.constant 0 : i32
      %dma_wait3A_186 = arith.constant 0 : i32
      %dma_wait3A_187 = tpu.memref_slice %arg5[%arg1, %dma_wait3A_179, %dma_wait3A_185, %dma_wait3A_186] : memref<16x360x2x56xi32, #tpu.memory_space<hbm>> -> memref<1x1x2x56xi32, #tpu.memory_space<hbm>>
      %dma_wait3A_188 = tpu.memref_squeeze %dma_wait3A_187 : memref<1x1x2x56xi32, #tpu.memory_space<hbm>> -> memref<2x56xi32, #tpu.memory_space<hbm>>
      %dma_wait3A_189 = arith.constant 0 : i32
      %dma_wait3A_190 = arith.constant 0 : i32
      %dma_wait3A_191 = tpu.memref_slice %arg9[%dma_wait3A_180, %dma_wait3A_189, %dma_wait3A_190] : memref<6x2x56xi32, #tpu.memory_space<vmem>> -> memref<1x2x56xi32, #tpu.memory_space<vmem>>
      %dma_wait3A_192 = tpu.memref_squeeze %dma_wait3A_191 : memref<1x2x56xi32, #tpu.memory_space<vmem>> -> memref<2x56xi32, #tpu.memory_space<vmem>>
      %dma_wait3A_193 = arith.constant 0 : i32
      %dma_wait3A_194 = arith.constant 0 : i32
      %dma_wait3A_195 = tpu.memref_slice %arg5[%arg1, %dma_wait3A_179, %dma_wait3A_193, %dma_wait3A_194] : memref<16x360x2x56xi32, #tpu.memory_space<hbm>> -> memref<1x1x2x56xi32, #tpu.memory_space<hbm>>
      %dma_wait3A_196 = tpu.memref_squeeze %dma_wait3A_195 : memref<1x1x2x56xi32, #tpu.memory_space<hbm>> -> memref<2x56xi32, #tpu.memory_space<hbm>>
      tpu.wait_dma2 semaphore(%arg19 : memref<!tpu.dma_semaphore, #tpu.memory_space<semaphore_mem>>) src(%dma_wait3A_196 : memref<2x56xi32, #tpu.memory_space<hbm>>) dst(%dma_wait3A_192 : memref<2x56xi32, #tpu.memory_space<vmem>>)
      %dma_start3A_197 = arith.constant 2 : i32
      %dma_start3A_198 = arith.constant 0 : i32
      %dma_start3A_199 = arith.constant 112 : i32
      %dma_start3A_200 = arith.constant 0 : i32
      %dma_start3A_201 = tpu.memref_slice %arg10[%dma_start3A_199, %dma_start3A_200] : memref<336x128xf32, #tpu.memory_space<vmem>> -> memref<56x128xf32, #tpu.memory_space<vmem>>
      %dma_start3A_202 = arith.constant 0 : i32
      %dma_start3A_203 = tpu.memref_slice %arg9[%dma_start3A_197, %dma_start3A_198, %dma_start3A_202] : memref<6x2x56xi32, #tpu.memory_space<vmem>> -> memref<1x1x56xi32, #tpu.memory_space<vmem>>
      %dma_start3A_204 = tpu.memref_squeeze %dma_start3A_203 : memref<1x1x56xi32, #tpu.memory_space<vmem>> -> memref<56xi32, #tpu.memory_space<vmem>>
      %dma_start3A_205 = arith.constant 0 : i32
      %dma_start3A_206 = arith.constant 0 : i32
      %dma_start3A_207 = tpu.memref_slice %arg4[%dma_start3A_205, %dma_start3A_206] : memref<10000x128xf32, #tpu.memory_space<hbm>> -> memref<10000x128xf32, #tpu.memory_space<hbm>>
      tpu.enqueue_indirect_dma source(%dma_start3A_207 : memref<10000x128xf32, #tpu.memory_space<hbm>>) target(%dma_start3A_201 : memref<56x128xf32, #tpu.memory_space<vmem>>) offsets(%dma_start3A_204 : memref<56xi32, #tpu.memory_space<vmem>>) semaphore(%arg13 : memref<!tpu.dma_semaphore, #tpu.memory_space<semaphore_mem>>)
      %dma_wait3A_208 = arith.constant 0 : i32
      %dma_wait3A_209 = arith.constant 3 : i32
      %dma_wait3A_210 = arith.constant 0 : i32
      %dma_wait3A_211 = arith.constant 0 : i32
      %dma_wait3A_212 = tpu.memref_slice %arg9[%dma_wait3A_209, %dma_wait3A_210, %dma_wait3A_211] : memref<6x2x56xi32, #tpu.memory_space<vmem>> -> memref<1x2x56xi32, #tpu.memory_space<vmem>>
      %dma_wait3A_213 = tpu.memref_squeeze %dma_wait3A_212 : memref<1x2x56xi32, #tpu.memory_space<vmem>> -> memref<2x56xi32, #tpu.memory_space<vmem>>
      %dma_wait3A_214 = arith.constant 0 : i32
      %dma_wait3A_215 = arith.constant 0 : i32
      %dma_wait3A_216 = tpu.memref_slice %arg5[%arg1, %dma_wait3A_208, %dma_wait3A_214, %dma_wait3A_215] : memref<16x360x2x56xi32, #tpu.memory_space<hbm>> -> memref<1x1x2x56xi32, #tpu.memory_space<hbm>>
      %dma_wait3A_217 = tpu.memref_squeeze %dma_wait3A_216 : memref<1x1x2x56xi32, #tpu.memory_space<hbm>> -> memref<2x56xi32, #tpu.memory_space<hbm>>
      %dma_wait3A_218 = arith.constant 0 : i32
      %dma_wait3A_219 = arith.constant 0 : i32
      %dma_wait3A_220 = tpu.memref_slice %arg9[%dma_wait3A_209, %dma_wait3A_218, %dma_wait3A_219] : memref<6x2x56xi32, #tpu.memory_space<vmem>> -> memref<1x2x56xi32, #tpu.memory_space<vmem>>
      %dma_wait3A_221 = tpu.memref_squeeze %dma_wait3A_220 : memref<1x2x56xi32, #tpu.memory_space<vmem>> -> memref<2x56xi32, #tpu.memory_space<vmem>>
      %dma_wait3A_222 = arith.constant 0 : i32
      %dma_wait3A_223 = arith.constant 0 : i32
      %dma_wait3A_224 = tpu.memref_slice %arg5[%arg1, %dma_wait3A_208, %dma_wait3A_222, %dma_wait3A_223] : memref<16x360x2x56xi32, #tpu.memory_space<hbm>> -> memref<1x1x2x56xi32, #tpu.memory_space<hbm>>
      %dma_wait3A_225 = tpu.memref_squeeze %dma_wait3A_224 : memref<1x1x2x56xi32, #tpu.memory_space<hbm>> -> memref<2x56xi32, #tpu.memory_space<hbm>>
      tpu.wait_dma2 semaphore(%arg20 : memref<!tpu.dma_semaphore, #tpu.memory_space<semaphore_mem>>) src(%dma_wait3A_225 : memref<2x56xi32, #tpu.memory_space<hbm>>) dst(%dma_wait3A_221 : memref<2x56xi32, #tpu.memory_space<vmem>>)
      %dma_start3A_226 = arith.constant 3 : i32
      %dma_start3A_227 = arith.constant 0 : i32
      %dma_start3A_228 = arith.constant 168 : i32
      %dma_start3A_229 = arith.constant 0 : i32
      %dma_start3A_230 = tpu.memref_slice %arg10[%dma_start3A_228, %dma_start3A_229] : memref<336x128xf32, #tpu.memory_space<vmem>> -> memref<56x128xf32, #tpu.memory_space<vmem>>
      %dma_start3A_231 = arith.constant 0 : i32
      %dma_start3A_232 = tpu.memref_slice %arg9[%dma_start3A_226, %dma_start3A_227, %dma_start3A_231] : memref<6x2x56xi32, #tpu.memory_space<vmem>> -> memref<1x1x56xi32, #tpu.memory_space<vmem>>
      %dma_start3A_233 = tpu.memref_squeeze %dma_start3A_232 : memref<1x1x56xi32, #tpu.memory_space<vmem>> -> memref<56xi32, #tpu.memory_space<vmem>>
      %dma_start3A_234 = arith.constant 0 : i32
      %dma_start3A_235 = arith.constant 0 : i32
      %dma_start3A_236 = tpu.memref_slice %arg4[%dma_start3A_234, %dma_start3A_235] : memref<10000x128xf32, #tpu.memory_space<hbm>> -> memref<10000x128xf32, #tpu.memory_space<hbm>>
      tpu.enqueue_indirect_dma source(%dma_start3A_236 : memref<10000x128xf32, #tpu.memory_space<hbm>>) target(%dma_start3A_230 : memref<56x128xf32, #tpu.memory_space<vmem>>) offsets(%dma_start3A_233 : memref<56xi32, #tpu.memory_space<vmem>>) semaphore(%arg14 : memref<!tpu.dma_semaphore, #tpu.memory_space<semaphore_mem>>)
      %scan3A = arith.constant 0 : i32
      %scan3A_237 = arith.constant 0 : i32
      %scan3A_238 = arith.constant 60 : i32
      %scan3A_239 = arith.addi %scan3A_237, %scan3A_238 : i32
      %scan3A_240 = arith.constant 1 : i32
      scf.for %scan3A_254 = %scan3A_237 to %scan3A_239 step %scan3A_240  : i32 {
        %mul3A_255 = arith.constant 6 : i32
        %mul3A_256 = arith.muli %scan3A_254, %mul3A_255 : i32
        %add3A = arith.constant 0 : i32
        %add3A_257 = arith.addi %mul3A_256, %add3A : i32
        %dma_wait3A_258 = arith.constant 0 : i32
        %dma_wait3A_259 = arith.constant 0 : i32
        %dma_wait3A_260 = tpu.memref_slice %arg10[%dma_wait3A_258, %dma_wait3A_259] : memref<336x128xf32, #tpu.memory_space<vmem>> -> memref<56x128xf32, #tpu.memory_space<vmem>>
        %dma_wait3A_261 = arith.constant 0 : i32
        %dma_wait3A_262 = arith.constant 0 : i32
        %dma_wait3A_263 = tpu.memref_slice %arg4[%dma_wait3A_261, %dma_wait3A_262] : memref<10000x128xf32, #tpu.memory_space<hbm>> -> memref<56x128xf32, #tpu.memory_space<hbm>>
        %dma_wait3A_264 = arith.constant 0 : i32
        %dma_wait3A_265 = arith.constant 0 : i32
        %dma_wait3A_266 = tpu.memref_slice %arg10[%dma_wait3A_264, %dma_wait3A_265] : memref<336x128xf32, #tpu.memory_space<vmem>> -> memref<56x128xf32, #tpu.memory_space<vmem>>
        %dma_wait3A_267 = arith.constant 0 : i32
        %dma_wait3A_268 = arith.constant 0 : i32
        %dma_wait3A_269 = tpu.memref_slice %arg4[%dma_wait3A_267, %dma_wait3A_268] : memref<10000x128xf32, #tpu.memory_space<hbm>> -> memref<56x128xf32, #tpu.memory_space<hbm>>
        tpu.wait_dma2 semaphore(%arg11 : memref<!tpu.dma_semaphore, #tpu.memory_space<semaphore_mem>>) src(%dma_wait3A_269 : memref<56x128xf32, #tpu.memory_space<hbm>>) dst(%dma_wait3A_266 : memref<56x128xf32, #tpu.memory_space<vmem>>)
        %dma_start3A_270 = arith.constant 0 : i32
        %dma_start3A_271 = arith.constant 1 : i32
        %dma_start3A_272 = arith.constant 0 : i32
        %dma_start3A_273 = arith.constant 0 : i32
        %dma_start3A_274 = tpu.memref_slice %arg10[%dma_start3A_272, %dma_start3A_273] : memref<336x128xf32, #tpu.memory_space<vmem>> -> memref<56x128xf32, #tpu.memory_space<vmem>>
        %dma_start3A_275 = arith.constant 0 : i32
        %dma_start3A_276 = tpu.memref_slice %arg9[%dma_start3A_270, %dma_start3A_271, %dma_start3A_275] : memref<6x2x56xi32, #tpu.memory_space<vmem>> -> memref<1x1x56xi32, #tpu.memory_space<vmem>>
        %dma_start3A_277 = tpu.memref_squeeze %dma_start3A_276 : memref<1x1x56xi32, #tpu.memory_space<vmem>> -> memref<56xi32, #tpu.memory_space<vmem>>
        %dma_start3A_278 = arith.constant 0 : i32
        %dma_start3A_279 = arith.constant 0 : i32
        %dma_start3A_280 = tpu.memref_slice %arg8[%dma_start3A_278, %dma_start3A_279] : memref<10112x128xf32, #tpu.memory_space<vmem_shared>> -> memref<10112x128xf32, #tpu.memory_space<vmem_shared>>
        tpu.enqueue_indirect_dma source(%dma_start3A_274 : memref<56x128xf32, #tpu.memory_space<vmem>>) target(%dma_start3A_280 : memref<10112x128xf32, #tpu.memory_space<vmem_shared>>) offsets(%dma_start3A_277 : memref<56xi32, #tpu.memory_space<vmem>>) semaphore(%arg23 : memref<!tpu.dma_semaphore, #tpu.memory_space<semaphore_mem>>) {add = true}
        %gt3A = arith.constant 0 : i32
        %gt3A_281 = arith.cmpi sgt, %scan3A_254, %gt3A : i32
        %convert_element_type3A_282 = arith.extui %gt3A_281 : i1 to i32
        %cond3A_283 = arith.constant 0 : i32
        %cond3A_284 = arith.cmpi ne, %convert_element_type3A_282, %cond3A_283 : i32
        scf.if %cond3A_284 {
          %dma_wait3A_565 = arith.constant 280 : i32
          %dma_wait3A_566 = arith.constant 0 : i32
          %dma_wait3A_567 = tpu.memref_slice %arg10[%dma_wait3A_565, %dma_wait3A_566] : memref<336x128xf32, #tpu.memory_space<vmem>> -> memref<56x128xf32, #tpu.memory_space<vmem>>
          %dma_wait3A_568 = arith.constant 0 : i32
          %dma_wait3A_569 = arith.constant 0 : i32
          %dma_wait3A_570 = tpu.memref_slice %arg4[%dma_wait3A_568, %dma_wait3A_569] : memref<10000x128xf32, #tpu.memory_space<hbm>> -> memref<56x128xf32, #tpu.memory_space<hbm>>
          %dma_wait3A_571 = arith.constant 280 : i32
          %dma_wait3A_572 = arith.constant 0 : i32
          %dma_wait3A_573 = tpu.memref_slice %arg10[%dma_wait3A_571, %dma_wait3A_572] : memref<336x128xf32, #tpu.memory_space<vmem>> -> memref<56x128xf32, #tpu.memory_space<vmem>>
          %dma_wait3A_574 = arith.constant 0 : i32
          %dma_wait3A_575 = arith.constant 0 : i32
          %dma_wait3A_576 = tpu.memref_slice %arg4[%dma_wait3A_574, %dma_wait3A_575] : memref<10000x128xf32, #tpu.memory_space<hbm>> -> memref<56x128xf32, #tpu.memory_space<hbm>>
          tpu.wait_dma2 semaphore(%arg23 : memref<!tpu.dma_semaphore, #tpu.memory_space<semaphore_mem>>) src(%dma_wait3A_576 : memref<56x128xf32, #tpu.memory_space<hbm>>) dst(%dma_wait3A_573 : memref<56x128xf32, #tpu.memory_space<vmem>>)
          %sub3A_577 = arith.constant 1 : i32
          %sub3A_578 = arith.subi %add3A_257, %sub3A_577 : i32
          %add3A_579 = arith.constant 6 : i32
          %add3A_580 = arith.addi %sub3A_578, %add3A_579 : i32
          %lt3A_581 = arith.constant 360 : i32
          %lt3A_582 = arith.cmpi slt, %add3A_580, %lt3A_581 : i32
          %convert_element_type3A_583 = arith.extui %lt3A_582 : i1 to i32
          %cond3A_584 = arith.constant 0 : i32
          %cond3A_585 = arith.cmpi ne, %convert_element_type3A_583, %cond3A_584 : i32
          scf.if %cond3A_585 {
            %sub3A_586 = arith.constant 1 : i32
            %sub3A_587 = arith.subi %add3A_257, %sub3A_586 : i32
            %add3A_588 = arith.constant 6 : i32
            %add3A_589 = arith.addi %sub3A_587, %add3A_588 : i32
            %dma_start3A_590 = arith.constant 5 : i32
            %dma_start3A_591 = arith.constant 0 : i32
            %dma_start3A_592 = arith.constant 0 : i32
            %dma_start3A_593 = tpu.memref_slice %arg9[%dma_start3A_590, %dma_start3A_591, %dma_start3A_592] : memref<6x2x56xi32, #tpu.memory_space<vmem>> -> memref<1x2x56xi32, #tpu.memory_space<vmem>>
            %dma_start3A_594 = tpu.memref_squeeze %dma_start3A_593 : memref<1x2x56xi32, #tpu.memory_space<vmem>> -> memref<2x56xi32, #tpu.memory_space<vmem>>
            %dma_start3A_595 = arith.constant 0 : i32
            %dma_start3A_596 = arith.constant 0 : i32
            %dma_start3A_597 = tpu.memref_slice %arg5[%arg1, %add3A_589, %dma_start3A_595, %dma_start3A_596] : memref<16x360x2x56xi32, #tpu.memory_space<hbm>> -> memref<1x1x2x56xi32, #tpu.memory_space<hbm>>
            %dma_start3A_598 = tpu.memref_squeeze %dma_start3A_597 : memref<1x1x2x56xi32, #tpu.memory_space<hbm>> -> memref<2x56xi32, #tpu.memory_space<hbm>>
            %dma_start3A_599 = arith.constant 0 : i32
            %dma_start3A_600 = arith.constant 0 : i32
            %dma_start3A_601 = tpu.memref_slice %arg9[%dma_start3A_590, %dma_start3A_599, %dma_start3A_600] : memref<6x2x56xi32, #tpu.memory_space<vmem>> -> memref<1x2x56xi32, #tpu.memory_space<vmem>>
            %dma_start3A_602 = tpu.memref_squeeze %dma_start3A_601 : memref<1x2x56xi32, #tpu.memory_space<vmem>> -> memref<2x56xi32, #tpu.memory_space<vmem>>
            %dma_start3A_603 = arith.constant 0 : i32
            %dma_start3A_604 = arith.constant 0 : i32
            %dma_start3A_605 = tpu.memref_slice %arg5[%arg1, %add3A_589, %dma_start3A_603, %dma_start3A_604] : memref<16x360x2x56xi32, #tpu.memory_space<hbm>> -> memref<1x1x2x56xi32, #tpu.memory_space<hbm>>
            %dma_start3A_606 = tpu.memref_squeeze %dma_start3A_605 : memref<1x1x2x56xi32, #tpu.memory_space<hbm>> -> memref<2x56xi32, #tpu.memory_space<hbm>>
            tpu.enqueue_dma source(%dma_start3A_606 : memref<2x56xi32, #tpu.memory_space<hbm>>) target(%dma_start3A_602 : memref<2x56xi32, #tpu.memory_space<vmem>>) target_semaphore(%arg22 : memref<!tpu.dma_semaphore, #tpu.memory_space<semaphore_mem>>)
          } else {
          }
        } else {
        }
        %add3A_285 = arith.constant 4 : i32
        %add3A_286 = arith.addi %add3A_257, %add3A_285 : i32
        %lt3A = arith.constant 360 : i32
        %lt3A_287 = arith.cmpi slt, %add3A_286, %lt3A : i32
        %convert_element_type3A_288 = arith.extui %lt3A_287 : i1 to i32
        %cond3A_289 = arith.constant 0 : i32
        %cond3A_290 = arith.cmpi ne, %convert_element_type3A_288, %cond3A_289 : i32
        scf.if %cond3A_290 {
          %dma_wait3A_565 = arith.constant 0 : i32
          %dma_wait3A_566 = arith.constant 4 : i32
          %dma_wait3A_567 = arith.constant 0 : i32
          %dma_wait3A_568 = arith.constant 0 : i32
          %dma_wait3A_569 = tpu.memref_slice %arg9[%dma_wait3A_566, %dma_wait3A_567, %dma_wait3A_568] : memref<6x2x56xi32, #tpu.memory_space<vmem>> -> memref<1x2x56xi32, #tpu.memory_space<vmem>>
          %dma_wait3A_570 = tpu.memref_squeeze %dma_wait3A_569 : memref<1x2x56xi32, #tpu.memory_space<vmem>> -> memref<2x56xi32, #tpu.memory_space<vmem>>
          %dma_wait3A_571 = arith.constant 0 : i32
          %dma_wait3A_572 = arith.constant 0 : i32
          %dma_wait3A_573 = tpu.memref_slice %arg5[%arg1, %dma_wait3A_565, %dma_wait3A_571, %dma_wait3A_572] : memref<16x360x2x56xi32, #tpu.memory_space<hbm>> -> memref<1x1x2x56xi32, #tpu.memory_space<hbm>>
          %dma_wait3A_574 = tpu.memref_squeeze %dma_wait3A_573 : memref<1x1x2x56xi32, #tpu.memory_space<hbm>> -> memref<2x56xi32, #tpu.memory_space<hbm>>
          %dma_wait3A_575 = arith.constant 0 : i32
          %dma_wait3A_576 = arith.constant 0 : i32
          %dma_wait3A_577 = tpu.memref_slice %arg9[%dma_wait3A_566, %dma_wait3A_575, %dma_wait3A_576] : memref<6x2x56xi32, #tpu.memory_space<vmem>> -> memref<1x2x56xi32, #tpu.memory_space<vmem>>
          %dma_wait3A_578 = tpu.memref_squeeze %dma_wait3A_577 : memref<1x2x56xi32, #tpu.memory_space<vmem>> -> memref<2x56xi32, #tpu.memory_space<vmem>>
          %dma_wait3A_579 = arith.constant 0 : i32
          %dma_wait3A_580 = arith.constant 0 : i32
          %dma_wait3A_581 = tpu.memref_slice %arg5[%arg1, %dma_wait3A_565, %dma_wait3A_579, %dma_wait3A_580] : memref<16x360x2x56xi32, #tpu.memory_space<hbm>> -> memref<1x1x2x56xi32, #tpu.memory_space<hbm>>
          %dma_wait3A_582 = tpu.memref_squeeze %dma_wait3A_581 : memref<1x1x2x56xi32, #tpu.memory_space<hbm>> -> memref<2x56xi32, #tpu.memory_space<hbm>>
          tpu.wait_dma2 semaphore(%arg21 : memref<!tpu.dma_semaphore, #tpu.memory_space<semaphore_mem>>) src(%dma_wait3A_582 : memref<2x56xi32, #tpu.memory_space<hbm>>) dst(%dma_wait3A_578 : memref<2x56xi32, #tpu.memory_space<vmem>>)
          %dma_start3A_583 = arith.constant 4 : i32
          %dma_start3A_584 = arith.constant 0 : i32
          %dma_start3A_585 = arith.constant 224 : i32
          %dma_start3A_586 = arith.constant 0 : i32
          %dma_start3A_587 = tpu.memref_slice %arg10[%dma_start3A_585, %dma_start3A_586] : memref<336x128xf32, #tpu.memory_space<vmem>> -> memref<56x128xf32, #tpu.memory_space<vmem>>
          %dma_start3A_588 = arith.constant 0 : i32
          %dma_start3A_589 = tpu.memref_slice %arg9[%dma_start3A_583, %dma_start3A_584, %dma_start3A_588] : memref<6x2x56xi32, #tpu.memory_space<vmem>> -> memref<1x1x56xi32, #tpu.memory_space<vmem>>
          %dma_start3A_590 = tpu.memref_squeeze %dma_start3A_589 : memref<1x1x56xi32, #tpu.memory_space<vmem>> -> memref<56xi32, #tpu.memory_space<vmem>>
          %dma_start3A_591 = arith.constant 0 : i32
          %dma_start3A_592 = arith.constant 0 : i32
          %dma_start3A_593 = tpu.memref_slice %arg4[%dma_start3A_591, %dma_start3A_592] : memref<10000x128xf32, #tpu.memory_space<hbm>> -> memref<10000x128xf32, #tpu.memory_space<hbm>>
          tpu.enqueue_indirect_dma source(%dma_start3A_593 : memref<10000x128xf32, #tpu.memory_space<hbm>>) target(%dma_start3A_587 : memref<56x128xf32, #tpu.memory_space<vmem>>) offsets(%dma_start3A_590 : memref<56xi32, #tpu.memory_space<vmem>>) semaphore(%arg15 : memref<!tpu.dma_semaphore, #tpu.memory_space<semaphore_mem>>)
        } else {
        }
        %mul3A_291 = arith.constant 6 : i32
        %mul3A_292 = arith.muli %scan3A_254, %mul3A_291 : i32
        %add3A_293 = arith.constant 1 : i32
        %add3A_294 = arith.addi %mul3A_292, %add3A_293 : i32
        %dma_wait3A_295 = arith.constant 56 : i32
        %dma_wait3A_296 = arith.constant 0 : i32
        %dma_wait3A_297 = tpu.memref_slice %arg10[%dma_wait3A_295, %dma_wait3A_296] : memref<336x128xf32, #tpu.memory_space<vmem>> -> memref<56x128xf32, #tpu.memory_space<vmem>>
        %dma_wait3A_298 = arith.constant 0 : i32
        %dma_wait3A_299 = arith.constant 0 : i32
        %dma_wait3A_300 = tpu.memref_slice %arg4[%dma_wait3A_298, %dma_wait3A_299] : memref<10000x128xf32, #tpu.memory_space<hbm>> -> memref<56x128xf32, #tpu.memory_space<hbm>>
        %dma_wait3A_301 = arith.constant 56 : i32
        %dma_wait3A_302 = arith.constant 0 : i32
        %dma_wait3A_303 = tpu.memref_slice %arg10[%dma_wait3A_301, %dma_wait3A_302] : memref<336x128xf32, #tpu.memory_space<vmem>> -> memref<56x128xf32, #tpu.memory_space<vmem>>
        %dma_wait3A_304 = arith.constant 0 : i32
        %dma_wait3A_305 = arith.constant 0 : i32
        %dma_wait3A_306 = tpu.memref_slice %arg4[%dma_wait3A_304, %dma_wait3A_305] : memref<10000x128xf32, #tpu.memory_space<hbm>> -> memref<56x128xf32, #tpu.memory_space<hbm>>
        tpu.wait_dma2 semaphore(%arg12 : memref<!tpu.dma_semaphore, #tpu.memory_space<semaphore_mem>>) src(%dma_wait3A_306 : memref<56x128xf32, #tpu.memory_space<hbm>>) dst(%dma_wait3A_303 : memref<56x128xf32, #tpu.memory_space<vmem>>)
        %dma_start3A_307 = arith.constant 1 : i32
        %dma_start3A_308 = arith.constant 1 : i32
        %dma_start3A_309 = arith.constant 56 : i32
        %dma_start3A_310 = arith.constant 0 : i32
        %dma_start3A_311 = tpu.memref_slice %arg10[%dma_start3A_309, %dma_start3A_310] : memref<336x128xf32, #tpu.memory_space<vmem>> -> memref<56x128xf32, #tpu.memory_space<vmem>>
        %dma_start3A_312 = arith.constant 0 : i32
        %dma_start3A_313 = tpu.memref_slice %arg9[%dma_start3A_307, %dma_start3A_308, %dma_start3A_312] : memref<6x2x56xi32, #tpu.memory_space<vmem>> -> memref<1x1x56xi32, #tpu.memory_space<vmem>>
        %dma_start3A_314 = tpu.memref_squeeze %dma_start3A_313 : memref<1x1x56xi32, #tpu.memory_space<vmem>> -> memref<56xi32, #tpu.memory_space<vmem>>
        %dma_start3A_315 = arith.constant 0 : i32
        %dma_start3A_316 = arith.constant 0 : i32
        %dma_start3A_317 = tpu.memref_slice %arg8[%dma_start3A_315, %dma_start3A_316] : memref<10112x128xf32, #tpu.memory_space<vmem_shared>> -> memref<10112x128xf32, #tpu.memory_space<vmem_shared>>
        tpu.enqueue_indirect_dma source(%dma_start3A_311 : memref<56x128xf32, #tpu.memory_space<vmem>>) target(%dma_start3A_317 : memref<10112x128xf32, #tpu.memory_space<vmem_shared>>) offsets(%dma_start3A_314 : memref<56xi32, #tpu.memory_space<vmem>>) semaphore(%arg23 : memref<!tpu.dma_semaphore, #tpu.memory_space<semaphore_mem>>) {add = true}
        %dma_wait3A_318 = arith.constant 0 : i32
        %dma_wait3A_319 = arith.constant 0 : i32
        %dma_wait3A_320 = tpu.memref_slice %arg10[%dma_wait3A_318, %dma_wait3A_319] : memref<336x128xf32, #tpu.memory_space<vmem>> -> memref<56x128xf32, #tpu.memory_space<vmem>>
        %dma_wait3A_321 = arith.constant 0 : i32
        %dma_wait3A_322 = arith.constant 0 : i32
        %dma_wait3A_323 = tpu.memref_slice %arg4[%dma_wait3A_321, %dma_wait3A_322] : memref<10000x128xf32, #tpu.memory_space<hbm>> -> memref<56x128xf32, #tpu.memory_space<hbm>>
        %dma_wait3A_324 = arith.constant 0 : i32
        %dma_wait3A_325 = arith.constant 0 : i32
        %dma_wait3A_326 = tpu.memref_slice %arg10[%dma_wait3A_324, %dma_wait3A_325] : memref<336x128xf32, #tpu.memory_space<vmem>> -> memref<56x128xf32, #tpu.memory_space<vmem>>
        %dma_wait3A_327 = arith.constant 0 : i32
        %dma_wait3A_328 = arith.constant 0 : i32
        %dma_wait3A_329 = tpu.memref_slice %arg4[%dma_wait3A_327, %dma_wait3A_328] : memref<10000x128xf32, #tpu.memory_space<hbm>> -> memref<56x128xf32, #tpu.memory_space<hbm>>
        tpu.wait_dma2 semaphore(%arg23 : memref<!tpu.dma_semaphore, #tpu.memory_space<semaphore_mem>>) src(%dma_wait3A_329 : memref<56x128xf32, #tpu.memory_space<hbm>>) dst(%dma_wait3A_326 : memref<56x128xf32, #tpu.memory_space<vmem>>)
        %sub3A = arith.constant 1 : i32
        %sub3A_330 = arith.subi %add3A_294, %sub3A : i32
        %add3A_331 = arith.constant 6 : i32
        %add3A_332 = arith.addi %sub3A_330, %add3A_331 : i32
        %lt3A_333 = arith.constant 360 : i32
        %lt3A_334 = arith.cmpi slt, %add3A_332, %lt3A_333 : i32
        %convert_element_type3A_335 = arith.extui %lt3A_334 : i1 to i32
        %cond3A_336 = arith.constant 0 : i32
        %cond3A_337 = arith.cmpi ne, %convert_element_type3A_335, %cond3A_336 : i32
        scf.if %cond3A_337 {
          %sub3A_565 = arith.constant 1 : i32
          %sub3A_566 = arith.subi %add3A_294, %sub3A_565 : i32
          %add3A_567 = arith.constant 6 : i32
          %add3A_568 = arith.addi %sub3A_566, %add3A_567 : i32
          %dma_start3A_569 = arith.constant 0 : i32
          %dma_start3A_570 = arith.constant 0 : i32
          %dma_start3A_571 = arith.constant 0 : i32
          %dma_start3A_572 = tpu.memref_slice %arg9[%dma_start3A_569, %dma_start3A_570, %dma_start3A_571] : memref<6x2x56xi32, #tpu.memory_space<vmem>> -> memref<1x2x56xi32, #tpu.memory_space<vmem>>
          %dma_start3A_573 = tpu.memref_squeeze %dma_start3A_572 : memref<1x2x56xi32, #tpu.memory_space<vmem>> -> memref<2x56xi32, #tpu.memory_space<vmem>>
          %dma_start3A_574 = arith.constant 0 : i32
          %dma_start3A_575 = arith.constant 0 : i32
          %dma_start3A_576 = tpu.memref_slice %arg5[%arg1, %add3A_568, %dma_start3A_574, %dma_start3A_575] : memref<16x360x2x56xi32, #tpu.memory_space<hbm>> -> memref<1x1x2x56xi32, #tpu.memory_space<hbm>>
          %dma_start3A_577 = tpu.memref_squeeze %dma_start3A_576 : memref<1x1x2x56xi32, #tpu.memory_space<hbm>> -> memref<2x56xi32, #tpu.memory_space<hbm>>
          %dma_start3A_578 = arith.constant 0 : i32
          %dma_start3A_579 = arith.constant 0 : i32
          %dma_start3A_580 = tpu.memref_slice %arg9[%dma_start3A_569, %dma_start3A_578, %dma_start3A_579] : memref<6x2x56xi32, #tpu.memory_space<vmem>> -> memref<1x2x56xi32, #tpu.memory_space<vmem>>
          %dma_start3A_581 = tpu.memref_squeeze %dma_start3A_580 : memref<1x2x56xi32, #tpu.memory_space<vmem>> -> memref<2x56xi32, #tpu.memory_space<vmem>>
          %dma_start3A_582 = arith.constant 0 : i32
          %dma_start3A_583 = arith.constant 0 : i32
          %dma_start3A_584 = tpu.memref_slice %arg5[%arg1, %add3A_568, %dma_start3A_582, %dma_start3A_583] : memref<16x360x2x56xi32, #tpu.memory_space<hbm>> -> memref<1x1x2x56xi32, #tpu.memory_space<hbm>>
          %dma_start3A_585 = tpu.memref_squeeze %dma_start3A_584 : memref<1x1x2x56xi32, #tpu.memory_space<hbm>> -> memref<2x56xi32, #tpu.memory_space<hbm>>
          tpu.enqueue_dma source(%dma_start3A_585 : memref<2x56xi32, #tpu.memory_space<hbm>>) target(%dma_start3A_581 : memref<2x56xi32, #tpu.memory_space<vmem>>) target_semaphore(%arg17 : memref<!tpu.dma_semaphore, #tpu.memory_space<semaphore_mem>>)
        } else {
        }
        %add3A_338 = arith.constant 4 : i32
        %add3A_339 = arith.addi %add3A_294, %add3A_338 : i32
        %lt3A_340 = arith.constant 360 : i32
        %lt3A_341 = arith.cmpi slt, %add3A_339, %lt3A_340 : i32
        %convert_element_type3A_342 = arith.extui %lt3A_341 : i1 to i32
        %cond3A_343 = arith.constant 0 : i32
        %cond3A_344 = arith.cmpi ne, %convert_element_type3A_342, %cond3A_343 : i32
        scf.if %cond3A_344 {
          %dma_wait3A_565 = arith.constant 0 : i32
          %dma_wait3A_566 = arith.constant 5 : i32
          %dma_wait3A_567 = arith.constant 0 : i32
          %dma_wait3A_568 = arith.constant 0 : i32
          %dma_wait3A_569 = tpu.memref_slice %arg9[%dma_wait3A_566, %dma_wait3A_567, %dma_wait3A_568] : memref<6x2x56xi32, #tpu.memory_space<vmem>> -> memref<1x2x56xi32, #tpu.memory_space<vmem>>
          %dma_wait3A_570 = tpu.memref_squeeze %dma_wait3A_569 : memref<1x2x56xi32, #tpu.memory_space<vmem>> -> memref<2x56xi32, #tpu.memory_space<vmem>>
          %dma_wait3A_571 = arith.constant 0 : i32
          %dma_wait3A_572 = arith.constant 0 : i32
          %dma_wait3A_573 = tpu.memref_slice %arg5[%arg1, %dma_wait3A_565, %dma_wait3A_571, %dma_wait3A_572] : memref<16x360x2x56xi32, #tpu.memory_space<hbm>> -> memref<1x1x2x56xi32, #tpu.memory_space<hbm>>
          %dma_wait3A_574 = tpu.memref_squeeze %dma_wait3A_573 : memref<1x1x2x56xi32, #tpu.memory_space<hbm>> -> memref<2x56xi32, #tpu.memory_space<hbm>>
          %dma_wait3A_575 = arith.constant 0 : i32
          %dma_wait3A_576 = arith.constant 0 : i32
          %dma_wait3A_577 = tpu.memref_slice %arg9[%dma_wait3A_566, %dma_wait3A_575, %dma_wait3A_576] : memref<6x2x56xi32, #tpu.memory_space<vmem>> -> memref<1x2x56xi32, #tpu.memory_space<vmem>>
          %dma_wait3A_578 = tpu.memref_squeeze %dma_wait3A_577 : memref<1x2x56xi32, #tpu.memory_space<vmem>> -> memref<2x56xi32, #tpu.memory_space<vmem>>
          %dma_wait3A_579 = arith.constant 0 : i32
          %dma_wait3A_580 = arith.constant 0 : i32
          %dma_wait3A_581 = tpu.memref_slice %arg5[%arg1, %dma_wait3A_565, %dma_wait3A_579, %dma_wait3A_580] : memref<16x360x2x56xi32, #tpu.memory_space<hbm>> -> memref<1x1x2x56xi32, #tpu.memory_space<hbm>>
          %dma_wait3A_582 = tpu.memref_squeeze %dma_wait3A_581 : memref<1x1x2x56xi32, #tpu.memory_space<hbm>> -> memref<2x56xi32, #tpu.memory_space<hbm>>
          tpu.wait_dma2 semaphore(%arg22 : memref<!tpu.dma_semaphore, #tpu.memory_space<semaphore_mem>>) src(%dma_wait3A_582 : memref<2x56xi32, #tpu.memory_space<hbm>>) dst(%dma_wait3A_578 : memref<2x56xi32, #tpu.memory_space<vmem>>)
          %dma_start3A_583 = arith.constant 5 : i32
          %dma_start3A_584 = arith.constant 0 : i32
          %dma_start3A_585 = arith.constant 280 : i32
          %dma_start3A_586 = arith.constant 0 : i32
          %dma_start3A_587 = tpu.memref_slice %arg10[%dma_start3A_585, %dma_start3A_586] : memref<336x128xf32, #tpu.memory_space<vmem>> -> memref<56x128xf32, #tpu.memory_space<vmem>>
          %dma_start3A_588 = arith.constant 0 : i32
          %dma_start3A_589 = tpu.memref_slice %arg9[%dma_start3A_583, %dma_start3A_584, %dma_start3A_588] : memref<6x2x56xi32, #tpu.memory_space<vmem>> -> memref<1x1x56xi32, #tpu.memory_space<vmem>>
          %dma_start3A_590 = tpu.memref_squeeze %dma_start3A_589 : memref<1x1x56xi32, #tpu.memory_space<vmem>> -> memref<56xi32, #tpu.memory_space<vmem>>
          %dma_start3A_591 = arith.constant 0 : i32
          %dma_start3A_592 = arith.constant 0 : i32
          %dma_start3A_593 = tpu.memref_slice %arg4[%dma_start3A_591, %dma_start3A_592] : memref<10000x128xf32, #tpu.memory_space<hbm>> -> memref<10000x128xf32, #tpu.memory_space<hbm>>
          tpu.enqueue_indirect_dma source(%dma_start3A_593 : memref<10000x128xf32, #tpu.memory_space<hbm>>) target(%dma_start3A_587 : memref<56x128xf32, #tpu.memory_space<vmem>>) offsets(%dma_start3A_590 : memref<56xi32, #tpu.memory_space<vmem>>) semaphore(%arg16 : memref<!tpu.dma_semaphore, #tpu.memory_space<semaphore_mem>>)
        } else {
        }
        %mul3A_345 = arith.constant 6 : i32
        %mul3A_346 = arith.muli %scan3A_254, %mul3A_345 : i32
        %add3A_347 = arith.constant 2 : i32
        %add3A_348 = arith.addi %mul3A_346, %add3A_347 : i32
        %dma_wait3A_349 = arith.constant 112 : i32
        %dma_wait3A_350 = arith.constant 0 : i32
        %dma_wait3A_351 = tpu.memref_slice %arg10[%dma_wait3A_349, %dma_wait3A_350] : memref<336x128xf32, #tpu.memory_space<vmem>> -> memref<56x128xf32, #tpu.memory_space<vmem>>
        %dma_wait3A_352 = arith.constant 0 : i32
        %dma_wait3A_353 = arith.constant 0 : i32
        %dma_wait3A_354 = tpu.memref_slice %arg4[%dma_wait3A_352, %dma_wait3A_353] : memref<10000x128xf32, #tpu.memory_space<hbm>> -> memref<56x128xf32, #tpu.memory_space<hbm>>
        %dma_wait3A_355 = arith.constant 112 : i32
        %dma_wait3A_356 = arith.constant 0 : i32
        %dma_wait3A_357 = tpu.memref_slice %arg10[%dma_wait3A_355, %dma_wait3A_356] : memref<336x128xf32, #tpu.memory_space<vmem>> -> memref<56x128xf32, #tpu.memory_space<vmem>>
        %dma_wait3A_358 = arith.constant 0 : i32
        %dma_wait3A_359 = arith.constant 0 : i32
        %dma_wait3A_360 = tpu.memref_slice %arg4[%dma_wait3A_358, %dma_wait3A_359] : memref<10000x128xf32, #tpu.memory_space<hbm>> -> memref<56x128xf32, #tpu.memory_space<hbm>>
        tpu.wait_dma2 semaphore(%arg13 : memref<!tpu.dma_semaphore, #tpu.memory_space<semaphore_mem>>) src(%dma_wait3A_360 : memref<56x128xf32, #tpu.memory_space<hbm>>) dst(%dma_wait3A_357 : memref<56x128xf32, #tpu.memory_space<vmem>>)
        %dma_start3A_361 = arith.constant 2 : i32
        %dma_start3A_362 = arith.constant 1 : i32
        %dma_start3A_363 = arith.constant 112 : i32
        %dma_start3A_364 = arith.constant 0 : i32
        %dma_start3A_365 = tpu.memref_slice %arg10[%dma_start3A_363, %dma_start3A_364] : memref<336x128xf32, #tpu.memory_space<vmem>> -> memref<56x128xf32, #tpu.memory_space<vmem>>
        %dma_start3A_366 = arith.constant 0 : i32
        %dma_start3A_367 = tpu.memref_slice %arg9[%dma_start3A_361, %dma_start3A_362, %dma_start3A_366] : memref<6x2x56xi32, #tpu.memory_space<vmem>> -> memref<1x1x56xi32, #tpu.memory_space<vmem>>
        %dma_start3A_368 = tpu.memref_squeeze %dma_start3A_367 : memref<1x1x56xi32, #tpu.memory_space<vmem>> -> memref<56xi32, #tpu.memory_space<vmem>>
        %dma_start3A_369 = arith.constant 0 : i32
        %dma_start3A_370 = arith.constant 0 : i32
        %dma_start3A_371 = tpu.memref_slice %arg8[%dma_start3A_369, %dma_start3A_370] : memref<10112x128xf32, #tpu.memory_space<vmem_shared>> -> memref<10112x128xf32, #tpu.memory_space<vmem_shared>>
        tpu.enqueue_indirect_dma source(%dma_start3A_365 : memref<56x128xf32, #tpu.memory_space<vmem>>) target(%dma_start3A_371 : memref<10112x128xf32, #tpu.memory_space<vmem_shared>>) offsets(%dma_start3A_368 : memref<56xi32, #tpu.memory_space<vmem>>) semaphore(%arg23 : memref<!tpu.dma_semaphore, #tpu.memory_space<semaphore_mem>>) {add = true}
        %dma_wait3A_372 = arith.constant 56 : i32
        %dma_wait3A_373 = arith.constant 0 : i32
        %dma_wait3A_374 = tpu.memref_slice %arg10[%dma_wait3A_372, %dma_wait3A_373] : memref<336x128xf32, #tpu.memory_space<vmem>> -> memref<56x128xf32, #tpu.memory_space<vmem>>
        %dma_wait3A_375 = arith.constant 0 : i32
        %dma_wait3A_376 = arith.constant 0 : i32
        %dma_wait3A_377 = tpu.memref_slice %arg4[%dma_wait3A_375, %dma_wait3A_376] : memref<10000x128xf32, #tpu.memory_space<hbm>> -> memref<56x128xf32, #tpu.memory_space<hbm>>
        %dma_wait3A_378 = arith.constant 56 : i32
        %dma_wait3A_379 = arith.constant 0 : i32
        %dma_wait3A_380 = tpu.memref_slice %arg10[%dma_wait3A_378, %dma_wait3A_379] : memref<336x128xf32, #tpu.memory_space<vmem>> -> memref<56x128xf32, #tpu.memory_space<vmem>>
        %dma_wait3A_381 = arith.constant 0 : i32
        %dma_wait3A_382 = arith.constant 0 : i32
        %dma_wait3A_383 = tpu.memref_slice %arg4[%dma_wait3A_381, %dma_wait3A_382] : memref<10000x128xf32, #tpu.memory_space<hbm>> -> memref<56x128xf32, #tpu.memory_space<hbm>>
        tpu.wait_dma2 semaphore(%arg23 : memref<!tpu.dma_semaphore, #tpu.memory_space<semaphore_mem>>) src(%dma_wait3A_383 : memref<56x128xf32, #tpu.memory_space<hbm>>) dst(%dma_wait3A_380 : memref<56x128xf32, #tpu.memory_space<vmem>>)
        %sub3A_384 = arith.constant 1 : i32
        %sub3A_385 = arith.subi %add3A_348, %sub3A_384 : i32
        %add3A_386 = arith.constant 6 : i32
        %add3A_387 = arith.addi %sub3A_385, %add3A_386 : i32
        %lt3A_388 = arith.constant 360 : i32
        %lt3A_389 = arith.cmpi slt, %add3A_387, %lt3A_388 : i32
        %convert_element_type3A_390 = arith.extui %lt3A_389 : i1 to i32
        %cond3A_391 = arith.constant 0 : i32
        %cond3A_392 = arith.cmpi ne, %convert_element_type3A_390, %cond3A_391 : i32
        scf.if %cond3A_392 {
          %sub3A_565 = arith.constant 1 : i32
          %sub3A_566 = arith.subi %add3A_348, %sub3A_565 : i32
          %add3A_567 = arith.constant 6 : i32
          %add3A_568 = arith.addi %sub3A_566, %add3A_567 : i32
          %dma_start3A_569 = arith.constant 1 : i32
          %dma_start3A_570 = arith.constant 0 : i32
          %dma_start3A_571 = arith.constant 0 : i32
          %dma_start3A_572 = tpu.memref_slice %arg9[%dma_start3A_569, %dma_start3A_570, %dma_start3A_571] : memref<6x2x56xi32, #tpu.memory_space<vmem>> -> memref<1x2x56xi32, #tpu.memory_space<vmem>>
          %dma_start3A_573 = tpu.memref_squeeze %dma_start3A_572 : memref<1x2x56xi32, #tpu.memory_space<vmem>> -> memref<2x56xi32, #tpu.memory_space<vmem>>
          %dma_start3A_574 = arith.constant 0 : i32
          %dma_start3A_575 = arith.constant 0 : i32
          %dma_start3A_576 = tpu.memref_slice %arg5[%arg1, %add3A_568, %dma_start3A_574, %dma_start3A_575] : memref<16x360x2x56xi32, #tpu.memory_space<hbm>> -> memref<1x1x2x56xi32, #tpu.memory_space<hbm>>
          %dma_start3A_577 = tpu.memref_squeeze %dma_start3A_576 : memref<1x1x2x56xi32, #tpu.memory_space<hbm>> -> memref<2x56xi32, #tpu.memory_space<hbm>>
          %dma_start3A_578 = arith.constant 0 : i32
          %dma_start3A_579 = arith.constant 0 : i32
          %dma_start3A_580 = tpu.memref_slice %arg9[%dma_start3A_569, %dma_start3A_578, %dma_start3A_579] : memref<6x2x56xi32, #tpu.memory_space<vmem>> -> memref<1x2x56xi32, #tpu.memory_space<vmem>>
          %dma_start3A_581 = tpu.memref_squeeze %dma_start3A_580 : memref<1x2x56xi32, #tpu.memory_space<vmem>> -> memref<2x56xi32, #tpu.memory_space<vmem>>
          %dma_start3A_582 = arith.constant 0 : i32
          %dma_start3A_583 = arith.constant 0 : i32
          %dma_start3A_584 = tpu.memref_slice %arg5[%arg1, %add3A_568, %dma_start3A_582, %dma_start3A_583] : memref<16x360x2x56xi32, #tpu.memory_space<hbm>> -> memref<1x1x2x56xi32, #tpu.memory_space<hbm>>
          %dma_start3A_585 = tpu.memref_squeeze %dma_start3A_584 : memref<1x1x2x56xi32, #tpu.memory_space<hbm>> -> memref<2x56xi32, #tpu.memory_space<hbm>>
          tpu.enqueue_dma source(%dma_start3A_585 : memref<2x56xi32, #tpu.memory_space<hbm>>) target(%dma_start3A_581 : memref<2x56xi32, #tpu.memory_space<vmem>>) target_semaphore(%arg18 : memref<!tpu.dma_semaphore, #tpu.memory_space<semaphore_mem>>)
        } else {
        }
        %add3A_393 = arith.constant 4 : i32
        %add3A_394 = arith.addi %add3A_348, %add3A_393 : i32
        %lt3A_395 = arith.constant 360 : i32
        %lt3A_396 = arith.cmpi slt, %add3A_394, %lt3A_395 : i32
        %convert_element_type3A_397 = arith.extui %lt3A_396 : i1 to i32
        %cond3A_398 = arith.constant 0 : i32
        %cond3A_399 = arith.cmpi ne, %convert_element_type3A_397, %cond3A_398 : i32
        scf.if %cond3A_399 {
          %dma_wait3A_565 = arith.constant 0 : i32
          %dma_wait3A_566 = arith.constant 0 : i32
          %dma_wait3A_567 = arith.constant 0 : i32
          %dma_wait3A_568 = arith.constant 0 : i32
          %dma_wait3A_569 = tpu.memref_slice %arg9[%dma_wait3A_566, %dma_wait3A_567, %dma_wait3A_568] : memref<6x2x56xi32, #tpu.memory_space<vmem>> -> memref<1x2x56xi32, #tpu.memory_space<vmem>>
          %dma_wait3A_570 = tpu.memref_squeeze %dma_wait3A_569 : memref<1x2x56xi32, #tpu.memory_space<vmem>> -> memref<2x56xi32, #tpu.memory_space<vmem>>
          %dma_wait3A_571 = arith.constant 0 : i32
          %dma_wait3A_572 = arith.constant 0 : i32
          %dma_wait3A_573 = tpu.memref_slice %arg5[%arg1, %dma_wait3A_565, %dma_wait3A_571, %dma_wait3A_572] : memref<16x360x2x56xi32, #tpu.memory_space<hbm>> -> memref<1x1x2x56xi32, #tpu.memory_space<hbm>>
          %dma_wait3A_574 = tpu.memref_squeeze %dma_wait3A_573 : memref<1x1x2x56xi32, #tpu.memory_space<hbm>> -> memref<2x56xi32, #tpu.memory_space<hbm>>
          %dma_wait3A_575 = arith.constant 0 : i32
          %dma_wait3A_576 = arith.constant 0 : i32
          %dma_wait3A_577 = tpu.memref_slice %arg9[%dma_wait3A_566, %dma_wait3A_575, %dma_wait3A_576] : memref<6x2x56xi32, #tpu.memory_space<vmem>> -> memref<1x2x56xi32, #tpu.memory_space<vmem>>
          %dma_wait3A_578 = tpu.memref_squeeze %dma_wait3A_577 : memref<1x2x56xi32, #tpu.memory_space<vmem>> -> memref<2x56xi32, #tpu.memory_space<vmem>>
          %dma_wait3A_579 = arith.constant 0 : i32
          %dma_wait3A_580 = arith.constant 0 : i32
          %dma_wait3A_581 = tpu.memref_slice %arg5[%arg1, %dma_wait3A_565, %dma_wait3A_579, %dma_wait3A_580] : memref<16x360x2x56xi32, #tpu.memory_space<hbm>> -> memref<1x1x2x56xi32, #tpu.memory_space<hbm>>
          %dma_wait3A_582 = tpu.memref_squeeze %dma_wait3A_581 : memref<1x1x2x56xi32, #tpu.memory_space<hbm>> -> memref<2x56xi32, #tpu.memory_space<hbm>>
          tpu.wait_dma2 semaphore(%arg17 : memref<!tpu.dma_semaphore, #tpu.memory_space<semaphore_mem>>) src(%dma_wait3A_582 : memref<2x56xi32, #tpu.memory_space<hbm>>) dst(%dma_wait3A_578 : memref<2x56xi32, #tpu.memory_space<vmem>>)
          %dma_start3A_583 = arith.constant 0 : i32
          %dma_start3A_584 = arith.constant 0 : i32
          %dma_start3A_585 = arith.constant 0 : i32
          %dma_start3A_586 = arith.constant 0 : i32
          %dma_start3A_587 = tpu.memref_slice %arg10[%dma_start3A_585, %dma_start3A_586] : memref<336x128xf32, #tpu.memory_space<vmem>> -> memref<56x128xf32, #tpu.memory_space<vmem>>
          %dma_start3A_588 = arith.constant 0 : i32
          %dma_start3A_589 = tpu.memref_slice %arg9[%dma_start3A_583, %dma_start3A_584, %dma_start3A_588] : memref<6x2x56xi32, #tpu.memory_space<vmem>> -> memref<1x1x56xi32, #tpu.memory_space<vmem>>
          %dma_start3A_590 = tpu.memref_squeeze %dma_start3A_589 : memref<1x1x56xi32, #tpu.memory_space<vmem>> -> memref<56xi32, #tpu.memory_space<vmem>>
          %dma_start3A_591 = arith.constant 0 : i32
          %dma_start3A_592 = arith.constant 0 : i32
          %dma_start3A_593 = tpu.memref_slice %arg4[%dma_start3A_591, %dma_start3A_592] : memref<10000x128xf32, #tpu.memory_space<hbm>> -> memref<10000x128xf32, #tpu.memory_space<hbm>>
          tpu.enqueue_indirect_dma source(%dma_start3A_593 : memref<10000x128xf32, #tpu.memory_space<hbm>>) target(%dma_start3A_587 : memref<56x128xf32, #tpu.memory_space<vmem>>) offsets(%dma_start3A_590 : memref<56xi32, #tpu.memory_space<vmem>>) semaphore(%arg11 : memref<!tpu.dma_semaphore, #tpu.memory_space<semaphore_mem>>)
        } else {
        }
        %mul3A_400 = arith.constant 6 : i32
        %mul3A_401 = arith.muli %scan3A_254, %mul3A_400 : i32
        %add3A_402 = arith.constant 3 : i32
        %add3A_403 = arith.addi %mul3A_401, %add3A_402 : i32
        %dma_wait3A_404 = arith.constant 168 : i32
        %dma_wait3A_405 = arith.constant 0 : i32
        %dma_wait3A_406 = tpu.memref_slice %arg10[%dma_wait3A_404, %dma_wait3A_405] : memref<336x128xf32, #tpu.memory_space<vmem>> -> memref<56x128xf32, #tpu.memory_space<vmem>>
        %dma_wait3A_407 = arith.constant 0 : i32
        %dma_wait3A_408 = arith.constant 0 : i32
        %dma_wait3A_409 = tpu.memref_slice %arg4[%dma_wait3A_407, %dma_wait3A_408] : memref<10000x128xf32, #tpu.memory_space<hbm>> -> memref<56x128xf32, #tpu.memory_space<hbm>>
        %dma_wait3A_410 = arith.constant 168 : i32
        %dma_wait3A_411 = arith.constant 0 : i32
        %dma_wait3A_412 = tpu.memref_slice %arg10[%dma_wait3A_410, %dma_wait3A_411] : memref<336x128xf32, #tpu.memory_space<vmem>> -> memref<56x128xf32, #tpu.memory_space<vmem>>
        %dma_wait3A_413 = arith.constant 0 : i32
        %dma_wait3A_414 = arith.constant 0 : i32
        %dma_wait3A_415 = tpu.memref_slice %arg4[%dma_wait3A_413, %dma_wait3A_414] : memref<10000x128xf32, #tpu.memory_space<hbm>> -> memref<56x128xf32, #tpu.memory_space<hbm>>
        tpu.wait_dma2 semaphore(%arg14 : memref<!tpu.dma_semaphore, #tpu.memory_space<semaphore_mem>>) src(%dma_wait3A_415 : memref<56x128xf32, #tpu.memory_space<hbm>>) dst(%dma_wait3A_412 : memref<56x128xf32, #tpu.memory_space<vmem>>)
        %dma_start3A_416 = arith.constant 3 : i32
        %dma_start3A_417 = arith.constant 1 : i32
        %dma_start3A_418 = arith.constant 168 : i32
        %dma_start3A_419 = arith.constant 0 : i32
        %dma_start3A_420 = tpu.memref_slice %arg10[%dma_start3A_418, %dma_start3A_419] : memref<336x128xf32, #tpu.memory_space<vmem>> -> memref<56x128xf32, #tpu.memory_space<vmem>>
        %dma_start3A_421 = arith.constant 0 : i32
        %dma_start3A_422 = tpu.memref_slice %arg9[%dma_start3A_416, %dma_start3A_417, %dma_start3A_421] : memref<6x2x56xi32, #tpu.memory_space<vmem>> -> memref<1x1x56xi32, #tpu.memory_space<vmem>>
        %dma_start3A_423 = tpu.memref_squeeze %dma_start3A_422 : memref<1x1x56xi32, #tpu.memory_space<vmem>> -> memref<56xi32, #tpu.memory_space<vmem>>
        %dma_start3A_424 = arith.constant 0 : i32
        %dma_start3A_425 = arith.constant 0 : i32
        %dma_start3A_426 = tpu.memref_slice %arg8[%dma_start3A_424, %dma_start3A_425] : memref<10112x128xf32, #tpu.memory_space<vmem_shared>> -> memref<10112x128xf32, #tpu.memory_space<vmem_shared>>
        tpu.enqueue_indirect_dma source(%dma_start3A_420 : memref<56x128xf32, #tpu.memory_space<vmem>>) target(%dma_start3A_426 : memref<10112x128xf32, #tpu.memory_space<vmem_shared>>) offsets(%dma_start3A_423 : memref<56xi32, #tpu.memory_space<vmem>>) semaphore(%arg23 : memref<!tpu.dma_semaphore, #tpu.memory_space<semaphore_mem>>) {add = true}
        %dma_wait3A_427 = arith.constant 112 : i32
        %dma_wait3A_428 = arith.constant 0 : i32
        %dma_wait3A_429 = tpu.memref_slice %arg10[%dma_wait3A_427, %dma_wait3A_428] : memref<336x128xf32, #tpu.memory_space<vmem>> -> memref<56x128xf32, #tpu.memory_space<vmem>>
        %dma_wait3A_430 = arith.constant 0 : i32
        %dma_wait3A_431 = arith.constant 0 : i32
        %dma_wait3A_432 = tpu.memref_slice %arg4[%dma_wait3A_430, %dma_wait3A_431] : memref<10000x128xf32, #tpu.memory_space<hbm>> -> memref<56x128xf32, #tpu.memory_space<hbm>>
        %dma_wait3A_433 = arith.constant 112 : i32
        %dma_wait3A_434 = arith.constant 0 : i32
        %dma_wait3A_435 = tpu.memref_slice %arg10[%dma_wait3A_433, %dma_wait3A_434] : memref<336x128xf32, #tpu.memory_space<vmem>> -> memref<56x128xf32, #tpu.memory_space<vmem>>
        %dma_wait3A_436 = arith.constant 0 : i32
        %dma_wait3A_437 = arith.constant 0 : i32
        %dma_wait3A_438 = tpu.memref_slice %arg4[%dma_wait3A_436, %dma_wait3A_437] : memref<10000x128xf32, #tpu.memory_space<hbm>> -> memref<56x128xf32, #tpu.memory_space<hbm>>
        tpu.wait_dma2 semaphore(%arg23 : memref<!tpu.dma_semaphore, #tpu.memory_space<semaphore_mem>>) src(%dma_wait3A_438 : memref<56x128xf32, #tpu.memory_space<hbm>>) dst(%dma_wait3A_435 : memref<56x128xf32, #tpu.memory_space<vmem>>)
        %sub3A_439 = arith.constant 1 : i32
        %sub3A_440 = arith.subi %add3A_403, %sub3A_439 : i32
        %add3A_441 = arith.constant 6 : i32
        %add3A_442 = arith.addi %sub3A_440, %add3A_441 : i32
        %lt3A_443 = arith.constant 360 : i32
        %lt3A_444 = arith.cmpi slt, %add3A_442, %lt3A_443 : i32
        %convert_element_type3A_445 = arith.extui %lt3A_444 : i1 to i32
        %cond3A_446 = arith.constant 0 : i32
        %cond3A_447 = arith.cmpi ne, %convert_element_type3A_445, %cond3A_446 : i32
        scf.if %cond3A_447 {
          %sub3A_565 = arith.constant 1 : i32
          %sub3A_566 = arith.subi %add3A_403, %sub3A_565 : i32
          %add3A_567 = arith.constant 6 : i32
          %add3A_568 = arith.addi %sub3A_566, %add3A_567 : i32
          %dma_start3A_569 = arith.constant 2 : i32
          %dma_start3A_570 = arith.constant 0 : i32
          %dma_start3A_571 = arith.constant 0 : i32
          %dma_start3A_572 = tpu.memref_slice %arg9[%dma_start3A_569, %dma_start3A_570, %dma_start3A_571] : memref<6x2x56xi32, #tpu.memory_space<vmem>> -> memref<1x2x56xi32, #tpu.memory_space<vmem>>
          %dma_start3A_573 = tpu.memref_squeeze %dma_start3A_572 : memref<1x2x56xi32, #tpu.memory_space<vmem>> -> memref<2x56xi32, #tpu.memory_space<vmem>>
          %dma_start3A_574 = arith.constant 0 : i32
          %dma_start3A_575 = arith.constant 0 : i32
          %dma_start3A_576 = tpu.memref_slice %arg5[%arg1, %add3A_568, %dma_start3A_574, %dma_start3A_575] : memref<16x360x2x56xi32, #tpu.memory_space<hbm>> -> memref<1x1x2x56xi32, #tpu.memory_space<hbm>>
          %dma_start3A_577 = tpu.memref_squeeze %dma_start3A_576 : memref<1x1x2x56xi32, #tpu.memory_space<hbm>> -> memref<2x56xi32, #tpu.memory_space<hbm>>
          %dma_start3A_578 = arith.constant 0 : i32
          %dma_start3A_579 = arith.constant 0 : i32
          %dma_start3A_580 = tpu.memref_slice %arg9[%dma_start3A_569, %dma_start3A_578, %dma_start3A_579] : memref<6x2x56xi32, #tpu.memory_space<vmem>> -> memref<1x2x56xi32, #tpu.memory_space<vmem>>
          %dma_start3A_581 = tpu.memref_squeeze %dma_start3A_580 : memref<1x2x56xi32, #tpu.memory_space<vmem>> -> memref<2x56xi32, #tpu.memory_space<vmem>>
          %dma_start3A_582 = arith.constant 0 : i32
          %dma_start3A_583 = arith.constant 0 : i32
          %dma_start3A_584 = tpu.memref_slice %arg5[%arg1, %add3A_568, %dma_start3A_582, %dma_start3A_583] : memref<16x360x2x56xi32, #tpu.memory_space<hbm>> -> memref<1x1x2x56xi32, #tpu.memory_space<hbm>>
          %dma_start3A_585 = tpu.memref_squeeze %dma_start3A_584 : memref<1x1x2x56xi32, #tpu.memory_space<hbm>> -> memref<2x56xi32, #tpu.memory_space<hbm>>
          tpu.enqueue_dma source(%dma_start3A_585 : memref<2x56xi32, #tpu.memory_space<hbm>>) target(%dma_start3A_581 : memref<2x56xi32, #tpu.memory_space<vmem>>) target_semaphore(%arg19 : memref<!tpu.dma_semaphore, #tpu.memory_space<semaphore_mem>>)
        } else {
        }
        %add3A_448 = arith.constant 4 : i32
        %add3A_449 = arith.addi %add3A_403, %add3A_448 : i32
        %lt3A_450 = arith.constant 360 : i32
        %lt3A_451 = arith.cmpi slt, %add3A_449, %lt3A_450 : i32
        %convert_element_type3A_452 = arith.extui %lt3A_451 : i1 to i32
        %cond3A_453 = arith.constant 0 : i32
        %cond3A_454 = arith.cmpi ne, %convert_element_type3A_452, %cond3A_453 : i32
        scf.if %cond3A_454 {
          %dma_wait3A_565 = arith.constant 0 : i32
          %dma_wait3A_566 = arith.constant 1 : i32
          %dma_wait3A_567 = arith.constant 0 : i32
          %dma_wait3A_568 = arith.constant 0 : i32
          %dma_wait3A_569 = tpu.memref_slice %arg9[%dma_wait3A_566, %dma_wait3A_567, %dma_wait3A_568] : memref<6x2x56xi32, #tpu.memory_space<vmem>> -> memref<1x2x56xi32, #tpu.memory_space<vmem>>
          %dma_wait3A_570 = tpu.memref_squeeze %dma_wait3A_569 : memref<1x2x56xi32, #tpu.memory_space<vmem>> -> memref<2x56xi32, #tpu.memory_space<vmem>>
          %dma_wait3A_571 = arith.constant 0 : i32
          %dma_wait3A_572 = arith.constant 0 : i32
          %dma_wait3A_573 = tpu.memref_slice %arg5[%arg1, %dma_wait3A_565, %dma_wait3A_571, %dma_wait3A_572] : memref<16x360x2x56xi32, #tpu.memory_space<hbm>> -> memref<1x1x2x56xi32, #tpu.memory_space<hbm>>
          %dma_wait3A_574 = tpu.memref_squeeze %dma_wait3A_573 : memref<1x1x2x56xi32, #tpu.memory_space<hbm>> -> memref<2x56xi32, #tpu.memory_space<hbm>>
          %dma_wait3A_575 = arith.constant 0 : i32
          %dma_wait3A_576 = arith.constant 0 : i32
          %dma_wait3A_577 = tpu.memref_slice %arg9[%dma_wait3A_566, %dma_wait3A_575, %dma_wait3A_576] : memref<6x2x56xi32, #tpu.memory_space<vmem>> -> memref<1x2x56xi32, #tpu.memory_space<vmem>>
          %dma_wait3A_578 = tpu.memref_squeeze %dma_wait3A_577 : memref<1x2x56xi32, #tpu.memory_space<vmem>> -> memref<2x56xi32, #tpu.memory_space<vmem>>
          %dma_wait3A_579 = arith.constant 0 : i32
          %dma_wait3A_580 = arith.constant 0 : i32
          %dma_wait3A_581 = tpu.memref_slice %arg5[%arg1, %dma_wait3A_565, %dma_wait3A_579, %dma_wait3A_580] : memref<16x360x2x56xi32, #tpu.memory_space<hbm>> -> memref<1x1x2x56xi32, #tpu.memory_space<hbm>>
          %dma_wait3A_582 = tpu.memref_squeeze %dma_wait3A_581 : memref<1x1x2x56xi32, #tpu.memory_space<hbm>> -> memref<2x56xi32, #tpu.memory_space<hbm>>
          tpu.wait_dma2 semaphore(%arg18 : memref<!tpu.dma_semaphore, #tpu.memory_space<semaphore_mem>>) src(%dma_wait3A_582 : memref<2x56xi32, #tpu.memory_space<hbm>>) dst(%dma_wait3A_578 : memref<2x56xi32, #tpu.memory_space<vmem>>)
          %dma_start3A_583 = arith.constant 1 : i32
          %dma_start3A_584 = arith.constant 0 : i32
          %dma_start3A_585 = arith.constant 56 : i32
          %dma_start3A_586 = arith.constant 0 : i32
          %dma_start3A_587 = tpu.memref_slice %arg10[%dma_start3A_585, %dma_start3A_586] : memref<336x128xf32, #tpu.memory_space<vmem>> -> memref<56x128xf32, #tpu.memory_space<vmem>>
          %dma_start3A_588 = arith.constant 0 : i32
          %dma_start3A_589 = tpu.memref_slice %arg9[%dma_start3A_583, %dma_start3A_584, %dma_start3A_588] : memref<6x2x56xi32, #tpu.memory_space<vmem>> -> memref<1x1x56xi32, #tpu.memory_space<vmem>>
          %dma_start3A_590 = tpu.memref_squeeze %dma_start3A_589 : memref<1x1x56xi32, #tpu.memory_space<vmem>> -> memref<56xi32, #tpu.memory_space<vmem>>
          %dma_start3A_591 = arith.constant 0 : i32
          %dma_start3A_592 = arith.constant 0 : i32
          %dma_start3A_593 = tpu.memref_slice %arg4[%dma_start3A_591, %dma_start3A_592] : memref<10000x128xf32, #tpu.memory_space<hbm>> -> memref<10000x128xf32, #tpu.memory_space<hbm>>
          tpu.enqueue_indirect_dma source(%dma_start3A_593 : memref<10000x128xf32, #tpu.memory_space<hbm>>) target(%dma_start3A_587 : memref<56x128xf32, #tpu.memory_space<vmem>>) offsets(%dma_start3A_590 : memref<56xi32, #tpu.memory_space<vmem>>) semaphore(%arg12 : memref<!tpu.dma_semaphore, #tpu.memory_space<semaphore_mem>>)
        } else {
        }
        %mul3A_455 = arith.constant 6 : i32
        %mul3A_456 = arith.muli %scan3A_254, %mul3A_455 : i32
        %add3A_457 = arith.constant 4 : i32
        %add3A_458 = arith.addi %mul3A_456, %add3A_457 : i32
        %dma_wait3A_459 = arith.constant 224 : i32
        %dma_wait3A_460 = arith.constant 0 : i32
        %dma_wait3A_461 = tpu.memref_slice %arg10[%dma_wait3A_459, %dma_wait3A_460] : memref<336x128xf32, #tpu.memory_space<vmem>> -> memref<56x128xf32, #tpu.memory_space<vmem>>
        %dma_wait3A_462 = arith.constant 0 : i32
        %dma_wait3A_463 = arith.constant 0 : i32
        %dma_wait3A_464 = tpu.memref_slice %arg4[%dma_wait3A_462, %dma_wait3A_463] : memref<10000x128xf32, #tpu.memory_space<hbm>> -> memref<56x128xf32, #tpu.memory_space<hbm>>
        %dma_wait3A_465 = arith.constant 224 : i32
        %dma_wait3A_466 = arith.constant 0 : i32
        %dma_wait3A_467 = tpu.memref_slice %arg10[%dma_wait3A_465, %dma_wait3A_466] : memref<336x128xf32, #tpu.memory_space<vmem>> -> memref<56x128xf32, #tpu.memory_space<vmem>>
        %dma_wait3A_468 = arith.constant 0 : i32
        %dma_wait3A_469 = arith.constant 0 : i32
        %dma_wait3A_470 = tpu.memref_slice %arg4[%dma_wait3A_468, %dma_wait3A_469] : memref<10000x128xf32, #tpu.memory_space<hbm>> -> memref<56x128xf32, #tpu.memory_space<hbm>>
        tpu.wait_dma2 semaphore(%arg15 : memref<!tpu.dma_semaphore, #tpu.memory_space<semaphore_mem>>) src(%dma_wait3A_470 : memref<56x128xf32, #tpu.memory_space<hbm>>) dst(%dma_wait3A_467 : memref<56x128xf32, #tpu.memory_space<vmem>>)
        %dma_start3A_471 = arith.constant 4 : i32
        %dma_start3A_472 = arith.constant 1 : i32
        %dma_start3A_473 = arith.constant 224 : i32
        %dma_start3A_474 = arith.constant 0 : i32
        %dma_start3A_475 = tpu.memref_slice %arg10[%dma_start3A_473, %dma_start3A_474] : memref<336x128xf32, #tpu.memory_space<vmem>> -> memref<56x128xf32, #tpu.memory_space<vmem>>
        %dma_start3A_476 = arith.constant 0 : i32
        %dma_start3A_477 = tpu.memref_slice %arg9[%dma_start3A_471, %dma_start3A_472, %dma_start3A_476] : memref<6x2x56xi32, #tpu.memory_space<vmem>> -> memref<1x1x56xi32, #tpu.memory_space<vmem>>
        %dma_start3A_478 = tpu.memref_squeeze %dma_start3A_477 : memref<1x1x56xi32, #tpu.memory_space<vmem>> -> memref<56xi32, #tpu.memory_space<vmem>>
        %dma_start3A_479 = arith.constant 0 : i32
        %dma_start3A_480 = arith.constant 0 : i32
        %dma_start3A_481 = tpu.memref_slice %arg8[%dma_start3A_479, %dma_start3A_480] : memref<10112x128xf32, #tpu.memory_space<vmem_shared>> -> memref<10112x128xf32, #tpu.memory_space<vmem_shared>>
        tpu.enqueue_indirect_dma source(%dma_start3A_475 : memref<56x128xf32, #tpu.memory_space<vmem>>) target(%dma_start3A_481 : memref<10112x128xf32, #tpu.memory_space<vmem_shared>>) offsets(%dma_start3A_478 : memref<56xi32, #tpu.memory_space<vmem>>) semaphore(%arg23 : memref<!tpu.dma_semaphore, #tpu.memory_space<semaphore_mem>>) {add = true}
        %dma_wait3A_482 = arith.constant 168 : i32
        %dma_wait3A_483 = arith.constant 0 : i32
        %dma_wait3A_484 = tpu.memref_slice %arg10[%dma_wait3A_482, %dma_wait3A_483] : memref<336x128xf32, #tpu.memory_space<vmem>> -> memref<56x128xf32, #tpu.memory_space<vmem>>
        %dma_wait3A_485 = arith.constant 0 : i32
        %dma_wait3A_486 = arith.constant 0 : i32
        %dma_wait3A_487 = tpu.memref_slice %arg4[%dma_wait3A_485, %dma_wait3A_486] : memref<10000x128xf32, #tpu.memory_space<hbm>> -> memref<56x128xf32, #tpu.memory_space<hbm>>
        %dma_wait3A_488 = arith.constant 168 : i32
        %dma_wait3A_489 = arith.constant 0 : i32
        %dma_wait3A_490 = tpu.memref_slice %arg10[%dma_wait3A_488, %dma_wait3A_489] : memref<336x128xf32, #tpu.memory_space<vmem>> -> memref<56x128xf32, #tpu.memory_space<vmem>>
        %dma_wait3A_491 = arith.constant 0 : i32
        %dma_wait3A_492 = arith.constant 0 : i32
        %dma_wait3A_493 = tpu.memref_slice %arg4[%dma_wait3A_491, %dma_wait3A_492] : memref<10000x128xf32, #tpu.memory_space<hbm>> -> memref<56x128xf32, #tpu.memory_space<hbm>>
        tpu.wait_dma2 semaphore(%arg23 : memref<!tpu.dma_semaphore, #tpu.memory_space<semaphore_mem>>) src(%dma_wait3A_493 : memref<56x128xf32, #tpu.memory_space<hbm>>) dst(%dma_wait3A_490 : memref<56x128xf32, #tpu.memory_space<vmem>>)
        %sub3A_494 = arith.constant 1 : i32
        %sub3A_495 = arith.subi %add3A_458, %sub3A_494 : i32
        %add3A_496 = arith.constant 6 : i32
        %add3A_497 = arith.addi %sub3A_495, %add3A_496 : i32
        %lt3A_498 = arith.constant 360 : i32
        %lt3A_499 = arith.cmpi slt, %add3A_497, %lt3A_498 : i32
        %convert_element_type3A_500 = arith.extui %lt3A_499 : i1 to i32
        %cond3A_501 = arith.constant 0 : i32
        %cond3A_502 = arith.cmpi ne, %convert_element_type3A_500, %cond3A_501 : i32
        scf.if %cond3A_502 {
          %sub3A_565 = arith.constant 1 : i32
          %sub3A_566 = arith.subi %add3A_458, %sub3A_565 : i32
          %add3A_567 = arith.constant 6 : i32
          %add3A_568 = arith.addi %sub3A_566, %add3A_567 : i32
          %dma_start3A_569 = arith.constant 3 : i32
          %dma_start3A_570 = arith.constant 0 : i32
          %dma_start3A_571 = arith.constant 0 : i32
          %dma_start3A_572 = tpu.memref_slice %arg9[%dma_start3A_569, %dma_start3A_570, %dma_start3A_571] : memref<6x2x56xi32, #tpu.memory_space<vmem>> -> memref<1x2x56xi32, #tpu.memory_space<vmem>>
          %dma_start3A_573 = tpu.memref_squeeze %dma_start3A_572 : memref<1x2x56xi32, #tpu.memory_space<vmem>> -> memref<2x56xi32, #tpu.memory_space<vmem>>
          %dma_start3A_574 = arith.constant 0 : i32
          %dma_start3A_575 = arith.constant 0 : i32
          %dma_start3A_576 = tpu.memref_slice %arg5[%arg1, %add3A_568, %dma_start3A_574, %dma_start3A_575] : memref<16x360x2x56xi32, #tpu.memory_space<hbm>> -> memref<1x1x2x56xi32, #tpu.memory_space<hbm>>
          %dma_start3A_577 = tpu.memref_squeeze %dma_start3A_576 : memref<1x1x2x56xi32, #tpu.memory_space<hbm>> -> memref<2x56xi32, #tpu.memory_space<hbm>>
          %dma_start3A_578 = arith.constant 0 : i32
          %dma_start3A_579 = arith.constant 0 : i32
          %dma_start3A_580 = tpu.memref_slice %arg9[%dma_start3A_569, %dma_start3A_578, %dma_start3A_579] : memref<6x2x56xi32, #tpu.memory_space<vmem>> -> memref<1x2x56xi32, #tpu.memory_space<vmem>>
          %dma_start3A_581 = tpu.memref_squeeze %dma_start3A_580 : memref<1x2x56xi32, #tpu.memory_space<vmem>> -> memref<2x56xi32, #tpu.memory_space<vmem>>
          %dma_start3A_582 = arith.constant 0 : i32
          %dma_start3A_583 = arith.constant 0 : i32
          %dma_start3A_584 = tpu.memref_slice %arg5[%arg1, %add3A_568, %dma_start3A_582, %dma_start3A_583] : memref<16x360x2x56xi32, #tpu.memory_space<hbm>> -> memref<1x1x2x56xi32, #tpu.memory_space<hbm>>
          %dma_start3A_585 = tpu.memref_squeeze %dma_start3A_584 : memref<1x1x2x56xi32, #tpu.memory_space<hbm>> -> memref<2x56xi32, #tpu.memory_space<hbm>>
          tpu.enqueue_dma source(%dma_start3A_585 : memref<2x56xi32, #tpu.memory_space<hbm>>) target(%dma_start3A_581 : memref<2x56xi32, #tpu.memory_space<vmem>>) target_semaphore(%arg20 : memref<!tpu.dma_semaphore, #tpu.memory_space<semaphore_mem>>)
        } else {
        }
        %add3A_503 = arith.constant 4 : i32
        %add3A_504 = arith.addi %add3A_458, %add3A_503 : i32
        %lt3A_505 = arith.constant 360 : i32
        %lt3A_506 = arith.cmpi slt, %add3A_504, %lt3A_505 : i32
        %convert_element_type3A_507 = arith.extui %lt3A_506 : i1 to i32
        %cond3A_508 = arith.constant 0 : i32
        %cond3A_509 = arith.cmpi ne, %convert_element_type3A_507, %cond3A_508 : i32
        scf.if %cond3A_509 {
          %dma_wait3A_565 = arith.constant 0 : i32
          %dma_wait3A_566 = arith.constant 2 : i32
          %dma_wait3A_567 = arith.constant 0 : i32
          %dma_wait3A_568 = arith.constant 0 : i32
          %dma_wait3A_569 = tpu.memref_slice %arg9[%dma_wait3A_566, %dma_wait3A_567, %dma_wait3A_568] : memref<6x2x56xi32, #tpu.memory_space<vmem>> -> memref<1x2x56xi32, #tpu.memory_space<vmem>>
          %dma_wait3A_570 = tpu.memref_squeeze %dma_wait3A_569 : memref<1x2x56xi32, #tpu.memory_space<vmem>> -> memref<2x56xi32, #tpu.memory_space<vmem>>
          %dma_wait3A_571 = arith.constant 0 : i32
          %dma_wait3A_572 = arith.constant 0 : i32
          %dma_wait3A_573 = tpu.memref_slice %arg5[%arg1, %dma_wait3A_565, %dma_wait3A_571, %dma_wait3A_572] : memref<16x360x2x56xi32, #tpu.memory_space<hbm>> -> memref<1x1x2x56xi32, #tpu.memory_space<hbm>>
          %dma_wait3A_574 = tpu.memref_squeeze %dma_wait3A_573 : memref<1x1x2x56xi32, #tpu.memory_space<hbm>> -> memref<2x56xi32, #tpu.memory_space<hbm>>
          %dma_wait3A_575 = arith.constant 0 : i32
          %dma_wait3A_576 = arith.constant 0 : i32
          %dma_wait3A_577 = tpu.memref_slice %arg9[%dma_wait3A_566, %dma_wait3A_575, %dma_wait3A_576] : memref<6x2x56xi32, #tpu.memory_space<vmem>> -> memref<1x2x56xi32, #tpu.memory_space<vmem>>
          %dma_wait3A_578 = tpu.memref_squeeze %dma_wait3A_577 : memref<1x2x56xi32, #tpu.memory_space<vmem>> -> memref<2x56xi32, #tpu.memory_space<vmem>>
          %dma_wait3A_579 = arith.constant 0 : i32
          %dma_wait3A_580 = arith.constant 0 : i32
          %dma_wait3A_581 = tpu.memref_slice %arg5[%arg1, %dma_wait3A_565, %dma_wait3A_579, %dma_wait3A_580] : memref<16x360x2x56xi32, #tpu.memory_space<hbm>> -> memref<1x1x2x56xi32, #tpu.memory_space<hbm>>
          %dma_wait3A_582 = tpu.memref_squeeze %dma_wait3A_581 : memref<1x1x2x56xi32, #tpu.memory_space<hbm>> -> memref<2x56xi32, #tpu.memory_space<hbm>>
          tpu.wait_dma2 semaphore(%arg19 : memref<!tpu.dma_semaphore, #tpu.memory_space<semaphore_mem>>) src(%dma_wait3A_582 : memref<2x56xi32, #tpu.memory_space<hbm>>) dst(%dma_wait3A_578 : memref<2x56xi32, #tpu.memory_space<vmem>>)
          %dma_start3A_583 = arith.constant 2 : i32
          %dma_start3A_584 = arith.constant 0 : i32
          %dma_start3A_585 = arith.constant 112 : i32
          %dma_start3A_586 = arith.constant 0 : i32
          %dma_start3A_587 = tpu.memref_slice %arg10[%dma_start3A_585, %dma_start3A_586] : memref<336x128xf32, #tpu.memory_space<vmem>> -> memref<56x128xf32, #tpu.memory_space<vmem>>
          %dma_start3A_588 = arith.constant 0 : i32
          %dma_start3A_589 = tpu.memref_slice %arg9[%dma_start3A_583, %dma_start3A_584, %dma_start3A_588] : memref<6x2x56xi32, #tpu.memory_space<vmem>> -> memref<1x1x56xi32, #tpu.memory_space<vmem>>
          %dma_start3A_590 = tpu.memref_squeeze %dma_start3A_589 : memref<1x1x56xi32, #tpu.memory_space<vmem>> -> memref<56xi32, #tpu.memory_space<vmem>>
          %dma_start3A_591 = arith.constant 0 : i32
          %dma_start3A_592 = arith.constant 0 : i32
          %dma_start3A_593 = tpu.memref_slice %arg4[%dma_start3A_591, %dma_start3A_592] : memref<10000x128xf32, #tpu.memory_space<hbm>> -> memref<10000x128xf32, #tpu.memory_space<hbm>>
          tpu.enqueue_indirect_dma source(%dma_start3A_593 : memref<10000x128xf32, #tpu.memory_space<hbm>>) target(%dma_start3A_587 : memref<56x128xf32, #tpu.memory_space<vmem>>) offsets(%dma_start3A_590 : memref<56xi32, #tpu.memory_space<vmem>>) semaphore(%arg13 : memref<!tpu.dma_semaphore, #tpu.memory_space<semaphore_mem>>)
        } else {
        }
        %mul3A_510 = arith.constant 6 : i32
        %mul3A_511 = arith.muli %scan3A_254, %mul3A_510 : i32
        %add3A_512 = arith.constant 5 : i32
        %add3A_513 = arith.addi %mul3A_511, %add3A_512 : i32
        %dma_wait3A_514 = arith.constant 280 : i32
        %dma_wait3A_515 = arith.constant 0 : i32
        %dma_wait3A_516 = tpu.memref_slice %arg10[%dma_wait3A_514, %dma_wait3A_515] : memref<336x128xf32, #tpu.memory_space<vmem>> -> memref<56x128xf32, #tpu.memory_space<vmem>>
        %dma_wait3A_517 = arith.constant 0 : i32
        %dma_wait3A_518 = arith.constant 0 : i32
        %dma_wait3A_519 = tpu.memref_slice %arg4[%dma_wait3A_517, %dma_wait3A_518] : memref<10000x128xf32, #tpu.memory_space<hbm>> -> memref<56x128xf32, #tpu.memory_space<hbm>>
        %dma_wait3A_520 = arith.constant 280 : i32
        %dma_wait3A_521 = arith.constant 0 : i32
        %dma_wait3A_522 = tpu.memref_slice %arg10[%dma_wait3A_520, %dma_wait3A_521] : memref<336x128xf32, #tpu.memory_space<vmem>> -> memref<56x128xf32, #tpu.memory_space<vmem>>
        %dma_wait3A_523 = arith.constant 0 : i32
        %dma_wait3A_524 = arith.constant 0 : i32
        %dma_wait3A_525 = tpu.memref_slice %arg4[%dma_wait3A_523, %dma_wait3A_524] : memref<10000x128xf32, #tpu.memory_space<hbm>> -> memref<56x128xf32, #tpu.memory_space<hbm>>
        tpu.wait_dma2 semaphore(%arg16 : memref<!tpu.dma_semaphore, #tpu.memory_space<semaphore_mem>>) src(%dma_wait3A_525 : memref<56x128xf32, #tpu.memory_space<hbm>>) dst(%dma_wait3A_522 : memref<56x128xf32, #tpu.memory_space<vmem>>)
        %dma_start3A_526 = arith.constant 5 : i32
        %dma_start3A_527 = arith.constant 1 : i32
        %dma_start3A_528 = arith.constant 280 : i32
        %dma_start3A_529 = arith.constant 0 : i32
        %dma_start3A_530 = tpu.memref_slice %arg10[%dma_start3A_528, %dma_start3A_529] : memref<336x128xf32, #tpu.memory_space<vmem>> -> memref<56x128xf32, #tpu.memory_space<vmem>>
        %dma_start3A_531 = arith.constant 0 : i32
        %dma_start3A_532 = tpu.memref_slice %arg9[%dma_start3A_526, %dma_start3A_527, %dma_start3A_531] : memref<6x2x56xi32, #tpu.memory_space<vmem>> -> memref<1x1x56xi32, #tpu.memory_space<vmem>>
        %dma_start3A_533 = tpu.memref_squeeze %dma_start3A_532 : memref<1x1x56xi32, #tpu.memory_space<vmem>> -> memref<56xi32, #tpu.memory_space<vmem>>
        %dma_start3A_534 = arith.constant 0 : i32
        %dma_start3A_535 = arith.constant 0 : i32
        %dma_start3A_536 = tpu.memref_slice %arg8[%dma_start3A_534, %dma_start3A_535] : memref<10112x128xf32, #tpu.memory_space<vmem_shared>> -> memref<10112x128xf32, #tpu.memory_space<vmem_shared>>
        tpu.enqueue_indirect_dma source(%dma_start3A_530 : memref<56x128xf32, #tpu.memory_space<vmem>>) target(%dma_start3A_536 : memref<10112x128xf32, #tpu.memory_space<vmem_shared>>) offsets(%dma_start3A_533 : memref<56xi32, #tpu.memory_space<vmem>>) semaphore(%arg23 : memref<!tpu.dma_semaphore, #tpu.memory_space<semaphore_mem>>) {add = true}
        %dma_wait3A_537 = arith.constant 224 : i32
        %dma_wait3A_538 = arith.constant 0 : i32
        %dma_wait3A_539 = tpu.memref_slice %arg10[%dma_wait3A_537, %dma_wait3A_538] : memref<336x128xf32, #tpu.memory_space<vmem>> -> memref<56x128xf32, #tpu.memory_space<vmem>>
        %dma_wait3A_540 = arith.constant 0 : i32
        %dma_wait3A_541 = arith.constant 0 : i32
        %dma_wait3A_542 = tpu.memref_slice %arg4[%dma_wait3A_540, %dma_wait3A_541] : memref<10000x128xf32, #tpu.memory_space<hbm>> -> memref<56x128xf32, #tpu.memory_space<hbm>>
        %dma_wait3A_543 = arith.constant 224 : i32
        %dma_wait3A_544 = arith.constant 0 : i32
        %dma_wait3A_545 = tpu.memref_slice %arg10[%dma_wait3A_543, %dma_wait3A_544] : memref<336x128xf32, #tpu.memory_space<vmem>> -> memref<56x128xf32, #tpu.memory_space<vmem>>
        %dma_wait3A_546 = arith.constant 0 : i32
        %dma_wait3A_547 = arith.constant 0 : i32
        %dma_wait3A_548 = tpu.memref_slice %arg4[%dma_wait3A_546, %dma_wait3A_547] : memref<10000x128xf32, #tpu.memory_space<hbm>> -> memref<56x128xf32, #tpu.memory_space<hbm>>
        tpu.wait_dma2 semaphore(%arg23 : memref<!tpu.dma_semaphore, #tpu.memory_space<semaphore_mem>>) src(%dma_wait3A_548 : memref<56x128xf32, #tpu.memory_space<hbm>>) dst(%dma_wait3A_545 : memref<56x128xf32, #tpu.memory_space<vmem>>)
        %sub3A_549 = arith.constant 1 : i32
        %sub3A_550 = arith.subi %add3A_513, %sub3A_549 : i32
        %add3A_551 = arith.constant 6 : i32
        %add3A_552 = arith.addi %sub3A_550, %add3A_551 : i32
        %lt3A_553 = arith.constant 360 : i32
        %lt3A_554 = arith.cmpi slt, %add3A_552, %lt3A_553 : i32
        %convert_element_type3A_555 = arith.extui %lt3A_554 : i1 to i32
        %cond3A_556 = arith.constant 0 : i32
        %cond3A_557 = arith.cmpi ne, %convert_element_type3A_555, %cond3A_556 : i32
        scf.if %cond3A_557 {
          %sub3A_565 = arith.constant 1 : i32
          %sub3A_566 = arith.subi %add3A_513, %sub3A_565 : i32
          %add3A_567 = arith.constant 6 : i32
          %add3A_568 = arith.addi %sub3A_566, %add3A_567 : i32
          %dma_start3A_569 = arith.constant 4 : i32
          %dma_start3A_570 = arith.constant 0 : i32
          %dma_start3A_571 = arith.constant 0 : i32
          %dma_start3A_572 = tpu.memref_slice %arg9[%dma_start3A_569, %dma_start3A_570, %dma_start3A_571] : memref<6x2x56xi32, #tpu.memory_space<vmem>> -> memref<1x2x56xi32, #tpu.memory_space<vmem>>
          %dma_start3A_573 = tpu.memref_squeeze %dma_start3A_572 : memref<1x2x56xi32, #tpu.memory_space<vmem>> -> memref<2x56xi32, #tpu.memory_space<vmem>>
          %dma_start3A_574 = arith.constant 0 : i32
          %dma_start3A_575 = arith.constant 0 : i32
          %dma_start3A_576 = tpu.memref_slice %arg5[%arg1, %add3A_568, %dma_start3A_574, %dma_start3A_575] : memref<16x360x2x56xi32, #tpu.memory_space<hbm>> -> memref<1x1x2x56xi32, #tpu.memory_space<hbm>>
          %dma_start3A_577 = tpu.memref_squeeze %dma_start3A_576 : memref<1x1x2x56xi32, #tpu.memory_space<hbm>> -> memref<2x56xi32, #tpu.memory_space<hbm>>
          %dma_start3A_578 = arith.constant 0 : i32
          %dma_start3A_579 = arith.constant 0 : i32
          %dma_start3A_580 = tpu.memref_slice %arg9[%dma_start3A_569, %dma_start3A_578, %dma_start3A_579] : memref<6x2x56xi32, #tpu.memory_space<vmem>> -> memref<1x2x56xi32, #tpu.memory_space<vmem>>
          %dma_start3A_581 = tpu.memref_squeeze %dma_start3A_580 : memref<1x2x56xi32, #tpu.memory_space<vmem>> -> memref<2x56xi32, #tpu.memory_space<vmem>>
          %dma_start3A_582 = arith.constant 0 : i32
          %dma_start3A_583 = arith.constant 0 : i32
          %dma_start3A_584 = tpu.memref_slice %arg5[%arg1, %add3A_568, %dma_start3A_582, %dma_start3A_583] : memref<16x360x2x56xi32, #tpu.memory_space<hbm>> -> memref<1x1x2x56xi32, #tpu.memory_space<hbm>>
          %dma_start3A_585 = tpu.memref_squeeze %dma_start3A_584 : memref<1x1x2x56xi32, #tpu.memory_space<hbm>> -> memref<2x56xi32, #tpu.memory_space<hbm>>
          tpu.enqueue_dma source(%dma_start3A_585 : memref<2x56xi32, #tpu.memory_space<hbm>>) target(%dma_start3A_581 : memref<2x56xi32, #tpu.memory_space<vmem>>) target_semaphore(%arg21 : memref<!tpu.dma_semaphore, #tpu.memory_space<semaphore_mem>>)
        } else {
        }
        %add3A_558 = arith.constant 4 : i32
        %add3A_559 = arith.addi %add3A_513, %add3A_558 : i32
        %lt3A_560 = arith.constant 360 : i32
        %lt3A_561 = arith.cmpi slt, %add3A_559, %lt3A_560 : i32
        %convert_element_type3A_562 = arith.extui %lt3A_561 : i1 to i32
        %cond3A_563 = arith.constant 0 : i32
        %cond3A_564 = arith.cmpi ne, %convert_element_type3A_562, %cond3A_563 : i32
        scf.if %cond3A_564 {
          %dma_wait3A_565 = arith.constant 0 : i32
          %dma_wait3A_566 = arith.constant 3 : i32
          %dma_wait3A_567 = arith.constant 0 : i32
          %dma_wait3A_568 = arith.constant 0 : i32
          %dma_wait3A_569 = tpu.memref_slice %arg9[%dma_wait3A_566, %dma_wait3A_567, %dma_wait3A_568] : memref<6x2x56xi32, #tpu.memory_space<vmem>> -> memref<1x2x56xi32, #tpu.memory_space<vmem>>
          %dma_wait3A_570 = tpu.memref_squeeze %dma_wait3A_569 : memref<1x2x56xi32, #tpu.memory_space<vmem>> -> memref<2x56xi32, #tpu.memory_space<vmem>>
          %dma_wait3A_571 = arith.constant 0 : i32
          %dma_wait3A_572 = arith.constant 0 : i32
          %dma_wait3A_573 = tpu.memref_slice %arg5[%arg1, %dma_wait3A_565, %dma_wait3A_571, %dma_wait3A_572] : memref<16x360x2x56xi32, #tpu.memory_space<hbm>> -> memref<1x1x2x56xi32, #tpu.memory_space<hbm>>
          %dma_wait3A_574 = tpu.memref_squeeze %dma_wait3A_573 : memref<1x1x2x56xi32, #tpu.memory_space<hbm>> -> memref<2x56xi32, #tpu.memory_space<hbm>>
          %dma_wait3A_575 = arith.constant 0 : i32
          %dma_wait3A_576 = arith.constant 0 : i32
          %dma_wait3A_577 = tpu.memref_slice %arg9[%dma_wait3A_566, %dma_wait3A_575, %dma_wait3A_576] : memref<6x2x56xi32, #tpu.memory_space<vmem>> -> memref<1x2x56xi32, #tpu.memory_space<vmem>>
          %dma_wait3A_578 = tpu.memref_squeeze %dma_wait3A_577 : memref<1x2x56xi32, #tpu.memory_space<vmem>> -> memref<2x56xi32, #tpu.memory_space<vmem>>
          %dma_wait3A_579 = arith.constant 0 : i32
          %dma_wait3A_580 = arith.constant 0 : i32
          %dma_wait3A_581 = tpu.memref_slice %arg5[%arg1, %dma_wait3A_565, %dma_wait3A_579, %dma_wait3A_580] : memref<16x360x2x56xi32, #tpu.memory_space<hbm>> -> memref<1x1x2x56xi32, #tpu.memory_space<hbm>>
          %dma_wait3A_582 = tpu.memref_squeeze %dma_wait3A_581 : memref<1x1x2x56xi32, #tpu.memory_space<hbm>> -> memref<2x56xi32, #tpu.memory_space<hbm>>
          tpu.wait_dma2 semaphore(%arg20 : memref<!tpu.dma_semaphore, #tpu.memory_space<semaphore_mem>>) src(%dma_wait3A_582 : memref<2x56xi32, #tpu.memory_space<hbm>>) dst(%dma_wait3A_578 : memref<2x56xi32, #tpu.memory_space<vmem>>)
          %dma_start3A_583 = arith.constant 3 : i32
          %dma_start3A_584 = arith.constant 0 : i32
          %dma_start3A_585 = arith.constant 168 : i32
          %dma_start3A_586 = arith.constant 0 : i32
          %dma_start3A_587 = tpu.memref_slice %arg10[%dma_start3A_585, %dma_start3A_586] : memref<336x128xf32, #tpu.memory_space<vmem>> -> memref<56x128xf32, #tpu.memory_space<vmem>>
          %dma_start3A_588 = arith.constant 0 : i32
          %dma_start3A_589 = tpu.memref_slice %arg9[%dma_start3A_583, %dma_start3A_584, %dma_start3A_588] : memref<6x2x56xi32, #tpu.memory_space<vmem>> -> memref<1x1x56xi32, #tpu.memory_space<vmem>>
          %dma_start3A_590 = tpu.memref_squeeze %dma_start3A_589 : memref<1x1x56xi32, #tpu.memory_space<vmem>> -> memref<56xi32, #tpu.memory_space<vmem>>
          %dma_start3A_591 = arith.constant 0 : i32
          %dma_start3A_592 = arith.constant 0 : i32
          %dma_start3A_593 = tpu.memref_slice %arg4[%dma_start3A_591, %dma_start3A_592] : memref<10000x128xf32, #tpu.memory_space<hbm>> -> memref<10000x128xf32, #tpu.memory_space<hbm>>
          tpu.enqueue_indirect_dma source(%dma_start3A_593 : memref<10000x128xf32, #tpu.memory_space<hbm>>) target(%dma_start3A_587 : memref<56x128xf32, #tpu.memory_space<vmem>>) offsets(%dma_start3A_590 : memref<56xi32, #tpu.memory_space<vmem>>) semaphore(%arg14 : memref<!tpu.dma_semaphore, #tpu.memory_space<semaphore_mem>>)
        } else {
        }
      }
      %scan3A_241 = arith.constant 60 : i32
      %dma_wait3A_242 = arith.constant 0 : i32
      %dma_wait3A_243 = arith.constant 0 : i32
      %dma_wait3A_244 = tpu.memref_slice %arg10[%dma_wait3A_242, %dma_wait3A_243] : memref<336x128xf32, #tpu.memory_space<vmem>> -> memref<56x128xf32, #tpu.memory_space<vmem>>
      %dma_wait3A_245 = arith.constant 0 : i32
      %dma_wait3A_246 = arith.constant 0 : i32
      %dma_wait3A_247 = tpu.memref_slice %arg4[%dma_wait3A_245, %dma_wait3A_246] : memref<10000x128xf32, #tpu.memory_space<hbm>> -> memref<56x128xf32, #tpu.memory_space<hbm>>
      %dma_wait3A_248 = arith.constant 0 : i32
      %dma_wait3A_249 = arith.constant 0 : i32
      %dma_wait3A_250 = tpu.memref_slice %arg10[%dma_wait3A_248, %dma_wait3A_249] : memref<336x128xf32, #tpu.memory_space<vmem>> -> memref<56x128xf32, #tpu.memory_space<vmem>>
      %dma_wait3A_251 = arith.constant 0 : i32
      %dma_wait3A_252 = arith.constant 0 : i32
      %dma_wait3A_253 = tpu.memref_slice %arg4[%dma_wait3A_251, %dma_wait3A_252] : memref<10000x128xf32, #tpu.memory_space<hbm>> -> memref<56x128xf32, #tpu.memory_space<hbm>>
      tpu.wait_dma2 semaphore(%arg23 : memref<!tpu.dma_semaphore, #tpu.memory_space<semaphore_mem>>) src(%dma_wait3A_253 : memref<56x128xf32, #tpu.memory_space<hbm>>) dst(%dma_wait3A_250 : memref<56x128xf32, #tpu.memory_space<vmem>>)
    } else {
    }
    %barrier3A_10 = arith.constant 0 : index
    tpu.barrier barrier_id(%barrier3A_10)
    %mul3A_11 = arith.constant 632 : i32
    %mul3A_12 = arith.muli %arg1, %mul3A_11 : i32
    %mul3A_13 = arith.constant 632 : i32
    %mul3A_14 = arith.muli %arg1, %mul3A_13 : i32
    "tpu.region"() ({
      %run_scoped3A = tpu.sem_alloc : memref<!tpu.dma_semaphore, #tpu.memory_space<semaphore_mem>>
      %dma_start3A = arith.constant 0 : i32
      %dma_start3A_15 = tpu.memref_slice %arg7[%arg0, %mul3A_14, %dma_start3A] : memref<2x10112x128xf32, #tpu.memory_space<hbm>> -> memref<1x632x128xf32, #tpu.memory_space<hbm>>
      %dma_start3A_16 = tpu.memref_squeeze %dma_start3A_15 : memref<1x632x128xf32, #tpu.memory_space<hbm>> -> memref<632x128xf32, #tpu.memory_space<hbm>>
      %dma_start3A_17 = arith.constant 0 : i32
      %dma_start3A_18 = tpu.memref_slice %arg8[%mul3A_12, %dma_start3A_17] : memref<10112x128xf32, #tpu.memory_space<vmem_shared>> -> memref<632x128xf32, #tpu.memory_space<vmem_shared>>
      tpu.enqueue_dma source(%dma_start3A_18 : memref<632x128xf32, #tpu.memory_space<vmem_shared>>) target(%dma_start3A_16 : memref<632x128xf32, #tpu.memory_space<hbm>>) target_semaphore(%run_scoped3A : memref<!tpu.dma_semaphore, #tpu.memory_space<semaphore_mem>>)
      %dma_wait3A = arith.constant 0 : i32
      %dma_wait3A_19 = tpu.memref_slice %arg7[%arg0, %mul3A_14, %dma_wait3A] : memref<2x10112x128xf32, #tpu.memory_space<hbm>> -> memref<1x632x128xf32, #tpu.memory_space<hbm>>
      %dma_wait3A_20 = tpu.memref_squeeze %dma_wait3A_19 : memref<1x632x128xf32, #tpu.memory_space<hbm>> -> memref<632x128xf32, #tpu.memory_space<hbm>>
      %dma_wait3A_21 = arith.constant 0 : i32
      %dma_wait3A_22 = tpu.memref_slice %arg8[%mul3A_12, %dma_wait3A_21] : memref<10112x128xf32, #tpu.memory_space<vmem_shared>> -> memref<632x128xf32, #tpu.memory_space<vmem_shared>>
      tpu.wait_dma2 semaphore(%run_scoped3A : memref<!tpu.dma_semaphore, #tpu.memory_space<semaphore_mem>>) src(%dma_wait3A_22 : memref<632x128xf32, #tpu.memory_space<vmem_shared>>) dst(%dma_wait3A_20 : memref<632x128xf32, #tpu.memory_space<hbm>>)
      tpu.yield
    }) : () -> ()
    return
  }
}

module attributes {stable_mosaic.version = 14 : i64} {
  func.func @body(%arg0: i32, %arg1: memref<2x2000x128xf32, #tpu.memory_space<vmem>>, %arg2: memref<2000x128xf32, #tpu.memory_space<vmem>>, %arg3: memref<2000x128xf32, #tpu.memory_space<vmem>>, %arg4: memref<128x128xf32, #tpu.memory_space<vmem>>, %arg5: memref<1x128xf32, #tpu.memory_space<vmem>>, %arg6: memref<128x128xf32, #tpu.memory_space<vmem>>, %arg7: memref<1x128xf32, #tpu.memory_space<vmem>>, %arg8: memref<128x128xf32, #tpu.memory_space<vmem>>, %arg9: memref<1x128xf32, #tpu.memory_space<vmem>>, %arg10: memref<128x128xf32, #tpu.memory_space<vmem>>, %arg11: memref<1x128xf32, #tpu.memory_space<vmem>>, %arg12: memref<128x128xf32, #tpu.memory_space<vmem>>, %arg13: memref<1x128xf32, #tpu.memory_space<vmem>>, %arg14: memref<128x128xf32, #tpu.memory_space<vmem>>, %arg15: memref<1x128xf32, #tpu.memory_space<vmem>>, %arg16: memref<128x200xf32, #tpu.memory_space<vmem>>, %arg17: memref<1x200xf32, #tpu.memory_space<vmem>>, %arg18: memref<128x200xf32, #tpu.memory_space<vmem>>, %arg19: memref<1x200xf32, #tpu.memory_space<vmem>>, %arg20: memref<200x1xf32, #tpu.memory_space<vmem>>, %arg21: memref<1x1xf32, #tpu.memory_space<vmem>>, %arg22: memref<1x1xf32, #tpu.memory_space<vmem>>, %arg23: memref<1x128xf32, #tpu.memory_space<vmem>>, %arg24: memref<1x128xf32, #tpu.memory_space<vmem>>) attributes {dimension_semantics = [#tpu.dimension_semantics<arbitrary>], iteration_bounds = array<i64: 5>, scalar_prefetch = 0 : i64, scratch_operands = 2 : i64, tpu.core_type = #tpu.core_type<tc>, window_params = [{transform_indices = @transform_0, window_bounds = array<i64: 2, 2000, 128>}, {transform_indices = @transform_1, window_bounds = array<i64: 2000, 128>}, {transform_indices = @transform_2, window_bounds = array<i64: 2000, 128>}, {pipeline_mode = #tpu.pipeline_mode<synchronous>, transform_indices = @transform_3, window_bounds = array<i64: 128, 128>}, {pipeline_mode = #tpu.pipeline_mode<synchronous>, transform_indices = @transform_4, window_bounds = array<i64: 1, 128>}, {pipeline_mode = #tpu.pipeline_mode<synchronous>, transform_indices = @transform_5, window_bounds = array<i64: 128, 128>}, {pipeline_mode = #tpu.pipeline_mode<synchronous>, transform_indices = @transform_6, window_bounds = array<i64: 1, 128>}, {pipeline_mode = #tpu.pipeline_mode<synchronous>, transform_indices = @transform_7, window_bounds = array<i64: 128, 128>}, {pipeline_mode = #tpu.pipeline_mode<synchronous>, transform_indices = @transform_8, window_bounds = array<i64: 1, 128>}, {pipeline_mode = #tpu.pipeline_mode<synchronous>, transform_indices = @transform_9, window_bounds = array<i64: 128, 128>}, {pipeline_mode = #tpu.pipeline_mode<synchronous>, transform_indices = @transform_10, window_bounds = array<i64: 1, 128>}, {pipeline_mode = #tpu.pipeline_mode<synchronous>, transform_indices = @transform_11, window_bounds = array<i64: 128, 128>}, {pipeline_mode = #tpu.pipeline_mode<synchronous>, transform_indices = @transform_12, window_bounds = array<i64: 1, 128>}, {pipeline_mode = #tpu.pipeline_mode<synchronous>, transform_indices = @transform_13, window_bounds = array<i64: 128, 128>}, {pipeline_mode = #tpu.pipeline_mode<synchronous>, transform_indices = @transform_14, window_bounds = array<i64: 1, 128>}, {pipeline_mode = #tpu.pipeline_mode<synchronous>, transform_indices = @transform_15, window_bounds = array<i64: 128, 200>}, {pipeline_mode = #tpu.pipeline_mode<synchronous>, transform_indices = @transform_16, window_bounds = array<i64: 1, 200>}, {pipeline_mode = #tpu.pipeline_mode<synchronous>, transform_indices = @transform_17, window_bounds = array<i64: 128, 200>}, {pipeline_mode = #tpu.pipeline_mode<synchronous>, transform_indices = @transform_18, window_bounds = array<i64: 1, 200>}, {pipeline_mode = #tpu.pipeline_mode<synchronous>, transform_indices = @transform_19, window_bounds = array<i64: 200, 1>}, {pipeline_mode = #tpu.pipeline_mode<synchronous>, transform_indices = @transform_20, window_bounds = array<i64: 1, 1>}, {pipeline_mode = #tpu.pipeline_mode<synchronous>, transform_indices = @transform_21, window_bounds = array<i64: 1, 1>}]} {
    %eq3A = arith.constant 0 : i32
    %eq3A_0 = arith.cmpi eq, %arg0, %eq3A : i32
    %convert_element_type3A = arith.extui %eq3A_0 : i1 to i32
    %cond3A = arith.constant 0 : i32
    %cond3A_1 = arith.cmpi ne, %convert_element_type3A, %cond3A : i32
    scf.if %cond3A_1 {
      %broadcast_in_dim3A_127 = arith.constant 0.000000e+00 : f32
      %broadcast_in_dim3A_128 = vector.broadcast %broadcast_in_dim3A_127 : f32 to vector<1x128xf32>
      %swap3A_129 = arith.constant 0 : index
      %swap3A_130 = arith.constant 0 : index
      %swap3A_131 = vector.load %arg23[%swap3A_129, %swap3A_130] : memref<1x128xf32, #tpu.memory_space<vmem>>, vector<1x128xf32>
      tpu.vector_store %arg23[%swap3A_129, %swap3A_130], %broadcast_in_dim3A_128 {strides = array<i32>} : memref<1x128xf32, #tpu.memory_space<vmem>>, vector<1x128xf32>,
      %broadcast_in_dim3A_132 = arith.constant 0.000000e+00 : f32
      %broadcast_in_dim3A_133 = vector.broadcast %broadcast_in_dim3A_132 : f32 to vector<1x128xf32>
      %swap3A_134 = arith.constant 0 : index
      %swap3A_135 = arith.constant 0 : index
      %swap3A_136 = vector.load %arg24[%swap3A_134, %swap3A_135] : memref<1x128xf32, #tpu.memory_space<vmem>>, vector<1x128xf32>
      tpu.vector_store %arg24[%swap3A_134, %swap3A_135], %broadcast_in_dim3A_133 {strides = array<i32>} : memref<1x128xf32, #tpu.memory_space<vmem>>, vector<1x128xf32>,
    } else {
    }
    %get3A = arith.constant 0 : index
    %get3A_2 = arith.constant 0 : index
    %get3A_3 = vector.load %arg23[%get3A, %get3A_2] : memref<1x128xf32, #tpu.memory_space<vmem>>, vector<1x128xf32>
    %get3A_4 = arith.constant 0 : index
    %get3A_5 = arith.constant 0 : index
    %get3A_6 = arith.constant 0 : index
    %get3A_7 = vector.load %arg1[%get3A_4, %get3A_5, %get3A_6] : memref<2x2000x128xf32, #tpu.memory_space<vmem>>, vector<1x2000x128xf32>
    %get3A_8 = vector.shape_cast %get3A_7 : vector<1x2000x128xf32> to vector<2000x128xf32>
    %get3A_9 = arith.constant 0 : index
    %get3A_10 = arith.constant 0 : index
    %get3A_11 = vector.load %arg2[%get3A_9, %get3A_10] : memref<2000x128xf32, #tpu.memory_space<vmem>>, vector<2000x128xf32>
    %get3A_12 = arith.constant 0 : index
    %get3A_13 = arith.constant 0 : index
    %get3A_14 = vector.load %arg4[%get3A_12, %get3A_13] : memref<128x128xf32, #tpu.memory_space<vmem>>, vector<128x128xf32>
    %get3A_15 = arith.constant 0 : index
    %get3A_16 = arith.constant 0 : index
    %get3A_17 = vector.load %arg5[%get3A_15, %get3A_16] : memref<1x128xf32, #tpu.memory_space<vmem>>, vector<1x128xf32>
    %get3A_18 = arith.constant 0 : index
    %get3A_19 = arith.constant 0 : index
    %get3A_20 = vector.load %arg6[%get3A_18, %get3A_19] : memref<128x128xf32, #tpu.memory_space<vmem>>, vector<128x128xf32>
    %get3A_21 = arith.constant 0 : index
    %get3A_22 = arith.constant 0 : index
    %get3A_23 = vector.load %arg7[%get3A_21, %get3A_22] : memref<1x128xf32, #tpu.memory_space<vmem>>, vector<1x128xf32>
    %get3A_24 = arith.constant 0 : index
    %get3A_25 = arith.constant 0 : index
    %get3A_26 = vector.load %arg8[%get3A_24, %get3A_25] : memref<128x128xf32, #tpu.memory_space<vmem>>, vector<128x128xf32>
    %get3A_27 = arith.constant 0 : index
    %get3A_28 = arith.constant 0 : index
    %get3A_29 = vector.load %arg9[%get3A_27, %get3A_28] : memref<1x128xf32, #tpu.memory_space<vmem>>, vector<1x128xf32>
    %dot_general3A = arith.constant dense<0.000000e+00> : vector<2000x128xf32>
    %dot_general3A_30 = tpu.matmul %get3A_8, %get3A_14, %dot_general3A {dimension_numbers = #tpu.dot_dimension_numbers<[1], [0], [0], [1], [0, 0, 1, 1], [], []>, transpose_lhs_hint = false} : vector<2000x128xf32>, vector<128x128xf32>, vector<2000x128xf32> -> vector<2000x128xf32>
    %add3A = vector.broadcast %get3A_17 : vector<1x128xf32> to vector<2000x128xf32>
    %add3A_31 = arith.addf %dot_general3A_30, %add3A : vector<2000x128xf32>
    %max3A = arith.constant 0.000000e+00 : f32
    %max3A_32 = vector.broadcast %max3A : f32 to vector<2000x128xf32>
    %max3A_33 = arith.maximumf %add3A_31, %max3A_32 : vector<2000x128xf32>
    %dot_general3A_34 = arith.constant dense<0.000000e+00> : vector<2000x128xf32>
    %dot_general3A_35 = tpu.matmul %get3A_11, %get3A_20, %dot_general3A_34 {dimension_numbers = #tpu.dot_dimension_numbers<[1], [0], [0], [1], [0, 0, 1, 1], [], []>, transpose_lhs_hint = false} : vector<2000x128xf32>, vector<128x128xf32>, vector<2000x128xf32> -> vector<2000x128xf32>
    %add3A_36 = vector.broadcast %get3A_23 : vector<1x128xf32> to vector<2000x128xf32>
    %add3A_37 = arith.addf %dot_general3A_35, %add3A_36 : vector<2000x128xf32>
    %max3A_38 = arith.constant 0.000000e+00 : f32
    %max3A_39 = vector.broadcast %max3A_38 : f32 to vector<2000x128xf32>
    %max3A_40 = arith.maximumf %add3A_37, %max3A_39 : vector<2000x128xf32>
    %add3A_41 = arith.addf %max3A_33, %max3A_40 : vector<2000x128xf32>
    %dot_general3A_42 = arith.constant dense<0.000000e+00> : vector<2000x128xf32>
    %dot_general3A_43 = tpu.matmul %add3A_41, %get3A_26, %dot_general3A_42 {dimension_numbers = #tpu.dot_dimension_numbers<[1], [0], [0], [1], [0, 0, 1, 1], [], []>, transpose_lhs_hint = false} : vector<2000x128xf32>, vector<128x128xf32>, vector<2000x128xf32> -> vector<2000x128xf32>
    %add3A_44 = vector.broadcast %get3A_29 : vector<1x128xf32> to vector<2000x128xf32>
    %add3A_45 = arith.addf %dot_general3A_43, %add3A_44 : vector<2000x128xf32>
    %max3A_46 = arith.constant 0.000000e+00 : f32
    %max3A_47 = vector.broadcast %max3A_46 : f32 to vector<2000x128xf32>
    %max3A_48 = arith.maximumf %add3A_45, %max3A_47 : vector<2000x128xf32>
    %reshape3A = vector.shape_cast %max3A_48 : vector<2000x128xf32> to vector<250x8x128xf32>
    %reduce_sum3A = arith.constant dense<0.000000e+00> : vector<250x128xf32>
    %reduce_sum3A_49 = vector.multi_reduction <add>, %reshape3A, %reduce_sum3A [1] : vector<250x8x128xf32> to vector<250x128xf32>
    %reshape3A_50 = vector.shape_cast %reduce_sum3A_49 : vector<250x128xf32> to vector<25x10x128xf32>
    %reduce_sum3A_51 = arith.constant dense<0.000000e+00> : vector<25x128xf32>
    %reduce_sum3A_52 = vector.multi_reduction <add>, %reshape3A_50, %reduce_sum3A_51 [1] : vector<25x10x128xf32> to vector<25x128xf32>
    %reduce_sum3A_53 = arith.constant dense<0.000000e+00> : vector<128xf32>
    %reduce_sum3A_54 = vector.multi_reduction <add>, %reduce_sum3A_52, %reduce_sum3A_53 [0] : vector<25x128xf32> to vector<128xf32>
    %broadcast_in_dim3A = vector.shape_cast %reduce_sum3A_54 : vector<128xf32> to vector<1x128xf32>
    %add3A_55 = arith.addf %get3A_3, %broadcast_in_dim3A : vector<1x128xf32>
    %swap3A = arith.constant 0 : index
    %swap3A_56 = arith.constant 0 : index
    %swap3A_57 = vector.load %arg23[%swap3A, %swap3A_56] : memref<1x128xf32, #tpu.memory_space<vmem>>, vector<1x128xf32>
    tpu.vector_store %arg23[%swap3A, %swap3A_56], %add3A_55 {strides = array<i32>} : memref<1x128xf32, #tpu.memory_space<vmem>>, vector<1x128xf32>,
    %get3A_58 = arith.constant 0 : index
    %get3A_59 = arith.constant 0 : index
    %get3A_60 = vector.load %arg24[%get3A_58, %get3A_59] : memref<1x128xf32, #tpu.memory_space<vmem>>, vector<1x128xf32>
    %get3A_61 = arith.constant 1 : index
    %get3A_62 = arith.constant 0 : index
    %get3A_63 = arith.constant 0 : index
    %get3A_64 = vector.load %arg1[%get3A_61, %get3A_62, %get3A_63] : memref<2x2000x128xf32, #tpu.memory_space<vmem>>, vector<1x2000x128xf32>
    %get3A_65 = vector.shape_cast %get3A_64 : vector<1x2000x128xf32> to vector<2000x128xf32>
    %get3A_66 = arith.constant 0 : index
    %get3A_67 = arith.constant 0 : index
    %get3A_68 = vector.load %arg3[%get3A_66, %get3A_67] : memref<2000x128xf32, #tpu.memory_space<vmem>>, vector<2000x128xf32>
    %get3A_69 = arith.constant 0 : index
    %get3A_70 = arith.constant 0 : index
    %get3A_71 = vector.load %arg10[%get3A_69, %get3A_70] : memref<128x128xf32, #tpu.memory_space<vmem>>, vector<128x128xf32>
    %get3A_72 = arith.constant 0 : index
    %get3A_73 = arith.constant 0 : index
    %get3A_74 = vector.load %arg11[%get3A_72, %get3A_73] : memref<1x128xf32, #tpu.memory_space<vmem>>, vector<1x128xf32>
    %get3A_75 = arith.constant 0 : index
    %get3A_76 = arith.constant 0 : index
    %get3A_77 = vector.load %arg12[%get3A_75, %get3A_76] : memref<128x128xf32, #tpu.memory_space<vmem>>, vector<128x128xf32>
    %get3A_78 = arith.constant 0 : index
    %get3A_79 = arith.constant 0 : index
    %get3A_80 = vector.load %arg13[%get3A_78, %get3A_79] : memref<1x128xf32, #tpu.memory_space<vmem>>, vector<1x128xf32>
    %get3A_81 = arith.constant 0 : index
    %get3A_82 = arith.constant 0 : index
    %get3A_83 = vector.load %arg14[%get3A_81, %get3A_82] : memref<128x128xf32, #tpu.memory_space<vmem>>, vector<128x128xf32>
    %get3A_84 = arith.constant 0 : index
    %get3A_85 = arith.constant 0 : index
    %get3A_86 = vector.load %arg15[%get3A_84, %get3A_85] : memref<1x128xf32, #tpu.memory_space<vmem>>, vector<1x128xf32>
    %dot_general3A_87 = arith.constant dense<0.000000e+00> : vector<2000x128xf32>
    %dot_general3A_88 = tpu.matmul %get3A_65, %get3A_71, %dot_general3A_87 {dimension_numbers = #tpu.dot_dimension_numbers<[1], [0], [0], [1], [0, 0, 1, 1], [], []>, transpose_lhs_hint = false} : vector<2000x128xf32>, vector<128x128xf32>, vector<2000x128xf32> -> vector<2000x128xf32>
    %add3A_89 = vector.broadcast %get3A_74 : vector<1x128xf32> to vector<2000x128xf32>
    %add3A_90 = arith.addf %dot_general3A_88, %add3A_89 : vector<2000x128xf32>
    %max3A_91 = arith.constant 0.000000e+00 : f32
    %max3A_92 = vector.broadcast %max3A_91 : f32 to vector<2000x128xf32>
    %max3A_93 = arith.maximumf %add3A_90, %max3A_92 : vector<2000x128xf32>
    %dot_general3A_94 = arith.constant dense<0.000000e+00> : vector<2000x128xf32>
    %dot_general3A_95 = tpu.matmul %get3A_68, %get3A_77, %dot_general3A_94 {dimension_numbers = #tpu.dot_dimension_numbers<[1], [0], [0], [1], [0, 0, 1, 1], [], []>, transpose_lhs_hint = false} : vector<2000x128xf32>, vector<128x128xf32>, vector<2000x128xf32> -> vector<2000x128xf32>
    %add3A_96 = vector.broadcast %get3A_80 : vector<1x128xf32> to vector<2000x128xf32>
    %add3A_97 = arith.addf %dot_general3A_95, %add3A_96 : vector<2000x128xf32>
    %max3A_98 = arith.constant 0.000000e+00 : f32
    %max3A_99 = vector.broadcast %max3A_98 : f32 to vector<2000x128xf32>
    %max3A_100 = arith.maximumf %add3A_97, %max3A_99 : vector<2000x128xf32>
    %add3A_101 = arith.addf %max3A_93, %max3A_100 : vector<2000x128xf32>
    %dot_general3A_102 = arith.constant dense<0.000000e+00> : vector<2000x128xf32>
    %dot_general3A_103 = tpu.matmul %add3A_101, %get3A_83, %dot_general3A_102 {dimension_numbers = #tpu.dot_dimension_numbers<[1], [0], [0], [1], [0, 0, 1, 1], [], []>, transpose_lhs_hint = false} : vector<2000x128xf32>, vector<128x128xf32>, vector<2000x128xf32> -> vector<2000x128xf32>
    %add3A_104 = vector.broadcast %get3A_86 : vector<1x128xf32> to vector<2000x128xf32>
    %add3A_105 = arith.addf %dot_general3A_103, %add3A_104 : vector<2000x128xf32>
    %max3A_106 = arith.constant 0.000000e+00 : f32
    %max3A_107 = vector.broadcast %max3A_106 : f32 to vector<2000x128xf32>
    %max3A_108 = arith.maximumf %add3A_105, %max3A_107 : vector<2000x128xf32>
    %reshape3A_109 = vector.shape_cast %max3A_108 : vector<2000x128xf32> to vector<250x8x128xf32>
    %reduce_sum3A_110 = arith.constant dense<0.000000e+00> : vector<250x128xf32>
    %reduce_sum3A_111 = vector.multi_reduction <add>, %reshape3A_109, %reduce_sum3A_110 [1] : vector<250x8x128xf32> to vector<250x128xf32>
    %reshape3A_112 = vector.shape_cast %reduce_sum3A_111 : vector<250x128xf32> to vector<25x10x128xf32>
    %reduce_sum3A_113 = arith.constant dense<0.000000e+00> : vector<25x128xf32>
    %reduce_sum3A_114 = vector.multi_reduction <add>, %reshape3A_112, %reduce_sum3A_113 [1] : vector<25x10x128xf32> to vector<25x128xf32>
    %reduce_sum3A_115 = arith.constant dense<0.000000e+00> : vector<128xf32>
    %reduce_sum3A_116 = vector.multi_reduction <add>, %reduce_sum3A_114, %reduce_sum3A_115 [0] : vector<25x128xf32> to vector<128xf32>
    %broadcast_in_dim3A_117 = vector.shape_cast %reduce_sum3A_116 : vector<128xf32> to vector<1x128xf32>
    %add3A_118 = arith.addf %get3A_60, %broadcast_in_dim3A_117 : vector<1x128xf32>
    %swap3A_119 = arith.constant 0 : index
    %swap3A_120 = arith.constant 0 : index
    %swap3A_121 = vector.load %arg24[%swap3A_119, %swap3A_120] : memref<1x128xf32, #tpu.memory_space<vmem>>, vector<1x128xf32>
    tpu.vector_store %arg24[%swap3A_119, %swap3A_120], %add3A_118 {strides = array<i32>} : memref<1x128xf32, #tpu.memory_space<vmem>>, vector<1x128xf32>,
    %eq3A_122 = arith.constant 4 : i32
    %eq3A_123 = arith.cmpi eq, %arg0, %eq3A_122 : i32
    %convert_element_type3A_124 = arith.extui %eq3A_123 : i1 to i32
    %cond3A_125 = arith.constant 0 : i32
    %cond3A_126 = arith.cmpi ne, %convert_element_type3A_124, %cond3A_125 : i32
    scf.if %cond3A_126 {
      %get3A_127 = arith.constant 0 : index
      %get3A_128 = arith.constant 0 : index
      %get3A_129 = vector.load %arg23[%get3A_127, %get3A_128] : memref<1x128xf32, #tpu.memory_space<vmem>>, vector<1x128xf32>
      %get3A_130 = arith.constant 0 : index
      %get3A_131 = arith.constant 0 : index
      %get3A_132 = vector.load %arg16[%get3A_130, %get3A_131] : memref<128x200xf32, #tpu.memory_space<vmem>>, vector<128x200xf32>
      %dot_general3A_133 = arith.constant dense<0.000000e+00> : vector<1x200xf32>
      %dot_general3A_134 = tpu.matmul %get3A_129, %get3A_132, %dot_general3A_133 {dimension_numbers = #tpu.dot_dimension_numbers<[1], [0], [0], [1], [0, 0, 1, 1], [], []>, transpose_lhs_hint = false} : vector<1x128xf32>, vector<128x200xf32>, vector<1x200xf32> -> vector<1x200xf32>
      %get3A_135 = arith.constant 0 : index
      %get3A_136 = arith.constant 0 : index
      %get3A_137 = vector.load %arg24[%get3A_135, %get3A_136] : memref<1x128xf32, #tpu.memory_space<vmem>>, vector<1x128xf32>
      %get3A_138 = arith.constant 0 : index
      %get3A_139 = arith.constant 0 : index
      %get3A_140 = vector.load %arg18[%get3A_138, %get3A_139] : memref<128x200xf32, #tpu.memory_space<vmem>>, vector<128x200xf32>
      %dot_general3A_141 = arith.constant dense<0.000000e+00> : vector<1x200xf32>
      %dot_general3A_142 = tpu.matmul %get3A_137, %get3A_140, %dot_general3A_141 {dimension_numbers = #tpu.dot_dimension_numbers<[1], [0], [0], [1], [0, 0, 1, 1], [], []>, transpose_lhs_hint = false} : vector<1x128xf32>, vector<128x200xf32>, vector<1x200xf32> -> vector<1x200xf32>
      %add3A_143 = arith.addf %dot_general3A_134, %dot_general3A_142 : vector<1x200xf32>
      %get3A_144 = arith.constant 0 : index
      %get3A_145 = arith.constant 0 : index
      %get3A_146 = vector.load %arg17[%get3A_144, %get3A_145] : memref<1x200xf32, #tpu.memory_space<vmem>>, vector<1x200xf32>
      %get3A_147 = arith.constant 0 : index
      %get3A_148 = arith.constant 0 : index
      %get3A_149 = vector.load %arg19[%get3A_147, %get3A_148] : memref<1x200xf32, #tpu.memory_space<vmem>>, vector<1x200xf32>
      %add3A_150 = arith.addf %get3A_146, %get3A_149 : vector<1x200xf32>
      %mul3A = arith.constant 1.000000e+04 : f32
      %mul3A_151 = vector.broadcast %mul3A : f32 to vector<1x200xf32>
      %mul3A_152 = arith.mulf %mul3A_151, %add3A_150 : vector<1x200xf32>
      %add3A_153 = arith.addf %add3A_143, %mul3A_152 : vector<1x200xf32>
      %get3A_154 = arith.constant 0 : index
      %get3A_155 = arith.constant 0 : index
      %get3A_156 = vector.load %arg20[%get3A_154, %get3A_155] : memref<200x1xf32, #tpu.memory_space<vmem>>, vector<200x1xf32>
      %dot_general3A_157 = arith.constant dense<0.000000e+00> : vector<1x1xf32>
      %dot_general3A_158 = tpu.matmul %add3A_153, %get3A_156, %dot_general3A_157 {dimension_numbers = #tpu.dot_dimension_numbers<[1], [0], [0], [1], [0, 0, 1, 1], [], []>, transpose_lhs_hint = false} : vector<1x200xf32>, vector<200x1xf32>, vector<1x1xf32> -> vector<1x1xf32>
      %get3A_159 = arith.constant 0 : index
      %get3A_160 = arith.constant 0 : index
      %get3A_161 = vector.load %arg21[%get3A_159, %get3A_160] : memref<1x1xf32, #tpu.memory_space<vmem>>, vector<1x1xf32>
      %add3A_162 = arith.addf %dot_general3A_158, %get3A_161 : vector<1x1xf32>
      %swap3A_163 = arith.constant 0 : index
      %swap3A_164 = arith.constant 0 : index
      %swap3A_165 = vector.load %arg22[%swap3A_163, %swap3A_164] : memref<1x1xf32, #tpu.memory_space<vmem>>, vector<1x1xf32>
      tpu.vector_store %arg22[%swap3A_163, %swap3A_164], %add3A_162 {strides = array<i32>} : memref<1x1xf32, #tpu.memory_space<vmem>>, vector<1x1xf32>,
    } else {
    }
    return
  }
  func.func @transform_0(%arg0: i32) -> (i32, i32, i32) {
    %c0_i32 = arith.constant 0 : i32
    %c0_i32_0 = arith.constant 0 : i32
    %c0_i32_1 = arith.constant 0 : i32
    return %c0_i32, %arg0, %c0_i32_0 : i32, i32, i32
  }
  func.func @transform_1(%arg0: i32) -> (i32, i32) {
    %c0_i32 = arith.constant 0 : i32
    %c0_i32_0 = arith.constant 0 : i32
    return %arg0, %c0_i32 : i32, i32
  }
  func.func @transform_2(%arg0: i32) -> (i32, i32) {
    %c0_i32 = arith.constant 0 : i32
    %c0_i32_0 = arith.constant 0 : i32
    return %arg0, %c0_i32 : i32, i32
  }
  func.func @transform_3(%arg0: i32) -> (i32, i32) {
    %c0_i32 = arith.constant 0 : i32
    %c0_i32_0 = arith.constant 0 : i32
    %c0_i32_1 = arith.constant 0 : i32
    return %c0_i32, %c0_i32_0 : i32, i32
  }
  func.func @transform_4(%arg0: i32) -> (i32, i32) {
    %c0_i32 = arith.constant 0 : i32
    %c0_i32_0 = arith.constant 0 : i32
    %c0_i32_1 = arith.constant 0 : i32
    return %c0_i32, %c0_i32_0 : i32, i32
  }
  func.func @transform_5(%arg0: i32) -> (i32, i32) {
    %c0_i32 = arith.constant 0 : i32
    %c0_i32_0 = arith.constant 0 : i32
    %c0_i32_1 = arith.constant 0 : i32
    return %c0_i32, %c0_i32_0 : i32, i32
  }
  func.func @transform_6(%arg0: i32) -> (i32, i32) {
    %c0_i32 = arith.constant 0 : i32
    %c0_i32_0 = arith.constant 0 : i32
    %c0_i32_1 = arith.constant 0 : i32
    return %c0_i32, %c0_i32_0 : i32, i32
  }
  func.func @transform_7(%arg0: i32) -> (i32, i32) {
    %c0_i32 = arith.constant 0 : i32
    %c0_i32_0 = arith.constant 0 : i32
    %c0_i32_1 = arith.constant 0 : i32
    return %c0_i32, %c0_i32_0 : i32, i32
  }
  func.func @transform_8(%arg0: i32) -> (i32, i32) {
    %c0_i32 = arith.constant 0 : i32
    %c0_i32_0 = arith.constant 0 : i32
    %c0_i32_1 = arith.constant 0 : i32
    return %c0_i32, %c0_i32_0 : i32, i32
  }
  func.func @transform_9(%arg0: i32) -> (i32, i32) {
    %c0_i32 = arith.constant 0 : i32
    %c0_i32_0 = arith.constant 0 : i32
    %c0_i32_1 = arith.constant 0 : i32
    return %c0_i32, %c0_i32_0 : i32, i32
  }
  func.func @transform_10(%arg0: i32) -> (i32, i32) {
    %c0_i32 = arith.constant 0 : i32
    %c0_i32_0 = arith.constant 0 : i32
    %c0_i32_1 = arith.constant 0 : i32
    return %c0_i32, %c0_i32_0 : i32, i32
  }
  func.func @transform_11(%arg0: i32) -> (i32, i32) {
    %c0_i32 = arith.constant 0 : i32
    %c0_i32_0 = arith.constant 0 : i32
    %c0_i32_1 = arith.constant 0 : i32
    return %c0_i32, %c0_i32_0 : i32, i32
  }
  func.func @transform_12(%arg0: i32) -> (i32, i32) {
    %c0_i32 = arith.constant 0 : i32
    %c0_i32_0 = arith.constant 0 : i32
    %c0_i32_1 = arith.constant 0 : i32
    return %c0_i32, %c0_i32_0 : i32, i32
  }
  func.func @transform_13(%arg0: i32) -> (i32, i32) {
    %c0_i32 = arith.constant 0 : i32
    %c0_i32_0 = arith.constant 0 : i32
    %c0_i32_1 = arith.constant 0 : i32
    return %c0_i32, %c0_i32_0 : i32, i32
  }
  func.func @transform_14(%arg0: i32) -> (i32, i32) {
    %c0_i32 = arith.constant 0 : i32
    %c0_i32_0 = arith.constant 0 : i32
    %c0_i32_1 = arith.constant 0 : i32
    return %c0_i32, %c0_i32_0 : i32, i32
  }
  func.func @transform_15(%arg0: i32) -> (i32, i32) {
    %c0_i32 = arith.constant 0 : i32
    %c0_i32_0 = arith.constant 0 : i32
    %c0_i32_1 = arith.constant 0 : i32
    return %c0_i32, %c0_i32_0 : i32, i32
  }
  func.func @transform_16(%arg0: i32) -> (i32, i32) {
    %c0_i32 = arith.constant 0 : i32
    %c0_i32_0 = arith.constant 0 : i32
    %c0_i32_1 = arith.constant 0 : i32
    return %c0_i32, %c0_i32_0 : i32, i32
  }
  func.func @transform_17(%arg0: i32) -> (i32, i32) {
    %c0_i32 = arith.constant 0 : i32
    %c0_i32_0 = arith.constant 0 : i32
    %c0_i32_1 = arith.constant 0 : i32
    return %c0_i32, %c0_i32_0 : i32, i32
  }
  func.func @transform_18(%arg0: i32) -> (i32, i32) {
    %c0_i32 = arith.constant 0 : i32
    %c0_i32_0 = arith.constant 0 : i32
    %c0_i32_1 = arith.constant 0 : i32
    return %c0_i32, %c0_i32_0 : i32, i32
  }
  func.func @transform_19(%arg0: i32) -> (i32, i32) {
    %c0_i32 = arith.constant 0 : i32
    %c0_i32_0 = arith.constant 0 : i32
    %c0_i32_1 = arith.constant 0 : i32
    return %c0_i32, %c0_i32_0 : i32, i32
  }
  func.func @transform_20(%arg0: i32) -> (i32, i32) {
    %c0_i32 = arith.constant 0 : i32
    %c0_i32_0 = arith.constant 0 : i32
    %c0_i32_1 = arith.constant 0 : i32
    return %c0_i32, %c0_i32_0 : i32, i32
  }
  func.func @transform_21(%arg0: i32) -> (i32, i32) {
    %c0_i32 = arith.constant 0 : i32
    %c0_i32_0 = arith.constant 0 : i32
    %c0_i32_1 = arith.constant 0 : i32
    return %c0_i32, %c0_i32_0 : i32, i32
  }
}

</mosaic_0001>

<sc_bundles>
// kernel: kernel.4.cloned.1.call-start
scs
__scs_entry_jumppad:
0x0: {  	(pc) =	sbr.rel $0x88, $3  }
0x1: {  	(tag) =	ssettag $0x0;
	lr =	simm.s32 $0x1  }
0x2: {  	[smem:$0x3F8B] =	sst lr;
	_ =	strace $0xD0000000  }
0x3: {  	_ = 	snop  }
0x4: {  	_ = 	snop  }
0x5: {  	_ = 	snop  }
0x6: {  	_ = 	snop  }
0x7: {  	_ = 	snop  }
__scs_overlays_trampoline_lowered:
0x8: {  	[smem:$0x3F9A] =	sst s0  }
0x9: {  	[smem:$0x3F9B] =	sst s1  }
0xa: {  	[smem:$0x3F9C] =	sst s2  }
0xb: {  	[smem:$0x3F9D] =	sst s3  }
0xc: {  	[smem:$0x3F9E] =	sst s4  }
0xd: {  	[smem:$0x3F9F] =	sst s5  }
0xe: {  	[smem:$0x3FA0] =	sst s6  }
0xf: {  	[smem:$0x3FA1] =	sst s7  }
0x10: {  	[smem:$0x3FA2] =	sst s8  }
0x11: {  	[smem:$0x3FA3] =	sst s9;
	s0 =	simm.s32 @!p0 $0x0  }
0x12: {  	s1 =	sld [smem:$0x3F89];
	s0 =	simm.s32 @p0 $0x1  }
0x13: {  	[smem:$0x3FA4] =	sst s0;
	s0 =	simm.s32 @!p1 $0x0  }
0x14: {  	s2 =	sld [smem:$0x3F88];
	s0 =	simm.s32 @p1 $0x1  }
0x15: {  	[smem:$0x3FA5] =	sst s0;
	s0 =	simm.s32 @!p2 $0x0  }
0x16: {  	s3 =	sld [smem:$0x3FDB];
	s0 =	simm.s32 @p2 $0x1  }
0x17: {  	s4 =	simm.s32 $0x1BF5;
	[smem:$0x3FA7] =	sst s0  }
0x18: {  	s0 =	sld [smem:$0x3F8A];
	_ =	swait.ge [sflag:s4], $0x0  }
0x19: {  	s7 =	sld [smem:$0x3F8B]  }
0x1a: {  	s8 =	sadd.s32 $0xFFFFE003, lr  }
0x1b: {  	s9 =	sadd.s32 $0xFFFFFEF7, lr;
	s5 =	simm.s32 $0xFFFFFFFF;
	p2 =	slt.u32 s8, $0xFFFFF086  }
0x1c: {  	p1 =	slt.u32 s9, $0xF7A;
	s5 =	simm.s32 @!p2 $0x0  }
0x1d: {  	s5 =	simm.s32 @p1 $0x1;
	p0 =	seq.s32 s7, s2  }
0x1e: {  	s7 =	smul.u32 @!p0 $0xF7A, s2;
	p2 =	seq.s32 @!p0 s5, $0x0  }
0x1f: {  	s9 =	smul.u32 $0xF7A, s1;
	s8 =	simm.s32 @!p0 $0x1BF5;
	p2 =	por !p2, p0  }
0x20: {  	[sflag:s8] =	ssyncset.s32 @!p0 $0xFFFFF086;
	s6 =	sadd.s32 @!p0 s3, s7;
	s7 =	simm.s32 @!p0 $0x108  }
0x21: {  	s3 =	sadd.s32 s3, s9;
	s6 =	sadd.s32 @!p0 $0x88, s6;
	s7 =	simm.s32 @p2 $0x1082  }
0x22: {  	[simem:s7], [sflag:s8] =	dma.local @!p0 [hbm:s6], $0xF7A  }
0x23: {  	s9 =	sor.u32 $0xD0000000, s2;
	s6 =	simm.s32 $0x108;
	_ =	swait.ge @!p0 [sflag:s8], $0x0  }
0x24: {  	s3 =	sadd.s32 $0x88, s3;
	s6 =	simm.s32 @!p1 $0x1082;
	[sflag:s4] =	ssyncset.s32 $0xFFFFF086  }
0x25: {  	[simem:s6], [sflag:s4] =	dma.local [hbm:s3], $0xF7A  }
0x26: {  	[smem:$0x3F8B] =	sst s1;
	(tag) =	ssettag s2;
	_ =	strace s9  }
0x27: {  	s1 =	sld [smem:$0x3F9B]  }
0x28: {  	s2 =	sld [smem:$0x3F9C]  }
0x29: {  	s4 =	sld [smem:$0x3F9E]  }
0x2a: {  	p0 =	seq.s32 s5, $0x0;
	s5 =	sld [smem:$0x3F9F]  }
0x2b: {  	s6 =	sld [smem:$0x3FA0]  }
0x2c: {  	s7 =	sld [smem:$0x3FA1]  }
0x2d: {  	s3 =	simm.s32 $0x108;
	s8 =	sld [smem:$0x3FA2]  }
0x2e: {  	s3 =	simm.s32 @!p0 $0x1082;
	s9 =	sld [smem:$0x3FA3]  }
0x2f: {  	lr =	sadd.s32 s0, s3;
	s0 =	sld [smem:$0x3F9A]  }
0x30: {  	s3 =	sld [smem:$0x3F9D]  }
0x31: {  	[smem:$0x3FA6] =	sst s10  }
0x32: {  	s10 =	sld [smem:$0x3FA4];
	_ =	sdelay $0x3  }
0x33: {  	p0 =	seq.s32 s10, $0x1;
	s10 =	sld [smem:$0x3FA6];
	_ =	sdelay $0x3  }
0x34: {  	[smem:$0x3FA6] =	sst s10  }
0x35: {  	s10 =	sld [smem:$0x3FA5];
	_ =	sdelay $0x3  }
0x36: {  	p1 =	seq.s32 s10, $0x1;
	s10 =	sld [smem:$0x3FA6];
	_ =	sdelay $0x3  }
0x37: {  	[smem:$0x3FA6] =	sst s10  }
0x38: {  	s10 =	sld [smem:$0x3FA7]  }
0x39: {  	_ = 	snop;
	(pc) =	sbr.ind lr, $3  }
0x3a: {  	_ = 	snop  }
0x3b: {  	_ = 	snop  }
0x3c: {  	p2 =	seq.s32 s10, $0x1;
	s10 =	sld [smem:$0x3FA6]  }
0x3d: {  	_ =	shalt  }
0x3e: {  	_ =	shalt  }
0x3f: {  	_ =	shalt  }
0x40: {  	_ =	shalt  }
0x41: {  	_ =	shalt  }
0x42: {  	_ =	shalt  }
0x43: {  	_ =	shalt  }
0x44: {  	_ =	shalt  }
0x45: {  	_ =	shalt  }
0x46: {  	_ =	shalt  }
0x47: {  	_ =	shalt  }
0x48: {  	_ =	shalt  }
0x49: {  	_ =	shalt  }
0x4a: {  	_ =	shalt  }
0x4b: {  	_ =	shalt  }
0x4c: {  	_ =	shalt  }
0x4d: {  	_ =	shalt  }
0x4e: {  	_ =	shalt  }
0x4f: {  	_ =	shalt  }
0x50: {  	_ =	shalt  }
0x51: {  	_ =	shalt  }
0x52: {  	_ =	shalt  }
0x53: {  	_ =	shalt  }
0x54: {  	_ =	shalt  }
0x55: {  	_ =	shalt  }
0x56: {  	_ =	shalt  }
0x57: {  	_ =	shalt  }
0x58: {  	_ =	shalt  }
0x59: {  	_ =	shalt  }
0x5a: {  	_ =	shalt  }
0x5b: {  	_ =	shalt  }
0x5c: {  	_ =	shalt  }
0x5d: {  	_ =	shalt  }
0x5e: {  	_ =	shalt  }
0x5f: {  	_ =	shalt  }
0x60: {  	_ =	shalt  }
0x61: {  	_ =	shalt  }
0x62: {  	_ =	shalt  }
0x63: {  	_ =	shalt  }
0x64: {  	_ =	shalt  }
0x65: {  	_ =	shalt  }
0x66: {  	_ =	shalt  }
0x67: {  	_ =	shalt  }
0x68: {  	_ =	shalt  }
0x69: {  	_ =	shalt  }
0x6a: {  	_ =	shalt  }
0x6b: {  	_ =	shalt  }
0x6c: {  	_ =	shalt  }
0x6d: {  	_ =	shalt  }
0x6e: {  	_ =	shalt  }
0x6f: {  	_ =	shalt  }
0x70: {  	_ =	shalt  }
0x71: {  	_ =	shalt  }
0x72: {  	_ =	shalt  }
0x73: {  	_ =	shalt  }
0x74: {  	_ =	shalt  }
0x75: {  	_ =	shalt  }
0x76: {  	_ =	shalt  }
0x77: {  	_ =	shalt  }
0x78: {  	_ =	shalt  }
0x79: {  	_ =	shalt  }
0x7a: {  	_ =	shalt  }
0x7b: {  	_ =	shalt  }
0x7c: {  	_ =	shalt  }
0x7d: {  	_ =	shalt  }
0x7e: {  	_ =	shalt  }
0x7f: {  	_ =	shalt  }
0x80: {  	_ =	shalt  }
0x81: {  	_ =	shalt  }
0x82: {  	_ =	shalt  }
0x83: {  	_ =	shalt  }
0x84: {  	_ =	shalt  }
0x85: {  	_ =	shalt  }
0x86: {  	_ =	shalt  }
0x87: {  	_ =	shalt  }
.Lfunc_end0:
.L_simem_size_0:
called_computation_lowered:
.L_overlay_start_0:
0x88: {  	s2 =	sld [smem:$0x3FD9]  }
0x89: {  	s3 =	sld [smem:$0x3FFE];
	_ =	sdelay $0x1  }
0x8a: {  	s1 =	srdreg.scid  }
0x8b: {  	s0 =	sand.u32 $0x1, s1  }
0x8c: {  	s17 =	sshll.u32 s0, $0xA;
	s2 =	sadd.s32 s3, s2  }
0x8d: {  	s2 =	sadd.s32 s2, s17  }
0x8e: {  	[smem:$0x3FB2] =	sst s2  }
0x8f: {  	_ = 	snop  }
0x90: {  	s2 =	sld [smem:$0x3FC9]  }
0x91: {  	s18 =	sld [smem:$0x3FC7];
	(tm) =	ssettm $0x1  }
0x92: {  	s4 =	sld [smem:$0x3FFB];
	_ =	sdelay $0x3  }
0x93: {  	_ =	strace s4  }
0x94: {  	s4 =	sld [smem:$0x3FFC];
	_ =	sdelay $0x3  }
0x95: {  	_ =	strace s4  }
0x96: {  	s4 =	sld [smem:$0x3FFD];
	_ =	sdelay $0x3  }
0x97: {  	_ =	strace s4  }
0x98: {  	_ =	strace $0x8FFFFFFF  }
0x99: {  	s19 =	sld [smem:$0x3FDB];
	_ =	sdelay $0x1  }
0x9a: {  	s5 =	simm.s32 $_scs_section_size  }
0x9b: {  	s6 =	simm.s32 $_size__tile_overlayer_lowered;
	s7 =	simm.s32 $_tile_overlayer_lowered  }
0x9c: {  	s22 =	simm.s32 $0x1BFF;
	s21 =	sshll.u32 s7, $0x1;
	s4 =	sadd.s32 s5, s19  }
0x9d: {  	s8 =	simm.s32 $0x0;
	s20 =	sshll.u32 s6, $0x1;
	s6 =	sadd.s32 s21, s4  }
0x9e: {  	[timem:s8], [sflag:s22] =	dma.local [hbm:s6], s20  }
0x9f: {  	_ =	swait.ge [sflag:s22], s20  }
0xa0: {  	s5 =	ssub.s32 $0x0, s20;
	[sflag:s22] =	ssyncset.done $0x0  }
0xa1: {  	[sflag:s22] =	ssyncadd.s32 s5;
	_ =	sdelay $0x1  }
0xa2: {  	s23 =	simm.s32 $0x1B8B  }
0xa3: {  	_ =	swait.ge [sflag:s23], $0x1  }
0xa4: {  	[sflag:s23] =	ssyncset.done $0x0  }
0xa5: {  	s25 =	simm.s32 $0x1B8E;
	s24 =	sld [smem:$0x3FFE];
	[sflag:s23] =	ssyncadd.s32 $0xFFFFFFFF  }
0xa6: {  	s26 =	simm.s32 $execute0_lowered;
	[smem:$0x3FD2] =	sst s25  }
0xa7: {  	s6 =	sshll.u32 s26, $0x1;
	_ =	strace $0x80000046;
	[dreg:$0x1] =	wrdreg $0xFFFFFFFF  }
0xa8: {  	s28 =	simm.s32 $_size_execute0_lowered;
	s4 =	sadd.s32 s4, s6;
	[dreg:$0x0] =	wrdreg $0x0  }
0xa9: {  	s6 =	sshll.u32 s28, $0x1;
	[dreg:$0x2] =	wrdreg s4  }
0xaa: {  	[dreg:$0x3] =	wrdreg s6  }
0xab: {  	[dreg:$0x4] =	wrdreg $0xC0  }
0xac: {  	_ =	task [dreg:s8], $0x5FFFF  }
0xad: {  	[dreg:$0x1] =	wrdreg $0xFFFFFFFF  }
0xae: {  	[dreg:$0x0] =	wrdreg $0x60  }
0xaf: {  	[dreg:$0x2] =	wrdreg s2  }
0xb0: {  	[dreg:$0x3] =	wrdreg s24  }
0xb1: {  	[dreg:$0x4] =	wrdreg s18  }
0xb2: {  	[dreg:$0x5] =	wrdreg $0x0  }
0xb3: {  	[dreg:$0x6] =	wrdreg $0x9  }
0xb4: {  	_ =	task.clear_ibuf [dreg:s8], $0x7FFFF;
	_ =	strace $0x90000046  }
0xb5: {  	s29 =	simm.s32 $0x9;
	_ =	strace $0x80000048  }
0xb6: {  	_ =	swait.ge [sflag:s29], $0x1  }
0xb7: {  	[sflag:s29] =	ssyncadd.s32 $0xFFFFFFFF  }
0xb8: {  	_ =	strace $0x90000048  }
0xb9: {  	_ =	sfence  }
0xba: {  	s30 =	sld [smem:$0x0];
	_ =	sdelay $0x2  }
0xbb: {  	s31 =	sshll.u32 s1, $0xD;
	s1 =	sshrl.u32 s1, $0x2  }
0xbc: {  	s3 =	sand.u32 $0x4000, s31;
	s1 =	sadd.s32 s1, s30  }
0xbd: {  	s0 =	sor.u32 s3, s0;
	s1 =	sshll.u32 s1, $0x11  }
0xbe: {  	s0 =	sor.u32 s1, s0  }
0xbf: {  	s0 =	sadd.s32 $0x8F2B, s0  }
0xc0: {  	[sflag:s0] =	ssyncadd.remote.s32 $0x1  }
0xc1: {  	_ =	sfence.sel $0xFFFF  }
0xc2: {  	[dreg:$0x0] =	wrdreg $0xFFFFFFFF;
	(pc) =	sbr.abs _section_cstart, $3  }
0xc3: {  	[dreg:$0x1] =	wrdreg $0xFFFFFFFF  }
0xc4: {  	_ =	task.clear_ibuf [dreg:s8], $0x2FFFF;
	_ =	strace $0x9FFFFFFF  }
0xc5: {  	(tm) =	ssettm $0x7FFFFFFF  }
tec
execute0_lowered:
.L_overlay_start_1:
0x0: {  	(tag) =	ssettag $0x1  }
0x1: {  	s1 =	rddreg [dreg:$0x0]  }
0x2: {  	s0 =	rddreg [dreg:$0x1]  }
0x3: {  	s3 =	rddreg [dreg:$0x2]  }
0x4: {  	s4 =	rddreg [dreg:$0x3]  }
0x5: {  	s14 =	stileid.u32;
	s2 =	srdreg.scid;
	s5 =	simm.s32 $0x0  }
0x6: {  	s30 =	simm.s32 $0x13F00;
	s31 =	simm.s32 $0x14000;
	s6 =	smul.u32 $0x13C00, s14  }
0x7: {  	s28 =	simm.s32 $0x1CE00;
	s29 =	simm.s32 $0x14180;
	s25 =	smul.u32 $0x4F000, s14  }
0x8: {  	s2 =	sand.u32 $0x1, s2;
	[smem:$0x7FF] =	sst s5;
	s13 =	smul.u32 $0x16800, s14  }
0x9: {  	s8 =	sadd.s32 $0x2A00, s0;
	s9 =	sadd.s32 $0x2FA00, s0;
	s22 =	smul.u32 $0x2D00, s14  }
0xa: {  	s7 =	smul.u32 $0x13C000, s2;
	_ =	strace $0x80000047;
	s11 =	ssub.s32 $0x2, s2  }
0xb: {  	p0 =	seq.s32 s2, $0x1;
	s10 =	sshrl.u32 s6, $0x3;
	s12 =	sshrl.u32 s11, $0x1  }
0xc: {  	s13 =	sshrl.u32 s13, $0x3;
	s23 =	sadd.s32 s22, s8;
	s6 =	sadd.s32 s6, s7  }
0xd: {  	s10 =	sadd.s32 s10, s0;
	s7 =	sshrl.u32 s25, $0x2;
	s15 =	sadd.s32 s8, s13  }
0xe: {  	s26 =	ssub.s32 s11, s12;
	s7 =	sadd.s32 s7, s4;
	[dreg:$0x8] =	wrdreg s15  }
0xf: {  	s12 =	sshll.u32 s14, $0x6;
	s11 =	sadd.s32 $0x5CA00, s10;
	[dreg:$0x5] =	wrdreg s7  }
0x10: {  	s14 =	simm.s32 $0x9;
	s16 =	sadd.s32 $0x20, s15;
	[dreg:$0x6] =	wrdreg s11  }
0x11: {  	s8 =	simm.s32 $0x0;
	s17 =	sadd.s32 $0x40, s15;
	[dreg:$0x9] =	wrdreg s16  }
0x12: {  	s6 =	sshrl.u32 s6, $0x3;
	s18 =	sadd.s32 $0x60, s15;
	[dreg:$0xa] =	wrdreg s17  }
0x13: {  	s19 =	sadd.s32 $0x80, s15;
	s2 =	sadd.s32 $0xA0, s15;
	[dreg:$0xb] =	wrdreg s18  }
0x14: {  	s10 =	sadd.s32 s9, s13;
	s26 =	smax.u32 s26, $0x1;
	[dreg:$0xc] =	wrdreg s19  }
0x15: {  	s15 =	simm.s32 $0x1B200;
	s0 =	sadd.s32 s6, s0;
	[dreg:$0xd] =	wrdreg s2  }
0x16: {  	s7 =	sor.u32 $0x1C0E, s12;
	s20 =	sadd.s32 $0x20, s10;
	[dreg:$0xe] =	wrdreg s10  }
0x17: {  	s21 =	sadd.s32 $0x40, s10;
	s24 =	sadd.s32 $0x60, s10;
	[dreg:$0x15] =	wrdreg s26  }
0x18: {  	s25 =	sadd.s32 $0x80, s10;
	s10 =	sadd.s32 $0xA0, s10;
	[dreg:$0xf] =	wrdreg s20  }
0x19: {  	s2 =	simm.s32 $0xE;
	s16 =	simm.s32 $0x17A00;
	[dreg:$0x10] =	wrdreg s21  }
0x1a: {  	s17 =	simm.s32 $0xA;
	s19 =	simm.s32 $0x1;
	[dreg:$0x11] =	wrdreg s24  }
.Ltmp0:
0x1b: {  	s6 =	simm.s32 $0x2;
	[dreg:$0x12] =	wrdreg s25;
	(pc) =	sbr.rel .LBB2_1-.Ltmp0, $4  }
0x1c: {  	s26 =	simm.s32 $0xD;
	s12 =	simm.s32 $0x5;
	[dreg:$0x13] =	wrdreg s10  }
0x1d: {  	s0 =	sadd.s32 $0x84200, s0;
	s24 =	sadd.s32 s22, s9;
	s10 =	simm.s32 $0x38  }
0x1e: {  	s9 =	simm.s32 $0xB;
	s21 =	simm.s32 $0xC;
	[dreg:$0x7] =	wrdreg s7  }
0x1f: {  	s22 =	simm.s32 $0x3;
	s25 =	simm.s32 $0x6;
	[dreg:$0x14] =	wrdreg s0  }
.LBB2_8:
0x20: {  	_ =	swait.ge [sflag:s25], $0x1C00  }
0x21: {  	[sflag:s25] =	ssyncset.done $0x0  }
0x22: {  	[sflag:s25] =	ssyncadd.s32 $0xFFFFE400  }
0x23: {  	[spmem:s4] =	stream.indirect.scatter.add.f32 [tilespmem:s28], [sflag:$0xD], $0x80, s29, s10, $0xb8;
	[tilespmem:$0x1EA00] =	vst v63  }
0x24: {  	_ =	swait.ge [sflag:s26], $0x1C00  }
0x25: {  	[sflag:s26] =	ssyncset.done $0x0  }
0x26: {  	[sflag:s26] =	ssyncadd.s32 $0xFFFFE400  }
0x27: {  	_ =	swait.ge [sflag:s26], $0x1C00  }
0x28: {  	[sflag:s26] =	ssyncset.done $0x0  }
0x29: {  	[sflag:s26] =	ssyncadd.s32 $0xFFFFE400  }
0x2a: {  	[bflag:$0x0] =	sbarrier.arrive $0xFFFF  }
0x2b: {  	s7 =	rddreg [dreg:$0x7]  }
0x2c: {  	s0 =	rddreg [dreg:$0x14]  }
0x2d: {  	s2 =	rddreg [dreg:$0x17]  }
0x2e: {  	[hbm:s0], [sflag:s7] =	dma.local [spmem:s2], $0x2780  }
0x2f: {  	s2 =	simm.s32 $0xE  }
0x30: {  	_ =	swait.ge [sflag:s2], $0x2780  }
0x31: {  	s8 =	rddreg [dreg:$0x16]  }
0x32: {  	s20 =	rddreg [dreg:$0x15];
	s8 =	sadd.s32 $0x1, s8  }
0x33: {  	p1 =	sne.s32 s8, s20  }
.Ltmp1:
0x34: {  	_ = 	snop;
	(pc) =	sbr.rel @!p1 .LBB2_9-.Ltmp1, $3  }
0x35: {  	_ =	sdelay $0x1  }
0x36: {  	[sflag:s2] =	ssyncset.done $0x0  }
0x37: {  	[sflag:s2] =	ssyncadd.s32 $0xFFFFD880  }
.LBB2_1:
0x38: {  	[dreg:$0x16] =	wrdreg s8  }
0x39: {  	s0 =	rddreg [dreg:$0x5]  }
0x3a: {  	s20 =	rddreg [dreg:$0x6];
	s18 =	sshrl.u32 s0, $0x3  }
0x3b: {  	[dreg:$0x17] =	wrdreg s18  }
0x3c: {  	[spmem:s18], [sflag:s7] =	dma.local [hbm:s20], $0x2780  }
.Ltmp2:
0x3d: {  	_ =	swait.ge [sflag:s2], $0x2780;
	(pc) =	sbr.rel @!p0 .LBB2_2-.Ltmp2, $4  }
0x3e: {  	[sflag:s2] =	ssyncset.done $0x0  }
0x3f: {  	[sflag:s2] =	ssyncadd.s32 $0xFFFFD880  }
0x40: {  	[bflag:$0x0] =	sbarrier.arrive $0xFFFF  }
0x41: {  	s18 =	simm.s32 $0x0  }
0x42: {  	s0 =	rddreg [dreg:$0xe];
	s2 =	simm.s32 $0x13C00  }
0x43: {  	[tilespmem:s2], [sflag:$0x7] =	stream.linear.gather [hbm4b:s0+s18], $0x100, $0x38;
	[tilespmem:$0x1EA00] =	vst v63  }
0x44: {  	s13 =	rddreg [dreg:$0xf];
	s7 =	simm.s32 $0x13D00  }
0x45: {  	[tilespmem:s7], [sflag:$0x8] =	stream.linear.gather [hbm4b:s13+s18], $0x100, $0x38;
	[tilespmem:$0x1EA00] =	vst v63  }
0x46: {  	s20 =	rddreg [dreg:$0x10];
	s11 =	simm.s32 $0x13E00  }
0x47: {  	[tilespmem:s11], [sflag:$0x9] =	stream.linear.gather [hbm4b:s20+s18], $0x100, $0x38;
	[tilespmem:$0x1EA00] =	vst v63  }
0x48: {  	s8 =	rddreg [dreg:$0x11]  }
0x49: {  	[tilespmem:s30], [sflag:$0xA] =	stream.linear.gather [hbm4b:s8+s18], $0x100, $0x38;
	[tilespmem:$0x1EA00] =	vst v63  }
0x4a: {  	s13 =	rddreg [dreg:$0x12]  }
0x4b: {  	[tilespmem:s31], [sflag:$0xB] =	stream.linear.gather [hbm4b:s13+s18], $0x100, $0x38;
	[tilespmem:$0x1EA00] =	vst v63  }
0x4c: {  	s20 =	rddreg [dreg:$0x13];
	s8 =	simm.s32 $0x14100;
	s13 =	simm.s32 $0x7  }
0x4d: {  	[tilespmem:s8], [sflag:$0xC] =	stream.linear.gather [hbm4b:s20+s18], $0x100, $0x38;
	[tilespmem:$0x1EA00] =	vst v63  }
0x4e: {  	_ =	swait.ge [sflag:s13], $0x100  }
0x4f: {  	[sflag:s13] =	ssyncset.done $0x0  }
0x50: {  	s20 =	simm.s32 $0x14200;
	s8 =	simm.s32 $0x8;
	[sflag:s13] =	ssyncadd.s32 $0xFFFFFF00  }
0x51: {  	[tilespmem:s20], [sflag:$0x1] =	stream.indirect.gather [hbm4b:s3+s10], $0x80, s2, s10, $0xb8;
	[tilespmem:$0x1EA00] =	vst v63  }
0x52: {  	_ =	swait.ge [sflag:s8], $0x100  }
0x53: {  	[sflag:s8] =	ssyncset.done $0x0  }
0x54: {  	s13 =	simm.s32 $0x15E00;
	[sflag:s8] =	ssyncadd.s32 $0xFFFFFF00  }
0x55: {  	[tilespmem:s13], [sflag:$0x2] =	stream.indirect.gather [hbm4b:s3+s10], $0x80, s7, s10, $0xb8;
	[tilespmem:$0x1EA00] =	vst v63  }
0x56: {  	_ =	swait.ge [sflag:s14], $0x100  }
0x57: {  	[sflag:s14] =	ssyncset.done $0x0  }
0x58: {  	[sflag:s14] =	ssyncadd.s32 $0xFFFFFF00  }
0x59: {  	[tilespmem:s16], [sflag:$0x3] =	stream.indirect.gather [hbm4b:s3+s10], $0x80, s11, s10, $0xb8;
	[tilespmem:$0x1EA00] =	vst v63  }
0x5a: {  	_ =	swait.ge [sflag:s17], $0x100  }
0x5b: {  	[sflag:s17] =	ssyncset.done $0x0  }
0x5c: {  	s20 =	simm.s32 $0x19600;
	s8 =	simm.s32 $0x13E00;
	[sflag:s17] =	ssyncadd.s32 $0xFFFFFF00  }
0x5d: {  	[tilespmem:s20], [sflag:$0x4] =	stream.indirect.gather [hbm4b:s3+s10], $0x80, s30, s10, $0xb8;
	[tilespmem:$0x1EA00] =	vst v63  }
.LBB2_6:
0x5e: {  	_ =	swait.ge [sflag:s19], $0x1C00  }
0x5f: {  	s0 =	simm.s32 $0x14200;
	[sflag:s19] =	ssyncset.done $0x0  }
0x60: {  	s2 =	simm.s32 $0x13C80;
	p1 =	seq.s32 s18, $0x0;
	[sflag:s19] =	ssyncadd.s32 $0xFFFFE400  }
0x61: {  	[spmem:s4] =	stream.indirect.scatter.add.f32 [tilespmem:s0], [sflag:$0xD], $0x80, s2, s10, $0xb8;
	[tilespmem:$0x1EA00] =	vst v63  }
0x62: {  	s0 =	simm.s32 @!p1 $0xD  }
0x63: {  	_ =	swait.ge @!p1 [sflag:s0], $0x1C00  }
0x64: {  	[sflag:s0] =	ssyncset.done @!p1 $0x0  }
0x65: {  	[sflag:s0] =	ssyncadd.s32 @!p1 $0xFFFFE400;
	s0 =	sadd.s32 @!p1 s18, s24  }
0x66: {  	s7 =	simm.s32 @!p1 $0x14100;
	s2 =	simm.s32 @!p1 $0x0;
	s0 =	sadd.s32 @!p1 $0xA0, s0  }
0x67: {  	[tilespmem:s7], [sflag:$0xC] =	stream.linear.gather @!p1 [hbm4b:s0+s2], $0x100, $0x38;
	[tilespmem:$0x1EA00] =	vst v63  }
0x68: {  	_ =	swait.ge [sflag:s9], $0x100  }
0x69: {  	[sflag:s9] =	ssyncset.done $0x0  }
0x6a: {  	[sflag:s9] =	ssyncadd.s32 $0xFFFFFF00  }
0x6b: {  	[tilespmem:s15], [sflag:$0x5] =	stream.indirect.gather [hbm4b:s3+s10], $0x80, s31, s10, $0xb8;
	[tilespmem:$0x1EA00] =	vst v63  }
0x6c: {  	_ =	swait.ge [sflag:s6], $0x1C00  }
0x6d: {  	[sflag:s6] =	ssyncset.done $0x0  }
0x6e: {  	s11 =	simm.s32 $0x15E00;
	s13 =	simm.s32 $0x13D80;
	[sflag:s6] =	ssyncadd.s32 $0xFFFFE400  }
0x6f: {  	[spmem:s4] =	stream.indirect.scatter.add.f32 [tilespmem:s11], [sflag:$0xD], $0x80, s13, s10, $0xb8;
	[tilespmem:$0x1EA00] =	vst v63  }
0x70: {  	p1 =	seq.s32 s18, $0x2C40;
	_ =	swait.ge [sflag:s26], $0x1C00  }
0x71: {  	s0 =	sadd.s32 @!p1 s18, s24;
	s7 =	simm.s32 @!p1 $0x0;
	[sflag:s26] =	ssyncset.done $0x0  }
0x72: {  	s2 =	sadd.s32 @!p1 $0xC0, s0;
	s11 =	simm.s32 @!p1 $0x13C00;
	[sflag:s26] =	ssyncadd.s32 $0xFFFFE400  }
0x73: {  	[tilespmem:s11], [sflag:$0x7] =	stream.linear.gather @!p1 [hbm4b:s2+s7], $0x100, $0x38;
	[tilespmem:$0x1EA00] =	vst v63  }
0x74: {  	_ =	swait.ge [sflag:s21], $0x100  }
0x75: {  	[sflag:s21] =	ssyncset.done $0x0  }
0x76: {  	s20 =	simm.s32 $0x14100;
	[sflag:s21] =	ssyncadd.s32 $0xFFFFFF00  }
0x77: {  	[tilespmem:s28], [sflag:$0x6] =	stream.indirect.gather [hbm4b:s3+s10], $0x80, s20, s10, $0xb8;
	[tilespmem:$0x1EA00] =	vst v63  }
0x78: {  	_ =	swait.ge [sflag:s22], $0x1C00  }
0x79: {  	[sflag:s22] =	ssyncset.done $0x0  }
0x7a: {  	s13 =	simm.s32 $0x13E80;
	[sflag:s22] =	ssyncadd.s32 $0xFFFFE400  }
0x7b: {  	[spmem:s4] =	stream.indirect.scatter.add.f32 [tilespmem:s16], [sflag:$0xD], $0x80, s13, s10, $0xb8;
	[tilespmem:$0x1EA00] =	vst v63  }
0x7c: {  	_ =	swait.ge [sflag:s26], $0x1C00  }
0x7d: {  	[sflag:s26] =	ssyncset.done $0x0  }
0x7e: {  	s2 =	simm.s32 @p1 $0x4;
	[sflag:s26] =	ssyncadd.s32 $0xFFFFE400  }
0x7f: {  	_ =	swait.ge @p1 [sflag:s2], $0x1C00  }
0x80: {  	s20 =	simm.s32 @p1 $0x19600;
	[sflag:s2] =	ssyncset.done @p1 $0x0  }
0x81: {  	s13 =	simm.s32 @p1 $0x13F80;
	[sflag:s2] =	ssyncadd.s32 @p1 $0xFFFFE400;
	s2 =	simm.s32 @p1 $0x38  }
0x82: {  	[spmem:s4] =	stream.indirect.scatter.add.f32 @p1 [tilespmem:s20], [sflag:$0xD], $0x80, s13, s2, $0xb8;
	[tilespmem:$0x1EA00] =	vst v63  }
0x83: {  	s2 =	simm.s32 @p1 $0xD  }
0x84: {  	_ =	swait.ge @p1 [sflag:s2], $0x1C00  }
0x85: {  	[sflag:s2] =	ssyncset.done @p1 $0x0  }
0x86: {  	s13 =	simm.s32 @!p1 $0x13D00;
	[sflag:s2] =	ssyncadd.s32 @p1 $0xFFFFE400;
	s2 =	sadd.s32 @!p1 $0xE0, s0  }
0x87: {  	[tilespmem:s13], [sflag:$0x8] =	stream.linear.gather @!p1 [hbm4b:s2+s7], $0x100, $0x38;
	[tilespmem:$0x1EA00] =	vst v63  }
0x88: {  	s2 =	simm.s32 @!p1 $0x7  }
0x89: {  	_ =	swait.ge @!p1 [sflag:s2], $0x100  }
0x8a: {  	[sflag:s2] =	ssyncset.done @!p1 $0x0  }
0x8b: {  	s20 =	simm.s32 @!p1 $0x14200;
	[sflag:s2] =	ssyncadd.s32 @!p1 $0xFFFFFF00;
	s2 =	simm.s32 @!p1 $0x38  }
0x8c: {  	[tilespmem:s20], [sflag:$0x1] =	stream.indirect.gather @!p1 [hbm4b:s3+s2], $0x80, s11, s2, $0xb8;
	[tilespmem:$0x1EA00] =	vst v63  }
0x8d: {  	s11 =	simm.s32 @!p1 $0x4  }
0x8e: {  	_ =	swait.ge @!p1 [sflag:s11], $0x1C00  }
0x8f: {  	[sflag:s11] =	ssyncset.done @!p1 $0x0  }
0x90: {  	s20 =	simm.s32 @!p1 $0x19600;
	[sflag:s11] =	ssyncadd.s32 @!p1 $0xFFFFE400;
	s11 =	simm.s32 @!p1 $0x13F80  }
0x91: {  	[spmem:s4] =	stream.indirect.scatter.add.f32 @!p1 [tilespmem:s20], [sflag:$0xD], $0x80, s11, s2, $0xb8;
	[tilespmem:$0x1EA00] =	vst v63  }
0x92: {  	s11 =	simm.s32 @!p1 $0xD  }
0x93: {  	_ =	swait.ge @!p1 [sflag:s11], $0x1C00  }
0x94: {  	[sflag:s11] =	ssyncset.done @!p1 $0x0  }
0x95: {  	s0 =	sadd.s32 @!p1 $0x100, s0;
	[sflag:s11] =	ssyncadd.s32 @!p1 $0xFFFFE400;
	s11 =	simm.s32 @!p1 $0x13E00  }
0x96: {  	[tilespmem:s11], [sflag:$0x9] =	stream.linear.gather @!p1 [hbm4b:s0+s7], $0x100, $0x38;
	[tilespmem:$0x1EA00] =	vst v63  }
0x97: {  	s0 =	simm.s32 @!p1 $0x8  }
0x98: {  	_ =	swait.ge @!p1 [sflag:s0], $0x100  }
0x99: {  	[sflag:s0] =	ssyncset.done @!p1 $0x0  }
0x9a: {  	[sflag:s0] =	ssyncadd.s32 @!p1 $0xFFFFFF00;
	s0 =	simm.s32 @!p1 $0x15E00  }
0x9b: {  	[tilespmem:s0], [sflag:$0x2] =	stream.indirect.gather @!p1 [hbm4b:s3+s2], $0x80, s13, s2, $0xb8;
	[tilespmem:$0x1EA00] =	vst v63  }
0x9c: {  	_ =	swait.ge [sflag:s12], $0x1C00  }
0x9d: {  	[sflag:s12] =	ssyncset.done $0x0  }
.Ltmp3:
0x9e: {  	s20 =	simm.s32 $0x14080;
	[sflag:s12] =	ssyncadd.s32 $0xFFFFE400;
	(pc) =	sbr.rel @p1 .LBB2_8-.Ltmp3, $4  }
0x9f: {  	[spmem:s4] =	stream.indirect.scatter.add.f32 [tilespmem:s15], [sflag:$0xD], $0x80, s20, s10, $0xb8;
	[tilespmem:$0x1EA00] =	vst v63  }
0xa0: {  	_ =	swait.ge [sflag:s26], $0x1C00  }
0xa1: {  	[sflag:s26] =	ssyncset.done $0x0  }
0xa2: {  	[sflag:s26] =	ssyncadd.s32 $0xFFFFE400  }
0xa3: {  	s0 =	sadd.s32 s18, s24  }
0xa4: {  	s2 =	sadd.s32 $0x120, s0  }
0xa5: {  	[tilespmem:s30], [sflag:$0xA] =	stream.linear.gather [hbm4b:s2+s5], $0x100, $0x38;
	[tilespmem:$0x1EA00] =	vst v63  }
0xa6: {  	_ =	swait.ge [sflag:s14], $0x100  }
0xa7: {  	[sflag:s14] =	ssyncset.done $0x0  }
0xa8: {  	[sflag:s14] =	ssyncadd.s32 $0xFFFFFF00  }
0xa9: {  	[tilespmem:s16], [sflag:$0x3] =	stream.indirect.gather [hbm4b:s3+s10], $0x80, s8, s10, $0xb8;
	[tilespmem:$0x1EA00] =	vst v63  }
0xaa: {  	_ =	swait.ge [sflag:s25], $0x1C00  }
0xab: {  	[sflag:s25] =	ssyncset.done $0x0  }
0xac: {  	[sflag:s25] =	ssyncadd.s32 $0xFFFFE400  }
0xad: {  	[spmem:s4] =	stream.indirect.scatter.add.f32 [tilespmem:s28], [sflag:$0xD], $0x80, s29, s10, $0xb8;
	[tilespmem:$0x1EA00] =	vst v63  }
0xae: {  	_ =	swait.ge [sflag:s26], $0x1C00  }
0xaf: {  	[sflag:s26] =	ssyncset.done $0x0  }
0xb0: {  	s0 =	sadd.s32 $0x140, s0;
	[sflag:s26] =	ssyncadd.s32 $0xFFFFE400  }
0xb1: {  	[tilespmem:s31], [sflag:$0xB] =	stream.linear.gather [hbm4b:s0+s5], $0x100, $0x38;
	[tilespmem:$0x1EA00] =	vst v63  }
.Ltmp4:
0xb2: {  	_ = 	snop;
	(pc) =	sbr.rel .LBB2_6-.Ltmp4, $4  }
0xb3: {  	_ =	swait.ge [sflag:s17], $0x100  }
0xb4: {  	[sflag:s17] =	ssyncset.done $0x0  }
0xb5: {  	s20 =	simm.s32 $0x19600;
	s18 =	sadd.s32 $0xC0, s18;
	[sflag:s17] =	ssyncadd.s32 $0xFFFFFF00  }
0xb6: {  	[tilespmem:s20], [sflag:$0x4] =	stream.indirect.gather [hbm4b:s3+s10], $0x80, s30, s10, $0xb8;
	[tilespmem:$0x1EA00] =	vst v63  }
.LBB2_2:
0xb7: {  	s0 =	rddreg [dreg:$0x8];
	s2 =	simm.s32 $0x13C00  }
0xb8: {  	[tilespmem:s2], [sflag:$0x7] =	stream.linear.gather [hbm4b:s0+s18], $0x100, $0x38;
	[tilespmem:$0x1EA00] =	vst v63  }
0xb9: {  	s13 =	rddreg [dreg:$0x9];
	s7 =	simm.s32 $0x13D00  }
0xba: {  	[tilespmem:s7], [sflag:$0x8] =	stream.linear.gather [hbm4b:s13+s18], $0x100, $0x38;
	[tilespmem:$0x1EA00] =	vst v63  }
0xbb: {  	s20 =	rddreg [dreg:$0xa];
	s11 =	simm.s32 $0x13E00  }
0xbc: {  	[tilespmem:s11], [sflag:$0x9] =	stream.linear.gather [hbm4b:s20+s18], $0x100, $0x38;
	[tilespmem:$0x1EA00] =	vst v63  }
0xbd: {  	s8 =	rddreg [dreg:$0xb]  }
0xbe: {  	[tilespmem:s30], [sflag:$0xA] =	stream.linear.gather [hbm4b:s8+s18], $0x100, $0x38;
	[tilespmem:$0x1EA00] =	vst v63  }
0xbf: {  	s13 =	rddreg [dreg:$0xc]  }
0xc0: {  	[tilespmem:s31], [sflag:$0xB] =	stream.linear.gather [hbm4b:s13+s18], $0x100, $0x38;
	[tilespmem:$0x1EA00] =	vst v63  }
0xc1: {  	s20 =	rddreg [dreg:$0xd];
	s8 =	simm.s32 $0x14100;
	s13 =	simm.s32 $0x7  }
0xc2: {  	[tilespmem:s8], [sflag:$0xC] =	stream.linear.gather [hbm4b:s20+s18], $0x100, $0x38;
	[tilespmem:$0x1EA00] =	vst v63  }
0xc3: {  	_ =	swait.ge [sflag:s13], $0x100  }
0xc4: {  	[sflag:s13] =	ssyncset.done $0x0  }
0xc5: {  	s20 =	simm.s32 $0x14200;
	s8 =	simm.s32 $0x8;
	[sflag:s13] =	ssyncadd.s32 $0xFFFFFF00  }
0xc6: {  	[tilespmem:s20], [sflag:$0x1] =	stream.indirect.gather [hbm4b:s1+s10], $0x80, s2, s10, $0xb8;
	[tilespmem:$0x1EA00] =	vst v63  }
0xc7: {  	_ =	swait.ge [sflag:s8], $0x100  }
0xc8: {  	[sflag:s8] =	ssyncset.done $0x0  }
0xc9: {  	s13 =	simm.s32 $0x15E00;
	[sflag:s8] =	ssyncadd.s32 $0xFFFFFF00  }
0xca: {  	[tilespmem:s13], [sflag:$0x2] =	stream.indirect.gather [hbm4b:s1+s10], $0x80, s7, s10, $0xb8;
	[tilespmem:$0x1EA00] =	vst v63  }
0xcb: {  	_ =	swait.ge [sflag:s14], $0x100  }
0xcc: {  	[sflag:s14] =	ssyncset.done $0x0  }
0xcd: {  	[sflag:s14] =	ssyncadd.s32 $0xFFFFFF00  }
0xce: {  	[tilespmem:s16], [sflag:$0x3] =	stream.indirect.gather [hbm4b:s1+s10], $0x80, s11, s10, $0xb8;
	[tilespmem:$0x1EA00] =	vst v63  }
0xcf: {  	_ =	swait.ge [sflag:s17], $0x100  }
0xd0: {  	[sflag:s17] =	ssyncset.done $0x0  }
0xd1: {  	s20 =	simm.s32 $0x19600;
	s8 =	simm.s32 $0x13E00;
	[sflag:s17] =	ssyncadd.s32 $0xFFFFFF00  }
0xd2: {  	[tilespmem:s20], [sflag:$0x4] =	stream.indirect.gather [hbm4b:s1+s10], $0x80, s30, s10, $0xb8;
	[tilespmem:$0x1EA00] =	vst v63  }
.LBB2_3:
0xd3: {  	_ =	swait.ge [sflag:s19], $0x1C00  }
0xd4: {  	s0 =	simm.s32 $0x14200;
	[sflag:s19] =	ssyncset.done $0x0  }
0xd5: {  	s2 =	simm.s32 $0x13C80;
	p1 =	seq.s32 s18, $0x0;
	[sflag:s19] =	ssyncadd.s32 $0xFFFFE400  }
0xd6: {  	[spmem:s4] =	stream.indirect.scatter.add.f32 [tilespmem:s0], [sflag:$0xD], $0x80, s2, s10, $0xb8;
	[tilespmem:$0x1EA00] =	vst v63  }
0xd7: {  	s0 =	simm.s32 @!p1 $0xD  }
0xd8: {  	_ =	swait.ge @!p1 [sflag:s0], $0x1C00  }
0xd9: {  	[sflag:s0] =	ssyncset.done @!p1 $0x0  }
0xda: {  	[sflag:s0] =	ssyncadd.s32 @!p1 $0xFFFFE400;
	s0 =	sadd.s32 @!p1 s18, s23  }
0xdb: {  	s20 =	simm.s32 @!p1 $0x0;
	s11 =	simm.s32 @!p1 $0x14100;
	s0 =	sadd.s32 @!p1 $0xA0, s0  }
0xdc: {  	[tilespmem:s11], [sflag:$0xC] =	stream.linear.gather @!p1 [hbm4b:s0+s20], $0x100, $0x38;
	[tilespmem:$0x1EA00] =	vst v63  }
0xdd: {  	_ =	swait.ge [sflag:s9], $0x100  }
0xde: {  	[sflag:s9] =	ssyncset.done $0x0  }
0xdf: {  	[sflag:s9] =	ssyncadd.s32 $0xFFFFFF00  }
0xe0: {  	[tilespmem:s15], [sflag:$0x5] =	stream.indirect.gather [hbm4b:s1+s10], $0x80, s31, s10, $0xb8;
	[tilespmem:$0x1EA00] =	vst v63  }
0xe1: {  	_ =	swait.ge [sflag:s6], $0x1C00  }
0xe2: {  	[sflag:s6] =	ssyncset.done $0x0  }
0xe3: {  	s7 =	simm.s32 $0x13D80;
	s2 =	simm.s32 $0x15E00;
	[sflag:s6] =	ssyncadd.s32 $0xFFFFE400  }
0xe4: {  	[spmem:s4] =	stream.indirect.scatter.add.f32 [tilespmem:s2], [sflag:$0xD], $0x80, s7, s10, $0xb8;
	[tilespmem:$0x1EA00] =	vst v63  }
0xe5: {  	p1 =	seq.s32 s18, $0x2C40;
	_ =	swait.ge [sflag:s26], $0x1C00  }
0xe6: {  	s0 =	sadd.s32 @!p1 s18, s23;
	s20 =	simm.s32 @!p1 $0x0;
	[sflag:s26] =	ssyncset.done $0x0  }
0xe7: {  	s11 =	sadd.s32 @!p1 $0xC0, s0;
	s7 =	simm.s32 @!p1 $0x13C00;
	[sflag:s26] =	ssyncadd.s32 $0xFFFFE400  }
0xe8: {  	[tilespmem:s7], [sflag:$0x7] =	stream.linear.gather @!p1 [hbm4b:s11+s20], $0x100, $0x38;
	[tilespmem:$0x1EA00] =	vst v63  }
0xe9: {  	_ =	swait.ge [sflag:s21], $0x100  }
0xea: {  	[sflag:s21] =	ssyncset.done $0x0  }
0xeb: {  	s11 =	simm.s32 $0x14100;
	[sflag:s21] =	ssyncadd.s32 $0xFFFFFF00  }
0xec: {  	[tilespmem:s28], [sflag:$0x6] =	stream.indirect.gather [hbm4b:s1+s10], $0x80, s11, s10, $0xb8;
	[tilespmem:$0x1EA00] =	vst v63  }
0xed: {  	_ =	swait.ge [sflag:s22], $0x1C00  }
0xee: {  	[sflag:s22] =	ssyncset.done $0x0  }
0xef: {  	s13 =	simm.s32 $0x13E80;
	[sflag:s22] =	ssyncadd.s32 $0xFFFFE400  }
0xf0: {  	[spmem:s4] =	stream.indirect.scatter.add.f32 [tilespmem:s16], [sflag:$0xD], $0x80, s13, s10, $0xb8;
	[tilespmem:$0x1EA00] =	vst v63  }
0xf1: {  	_ =	swait.ge [sflag:s26], $0x1C00  }
0xf2: {  	[sflag:s26] =	ssyncset.done $0x0  }
0xf3: {  	s11 =	simm.s32 @p1 $0x4;
	[sflag:s26] =	ssyncadd.s32 $0xFFFFE400  }
0xf4: {  	_ =	swait.ge @p1 [sflag:s11], $0x1C00  }
0xf5: {  	s2 =	simm.s32 @p1 $0x19600;
	[sflag:s11] =	ssyncset.done @p1 $0x0  }
0xf6: {  	s13 =	simm.s32 @p1 $0x13F80;
	[sflag:s11] =	ssyncadd.s32 @p1 $0xFFFFE400;
	s11 =	simm.s32 @p1 $0x38  }
0xf7: {  	[spmem:s4] =	stream.indirect.scatter.add.f32 @p1 [tilespmem:s2], [sflag:$0xD], $0x80, s13, s11, $0xb8;
	[tilespmem:$0x1EA00] =	vst v63  }
0xf8: {  	s2 =	simm.s32 @p1 $0xD  }
0xf9: {  	_ =	swait.ge @p1 [sflag:s2], $0x1C00  }
0xfa: {  	[sflag:s2] =	ssyncset.done @p1 $0x0  }
0xfb: {  	s11 =	simm.s32 @!p1 $0x13D00;
	[sflag:s2] =	ssyncadd.s32 @p1 $0xFFFFE400;
	s2 =	sadd.s32 @!p1 $0xE0, s0  }
0xfc: {  	[tilespmem:s11], [sflag:$0x8] =	stream.linear.gather @!p1 [hbm4b:s2+s20], $0x100, $0x38;
	[tilespmem:$0x1EA00] =	vst v63  }
0xfd: {  	s2 =	simm.s32 @!p1 $0x7  }
0xfe: {  	_ =	swait.ge @!p1 [sflag:s2], $0x100  }
0xff: {  	[sflag:s2] =	ssyncset.done @!p1 $0x0  }
0x100: {  	s13 =	simm.s32 @!p1 $0x14200;
	[sflag:s2] =	ssyncadd.s32 @!p1 $0xFFFFFF00;
	s2 =	simm.s32 @!p1 $0x38  }
0x101: {  	[tilespmem:s13], [sflag:$0x1] =	stream.indirect.gather @!p1 [hbm4b:s1+s2], $0x80, s7, s2, $0xb8;
	[tilespmem:$0x1EA00] =	vst v63  }
0x102: {  	s7 =	simm.s32 @!p1 $0x4  }
0x103: {  	_ =	swait.ge @!p1 [sflag:s7], $0x1C00  }
0x104: {  	[sflag:s7] =	ssyncset.done @!p1 $0x0  }
0x105: {  	s13 =	simm.s32 @!p1 $0x19600;
	[sflag:s7] =	ssyncadd.s32 @!p1 $0xFFFFE400;
	s7 =	simm.s32 @!p1 $0x13F80  }
0x106: {  	[spmem:s4] =	stream.indirect.scatter.add.f32 @!p1 [tilespmem:s13], [sflag:$0xD], $0x80, s7, s2, $0xb8;
	[tilespmem:$0x1EA00] =	vst v63  }
0x107: {  	s7 =	simm.s32 @!p1 $0xD  }
0x108: {  	_ =	swait.ge @!p1 [sflag:s7], $0x1C00  }
0x109: {  	[sflag:s7] =	ssyncset.done @!p1 $0x0  }
0x10a: {  	s0 =	sadd.s32 @!p1 $0x100, s0;
	[sflag:s7] =	ssyncadd.s32 @!p1 $0xFFFFE400;
	s7 =	simm.s32 @!p1 $0x13E00  }
0x10b: {  	[tilespmem:s7], [sflag:$0x9] =	stream.linear.gather @!p1 [hbm4b:s0+s20], $0x100, $0x38;
	[tilespmem:$0x1EA00] =	vst v63  }
0x10c: {  	s0 =	simm.s32 @!p1 $0x8  }
0x10d: {  	_ =	swait.ge @!p1 [sflag:s0], $0x100  }
0x10e: {  	[sflag:s0] =	ssyncset.done @!p1 $0x0  }
0x10f: {  	[sflag:s0] =	ssyncadd.s32 @!p1 $0xFFFFFF00;
	s0 =	simm.s32 @!p1 $0x15E00  }
0x110: {  	[tilespmem:s0], [sflag:$0x2] =	stream.indirect.gather @!p1 [hbm4b:s1+s2], $0x80, s11, s2, $0xb8;
	[tilespmem:$0x1EA00] =	vst v63  }
0x111: {  	_ =	swait.ge [sflag:s12], $0x1C00  }
0x112: {  	[sflag:s12] =	ssyncset.done $0x0  }
.Ltmp5:
0x113: {  	s20 =	simm.s32 $0x14080;
	[sflag:s12] =	ssyncadd.s32 $0xFFFFE400;
	(pc) =	sbr.rel @p1 .LBB2_8-.Ltmp5, $4  }
0x114: {  	[spmem:s4] =	stream.indirect.scatter.add.f32 [tilespmem:s15], [sflag:$0xD], $0x80, s20, s10, $0xb8;
	[tilespmem:$0x1EA00] =	vst v63  }
0x115: {  	_ =	swait.ge [sflag:s26], $0x1C00  }
0x116: {  	[sflag:s26] =	ssyncset.done $0x0  }
0x117: {  	[sflag:s26] =	ssyncadd.s32 $0xFFFFE400  }
0x118: {  	s0 =	sadd.s32 s18, s23  }
0x119: {  	s2 =	sadd.s32 $0x120, s0  }
0x11a: {  	[tilespmem:s30], [sflag:$0xA] =	stream.linear.gather [hbm4b:s2+s5], $0x100, $0x38;
	[tilespmem:$0x1EA00] =	vst v63  }
0x11b: {  	_ =	swait.ge [sflag:s14], $0x100  }
0x11c: {  	[sflag:s14] =	ssyncset.done $0x0  }
0x11d: {  	[sflag:s14] =	ssyncadd.s32 $0xFFFFFF00  }
0x11e: {  	[tilespmem:s16], [sflag:$0x3] =	stream.indirect.gather [hbm4b:s1+s10], $0x80, s8, s10, $0xb8;
	[tilespmem:$0x1EA00] =	vst v63  }
0x11f: {  	_ =	swait.ge [sflag:s25], $0x1C00  }
0x120: {  	[sflag:s25] =	ssyncset.done $0x0  }
0x121: {  	[sflag:s25] =	ssyncadd.s32 $0xFFFFE400  }
0x122: {  	[spmem:s4] =	stream.indirect.scatter.add.f32 [tilespmem:s28], [sflag:$0xD], $0x80, s29, s10, $0xb8;
	[tilespmem:$0x1EA00] =	vst v63  }
0x123: {  	_ =	swait.ge [sflag:s26], $0x1C00  }
0x124: {  	[sflag:s26] =	ssyncset.done $0x0  }
0x125: {  	s0 =	sadd.s32 $0x140, s0;
	[sflag:s26] =	ssyncadd.s32 $0xFFFFE400  }
0x126: {  	[tilespmem:s31], [sflag:$0xB] =	stream.linear.gather [hbm4b:s0+s5], $0x100, $0x38;
	[tilespmem:$0x1EA00] =	vst v63  }
.Ltmp6:
0x127: {  	_ = 	snop;
	(pc) =	sbr.rel .LBB2_3-.Ltmp6, $4  }
0x128: {  	_ =	swait.ge [sflag:s17], $0x100  }
0x129: {  	[sflag:s17] =	ssyncset.done $0x0  }
0x12a: {  	s20 =	simm.s32 $0x19600;
	s18 =	sadd.s32 $0xC0, s18;
	[sflag:s17] =	ssyncadd.s32 $0xFFFFFF00  }
0x12b: {  	[tilespmem:s20], [sflag:$0x4] =	stream.indirect.gather [hbm4b:s1+s10], $0x80, s30, s10, $0xb8;
	[tilespmem:$0x1EA00] =	vst v63  }
.LBB2_9:
0x12c: {  	_ =	sfence.sel $0x180000  }
0x12d: {  	[bflag:$0x0] =	sbarrier.arrive $0xFFFF  }
0x12e: {  	_ =	strace $0x90000047  }
0x12f: {  	s0 =	stileid.u32;
	[bflag:$0x2] =	sbarrier.arrive $0xFFFF  }
0x130: {  	p0 =	sne.s32 s0, $0x0;
	s0 =	rddreg [dreg:$0x4]  }
0x131: {  	s0 =	sadd.s32 @!p0 $0x100000, s0  }
0x132: {  	[sflag:s0] =	ssyncadd.tile.s32 @!p0 $0x1;
	_ =	shalt  }
.Lfunc_end2:
_tile_overlayer_lowered:
.L_overlay_start_2:
0x133: {  	(tag) =	ssettag $0x2  }
0x134: {  	s0 =	rddreg [dreg:$0x0];
	s2 =	stileid.u32  }
0x135: {  	s1 =	rddreg [dreg:$0x1];
	p0 =	sne.s32 s2, $0x0  }
0x136: {  	s3 =	rddreg [dreg:$0x2];
	[bflag:$0x3] =	sbarrier.arrive $0xFFFF;
	s2 =	simm.s32 @!p0 $0x1C0E  }
0x137: {  	[timem:s3], [sflag:s2] =	dma.local @!p0 [hbm:s0], s1  }
0x138: {  	s0 =	simm.s32 @!p0 $0xE  }
0x139: {  	_ =	swait.ge @!p0 [sflag:s0], s1  }
0x13a: {  	s1 =	ssub.s32 @!p0 $0x0, s1;
	[sflag:s0] =	ssyncset.done @!p0 $0x0  }
0x13b: {  	[sflag:s0] =	ssyncadd.s32 @!p0 s1  }
0x13c: {  	[bflag:$0x3] =	sbarrier.arrive $0xFFFF  }
0x13d: {  	_ =	shalt  }

</sc_bundles>
